<compile_context>
chip_gen: v7x
topology: tpu7x:2x2x1
jax: 0.10.2.dev20260603
libtpu: 0.0.44.dev20260713+nightly
codegen_flags: <defaults>
</compile_context>

<pallas_src>
import functools

import jax
import jax.numpy as jnp
from jax import lax
from jax.experimental import pallas as pl
from jax.experimental.pallas import tpu as pltpu
from jax.experimental.pallas import tpu_sc as plsc

N_ATOMS = 1600000
B_SEG = 50000
NW = 32
SEG_W = 1568
B_PAD = NW * SEG_W
CH = 2048
GPC = CH // 16
AP2 = N_ATOMS // NW
CH2 = 2000
NCH2 = AP2 // CH2
SWIN = 2048
NSEGG = SEG_W // 16

_MESH = dict(core_axis_name="c", subcore_axis_name="s",
             num_cores=2, num_subcores=16)


def _k1_body(exr, eyr, ezr, batchr, zr, tr, sqr, massr, rhor, startsr,
             msout, densout,
             sm, sqt, mst, tq, scl, accx, accy, accz, accc, accm,
             idsv, zv, exv, eyv, ezv, rhov, msl, densl, sem):
    cc = lax.axis_index("c")
    ss = lax.axis_index("s")
    w = ss * 2 + cc
    blo = pl.multiple_of(w * SEG_W, 32)
    bhi = jnp.minimum(blo + SEG_W, B_SEG)

    pltpu.sync_copy(startsr, sm)
    pltpu.sync_copy(sqr, sqt)
    pltpu.sync_copy(massr, mst)
    pltpu.sync_copy(tr.at[pl.ds(blo, SEG_W)], tq)
    pltpu.sync_copy(rhor.at[pl.ds(pl.multiple_of(blo * 9, 32), SEG_W * 9)],
                    rhov)
    sv = sm[pl.ds(w, 16)]
    a0 = sv[0]
    a1 = sv[1]

    iota = lax.iota(jnp.int32, 16)
    zf = jnp.where(iota < 16, 0.0, 0.0).astype(jnp.float32)
    onef = zf + 1.0

    @plsc.parallel_loop(0, NSEGG, unroll=4)
    def seg_init(i):
        sl = pl.ds(i * 16, 16)
        tt = tq[sl]
        scl[sl] = plsc.load_gather(sqt, [tt])
        accx[sl] = zf
        accy[sl] = zf
        accz[sl] = zf
        accc[sl] = zf
        accm[sl] = zf
    dsl = pl.ds(SEG_W, 16)
    accx[dsl] = zf
    accy[dsl] = zf
    accz[dsl] = zf
    accc[dsl] = zf
    accm[dsl] = zf
    dsl2 = pl.ds(SEG_W + 16, 16)
    accx[dsl2] = zf
    accy[dsl2] = zf
    accz[dsl2] = zf
    accc[dsl2] = zf
    accm[dsl2] = zf

    abase = pl.multiple_of(jnp.bitwise_and(a0, jnp.int32(~15)), 16)
    nch = (a1 - abase + (CH - 1)) >> 11

    def chunk(k, _):
        gbase = abase + k * CH
        base = pl.multiple_of(jnp.minimum(gbase, N_ATOMS - CH), 16)
        off = gbase - base
        sl4 = pl.ds(base, CH)
        c1 = pltpu.async_copy(zr.at[sl4], zv, sem)
        c2 = pltpu.async_copy(exr.at[sl4], exv, sem)
        c3 = pltpu.async_copy(eyr.at[sl4], eyv, sem)
        c4 = pltpu.async_copy(ezr.at[sl4], ezv, sem)
        pltpu.sync_copy(batchr.at[sl4], idsv.at[pl.ds(0, CH)])
        c1.wait()
        c2.wait()
        c3.wait()
        c4.wait()

        def grp(j, _):
            p16 = j * 16
            sl = pl.ds(p16, 16)
            ids = idsv[sl]
            nids = idsv[pl.ds(p16 + 1, 16)]
            pos = p16 + iota
            owned = (ids >= blo) & (ids < bhi)
            nowned = (nids >= blo) & (nids < bhi)
            m = owned & (pos >= off)
            lidx = jnp.where(owned, ids - blo, iota + SEG_W)
            nlidx = jnp.where(nowned, nids - blo, iota + (SEG_W + 1))
            bo = (nids != ids) | (iota == 15)
            bo2 = (nids != ids) & (iota < 15)

            e0 = exv[sl]
            e1 = eyv[sl]
            e2 = ezv[sl]
            zq = zv[sl]
            mv = plsc.load_gather(mst, [zq])

            for acc, val in ((accx, e0), (accy, e1), (accz, e2),
                             (accc, onef), (accm, mv)):
                v = jnp.where(m, val, zf)
                cum = plsc.cumsum(v)
                plsc.addupdate_scatter(acc, [lidx], cum, mask=bo)
                plsc.addupdate_scatter(acc, [nlidx], -cum, mask=bo2)
            return 0

        lax.fori_loop(0, GPC, grp, 0)
        return 0

    lax.fori_loop(0, nch, chunk, 0)

    @plsc.parallel_loop(0, NSEGG, unroll=2)
    def fin(i):
        sl = pl.ds(i * 16, 16)
        si = i * 16 + iota
        cnt = accc[sl]
        inv = onef / jnp.maximum(cnt, onef)
        sc = scl[sl]
        fac = inv * sc
        plsc.store_scatter(msl, [si * 4], accx[sl] * fac)
        plsc.store_scatter(msl, [si * 4 + 1], accy[sl] * fac)
        plsc.store_scatter(msl, [si * 4 + 2], accz[sl] * fac)
        plsc.store_scatter(msl, [si * 4 + 3], sc)
        b9 = i * 144
        i9 = iota * 9 + b9
        r00 = plsc.load_gather(rhov, [i9])
        r01 = plsc.load_gather(rhov, [i9 + 1])
        r02 = plsc.load_gather(rhov, [i9 + 2])
        r10 = plsc.load_gather(rhov, [i9 + 3])
        r11 = plsc.load_gather(rhov, [i9 + 4])
        r12 = plsc.load_gather(rhov, [i9 + 5])
        r20 = plsc.load_gather(rhov, [i9 + 6])
        r21 = plsc.load_gather(rhov, [i9 + 7])
        r22 = plsc.load_gather(rhov, [i9 + 8])
        det = (r00 * (r11 * r22 - r12 * r21)
               - r01 * (r10 * r22 - r12 * r20)
               + r02 * (r10 * r21 - r11 * r20))
        densl[sl] = 1.66054 * accm[sl] / det

    pltpu.sync_copy(msl, msout.at[pl.ds(pl.multiple_of(blo * 4, 32), SEG_W * 4)])
    pltpu.sync_copy(densl, densout.at[pl.ds(blo, SEG_W)])


def _k2_body(exr, eyr, ezr, xxr, xyr, xzr, batchr, msr,
             oxr, oyr, ozr,
             idsv, exv, eyv, ezv, xxv, xyv, xzv, wrows, oxv, oyv, ozv, sem):
    cc = lax.axis_index("c")
    ss = lax.axis_index("s")
    w = ss * 2 + cc
    astart = pl.multiple_of(w * AP2, 16)

    iota = lax.iota(jnp.int32, 16)
    zf = jnp.where(iota < 16, 0.0, 0.0).astype(jnp.float32)
    onef = zf + 1.0

    def chunk(k, _):
        base = pl.multiple_of(astart + k * CH2, 16)
        sl4 = pl.ds(base, CH2)
        c1 = pltpu.async_copy(exr.at[sl4], exv, sem)
        c2 = pltpu.async_copy(eyr.at[sl4], eyv, sem)
        c3 = pltpu.async_copy(ezr.at[sl4], ezv, sem)
        c4 = pltpu.async_copy(xxr.at[sl4], xxv, sem)
        c5 = pltpu.async_copy(xyr.at[sl4], xyv, sem)
        c6 = pltpu.async_copy(xzr.at[sl4], xzv, sem)
        pltpu.sync_copy(batchr.at[sl4], idsv)
        id16 = idsv[pl.ds(0, 16)]
        s0 = id16[0]
        wstart = jnp.minimum(jnp.bitwise_and(s0, jnp.int32(~31)),
                             jnp.int32(B_PAD - SWIN))
        wstart = pl.multiple_of(wstart, 32)
        pltpu.sync_copy(msr.at[pl.ds(pl.multiple_of(wstart * 4, 128),
                                     SWIN * 4)], wrows)
        c1.wait()
        c2.wait()
        c3.wait()
        c4.wait()
        c5.wait()
        c6.wait()

        @plsc.parallel_loop(0, CH2 // 16, unroll=4)
        def grp(j):
            p16 = j * 16
            sl = pl.ds(p16, 16)
            loc = (idsv[sl] - wstart) * 4
            mx = plsc.load_gather(wrows, [loc])
            my = plsc.load_gather(wrows, [loc + 1])
            mz = plsc.load_gather(wrows, [loc + 2])
            sc = plsc.load_gather(wrows, [loc + 3])
            for ev, xv_, mc, ov in ((exv, xxv, mx, oxv),
                                    (eyv, xyv, my, oyv),
                                    (ezv, xzv, mz, ozv)):
                v = xv_[sl] + ev[sl] * sc - mc
                r = lax.rem(v, onef)
                r = jnp.where(r < zf, r + onef, r)
                ov[sl] = r
        pltpu.sync_copy(oxv, oxr.at[pl.ds(base, CH2)])
        pltpu.sync_copy(oyv, oyr.at[pl.ds(base, CH2)])
        pltpu.sync_copy(ozv, ozr.at[pl.ds(base, CH2)])
        return 0

    lax.fori_loop(0, NCH2, chunk, 0)


_KERNELS = []


def _build_kernels():
    if _KERNELS:
        return _KERNELS

    k1 = functools.partial(
        pl.kernel,
        out_type=(jax.ShapeDtypeStruct((B_PAD * 4,), jnp.float32),
                  jax.ShapeDtypeStruct((B_PAD,), jnp.float32)),
        mesh=plsc.VectorSubcoreMesh(**_MESH),
        compiler_params=pltpu.CompilerParams(needs_layout_passes=False,
                                             use_tc_tiling_on_sc=False),
        scratch_types=[
            pltpu.VMEM((64,), jnp.int32),
            pltpu.VMEM((128,), jnp.float32),
            pltpu.VMEM((128,), jnp.float32),
            pltpu.VMEM((SEG_W,), jnp.int32),
            pltpu.VMEM((SEG_W,), jnp.float32),
            pltpu.VMEM((SEG_W + 32,), jnp.float32),
            pltpu.VMEM((SEG_W + 32,), jnp.float32),
            pltpu.VMEM((SEG_W + 32,), jnp.float32),
            pltpu.VMEM((SEG_W + 32,), jnp.float32),
            pltpu.VMEM((SEG_W + 32,), jnp.float32),
            pltpu.VMEM((CH + 16,), jnp.int32),
            pltpu.VMEM((CH,), jnp.int32),
            pltpu.VMEM((CH,), jnp.float32),
            pltpu.VMEM((CH,), jnp.float32),
            pltpu.VMEM((CH,), jnp.float32),
            pltpu.VMEM((SEG_W * 9,), jnp.float32),
            pltpu.VMEM((SEG_W * 4,), jnp.float32),
            pltpu.VMEM((SEG_W,), jnp.float32),
            pltpu.SemaphoreType.DMA,
        ],
    )(_k1_body)

    k2 = functools.partial(
        pl.kernel,
        out_type=tuple(jax.ShapeDtypeStruct((N_ATOMS,), jnp.float32)
                       for _ in range(3)),
        mesh=plsc.VectorSubcoreMesh(**_MESH),
        compiler_params=pltpu.CompilerParams(needs_layout_passes=False,
                                             use_tc_tiling_on_sc=False),
        scratch_types=(
            [pltpu.VMEM((CH2,), jnp.int32)]
            + [pltpu.VMEM((CH2,), jnp.float32) for _ in range(6)]
            + [pltpu.VMEM((SWIN * 4,), jnp.float32)]
            + [pltpu.VMEM((CH2,), jnp.float32) for _ in range(3)]
            + [pltpu.SemaphoreType.DMA]
        ),
    )(_k2_body)

    _KERNELS.extend((k1, k2))
    return _KERNELS


def kernel(x, epsilon, rho, x_alphas_bar, atomic_masses, z, batch, t):
    k1, k2 = _build_kernels()
    x = x.astype(jnp.float32)
    epsilon = epsilon.astype(jnp.float32)
    batch32 = batch.astype(jnp.int32)
    z32 = z.astype(jnp.int32)
    t32 = t.astype(jnp.int32)

    sq = jnp.sqrt(1.0 - x_alphas_bar.astype(jnp.float32))
    sq_pad = jnp.pad(sq, (0, 128 - sq.shape[0]))
    mass_pad = jnp.pad(atomic_masses.astype(jnp.float32),
                       (0, 128 - atomic_masses.shape[0]))
    t_pad = jnp.pad(t32, (0, B_PAD - B_SEG))
    rho_pad = jnp.pad(rho.reshape(-1).astype(jnp.float32),
                      (0, (B_PAD - B_SEG) * 9))
    bounds = jnp.arange(NW + 1, dtype=jnp.int32) * SEG_W
    starts = jnp.searchsorted(batch32, bounds).astype(jnp.int32)
    starts_pad = jnp.pad(starts, (0, 64 - (NW + 1)))

    ex, ey, ez = epsilon[:, 0], epsilon[:, 1], epsilon[:, 2]
    xx, xy, xz = x[:, 0], x[:, 1], x[:, 2]

    ms_flat, dens_pad = k1(ex, ey, ez, batch32, z32, t_pad, sq_pad,
                           mass_pad, rho_pad, starts_pad)
    ox, oy, oz = k2(ex, ey, ez, xx, xy, xz, batch32, ms_flat)
    xt = jnp.stack([ox, oy, oz], axis=1)
    return xt, dens_pad[:B_SEG]

# --- scband reference (transcript-rebuilt; emitter-appended) ---
"""Pipeline reference for scband-gems-net-diffusion-45870250721906 (READ-ONLY COPY).

The authoritative reference and input builder live on the scoring server;
editing this copy changes nothing except your own understanding.
"""

import jax, jax.numpy as jnp
import numpy as np

B = 50000
N = 1600000
T = 100


def setup_inputs(seed: int = 0) -> dict:
    key = jax.random.key(seed)
    ks = jax.random.split(key, 8)
    x = jax.random.uniform(ks[0], (N, 3), dtype=jnp.float32)
    epsilon = jax.random.normal(ks[1], (N, 3), dtype=jnp.float32)
    rho = jax.random.normal(ks[2], (B, 3, 3), dtype=jnp.float32)
    z = jax.random.randint(ks[3], (N,), 0, 100)
    batch = jnp.sort(jax.random.randint(ks[4], (N,), 0, B))
    t = jax.random.randint(ks[5], (B,), 0, T)
    # learned/buffer parameters per init_kwargs
    x_betas = jnp.linspace(1e-06, 0.0002, T, dtype=jnp.float32)
    x_alphas_bar = jnp.cumprod(1.0 - x_betas)
    atomic_masses = jax.random.uniform(ks[6], (119,), minval=1.0, maxval=250.0, dtype=jnp.float32)
    return {"x": x, "epsilon": epsilon, "rho": rho, "x_alphas_bar": x_alphas_bar,
            "atomic_masses": atomic_masses, "z": z, "batch": batch, "t": t}


def reference(x, epsilon, rho, x_alphas_bar, atomic_masses, z, batch, t):
    # get_x_t: diffuse fractional coordinates with per-structure centered noise
    nseg = rho.shape[0]
    t_batch = t[batch]                                   # gather per-atom step
    scale = jnp.sqrt(1.0 - x_alphas_bar[t_batch])[:, None]
    traj = epsilon * scale
    seg_sum = jax.ops.segment_sum(traj, batch, num_segments=nseg)
    counts = jax.ops.segment_sum(jnp.ones((traj.shape[0], 1), traj.dtype), batch, num_segments=nseg)
    seg_mean = seg_sum / jnp.maximum(counts, 1.0)        # scatter_mean
    traj = traj - seg_mean[batch]
    x_t = (x + traj) % 1.0
    # get_density: scatter_add of atomic masses per structure
    masses = jax.ops.segment_sum(atomic_masses[z], batch, num_segments=nseg)
    density = 1.66054 * masses / jnp.linalg.det(rho)
    return x_t, density

if __name__ == "__main__":
    import jax
    _d = setup_inputs()
    print(jax.jit(kernel)(*tuple(_d.values())))

</pallas_src>

<mosaic_0001>
#map = affine_map<(d0, d1) -> (0)>
module attributes {stable_mosaic.version = 14 : i64} {
  func.func @_k1_body(%arg0: i32, %arg1: i32, %arg2: memref<1600000xf32, #tpu.memory_space<hbm>>, %arg3: memref<1600000xf32, #tpu.memory_space<hbm>>, %arg4: memref<1600000xf32, #tpu.memory_space<hbm>>, %arg5: memref<1600000xi32, #tpu.memory_space<hbm>>, %arg6: memref<1600000xi32, #tpu.memory_space<hbm>>, %arg7: memref<50176xi32, #tpu.memory_space<hbm>>, %arg8: memref<128xf32, #tpu.memory_space<hbm>>, %arg9: memref<128xf32, #tpu.memory_space<hbm>>, %arg10: memref<451584xf32, #tpu.memory_space<hbm>>, %arg11: memref<64xi32, #tpu.memory_space<hbm>>, %arg12: memref<200704xf32, #tpu.memory_space<hbm>>, %arg13: memref<50176xf32, #tpu.memory_space<hbm>>, %arg14: memref<64xi32, #tpu.memory_space<vmem>>, %arg15: memref<128xf32, #tpu.memory_space<vmem>>, %arg16: memref<128xf32, #tpu.memory_space<vmem>>, %arg17: memref<1568xi32, #tpu.memory_space<vmem>>, %arg18: memref<1568xf32, #tpu.memory_space<vmem>>, %arg19: memref<1600xf32, #tpu.memory_space<vmem>>, %arg20: memref<1600xf32, #tpu.memory_space<vmem>>, %arg21: memref<1600xf32, #tpu.memory_space<vmem>>, %arg22: memref<1600xf32, #tpu.memory_space<vmem>>, %arg23: memref<1600xf32, #tpu.memory_space<vmem>>, %arg24: memref<2064xi32, #tpu.memory_space<vmem>>, %arg25: memref<2048xi32, #tpu.memory_space<vmem>>, %arg26: memref<2048xf32, #tpu.memory_space<vmem>>, %arg27: memref<2048xf32, #tpu.memory_space<vmem>>, %arg28: memref<2048xf32, #tpu.memory_space<vmem>>, %arg29: memref<14112xf32, #tpu.memory_space<vmem>>, %arg30: memref<6272xf32, #tpu.memory_space<vmem>>, %arg31: memref<1568xf32, #tpu.memory_space<vmem>>, %arg32: memref<!tpu.dma_semaphore, #tpu.memory_space<semaphore_mem>>) attributes {dimension_semantics = [#tpu.dimension_semantics<core_parallel>, #tpu.dimension_semantics<subcore_parallel>], iteration_bounds = array<i64: 2, 16>, scalar_prefetch = 0 : i64, scratch_operands = 19 : i64, tpu.core_type = #tpu.core_type<sc_vector_subcore>, window_params = [{transform_indices = #map}, {transform_indices = #map}, {transform_indices = #map}, {transform_indices = #map}, {transform_indices = #map}, {transform_indices = #map}, {transform_indices = #map}, {transform_indices = #map}, {transform_indices = #map}, {transform_indices = #map}, {transform_indices = #map}, {transform_indices = #map}]} {
    %mul3A = arith.constant 2 : i32
    %mul3A_0 = arith.muli %arg1, %mul3A : i32
    %add3A = arith.addi %mul3A_0, %arg0 : i32
    %mul3A_1 = arith.constant 1568 : i32
    %mul3A_2 = arith.muli %add3A, %mul3A_1 : i32
    %multiple_of3A = tpu.assume_multiple %mul3A_2, 32 : i32
    %add3A_3 = arith.constant 1568 : i32
    %add3A_4 = arith.addi %multiple_of3A, %add3A_3 : i32
    %min3A = arith.constant 50000 : i32
    %min3A_5 = arith.minsi %add3A_4, %min3A : i32
    "tpu.region"() ({
      %run_scoped3A = tpu.sem_alloc : memref<!tpu.dma_semaphore, #tpu.memory_space<semaphore_mem>>
      tpu.enqueue_dma source(%arg11 : memref<64xi32, #tpu.memory_space<hbm>>) target(%arg14 : memref<64xi32, #tpu.memory_space<vmem>>) target_semaphore(%run_scoped3A : memref<!tpu.dma_semaphore, #tpu.memory_space<semaphore_mem>>)
      tpu.wait_dma2 semaphore(%run_scoped3A : memref<!tpu.dma_semaphore, #tpu.memory_space<semaphore_mem>>) src(%arg11 : memref<64xi32, #tpu.memory_space<hbm>>) dst(%arg14 : memref<64xi32, #tpu.memory_space<vmem>>)
      tpu.yield
    }) : () -> ()
    "tpu.region"() ({
      %run_scoped3A = tpu.sem_alloc : memref<!tpu.dma_semaphore, #tpu.memory_space<semaphore_mem>>
      tpu.enqueue_dma source(%arg8 : memref<128xf32, #tpu.memory_space<hbm>>) target(%arg15 : memref<128xf32, #tpu.memory_space<vmem>>) target_semaphore(%run_scoped3A : memref<!tpu.dma_semaphore, #tpu.memory_space<semaphore_mem>>)
      tpu.wait_dma2 semaphore(%run_scoped3A : memref<!tpu.dma_semaphore, #tpu.memory_space<semaphore_mem>>) src(%arg8 : memref<128xf32, #tpu.memory_space<hbm>>) dst(%arg15 : memref<128xf32, #tpu.memory_space<vmem>>)
      tpu.yield
    }) : () -> ()
    "tpu.region"() ({
      %run_scoped3A = tpu.sem_alloc : memref<!tpu.dma_semaphore, #tpu.memory_space<semaphore_mem>>
      tpu.enqueue_dma source(%arg9 : memref<128xf32, #tpu.memory_space<hbm>>) target(%arg16 : memref<128xf32, #tpu.memory_space<vmem>>) target_semaphore(%run_scoped3A : memref<!tpu.dma_semaphore, #tpu.memory_space<semaphore_mem>>)
      tpu.wait_dma2 semaphore(%run_scoped3A : memref<!tpu.dma_semaphore, #tpu.memory_space<semaphore_mem>>) src(%arg9 : memref<128xf32, #tpu.memory_space<hbm>>) dst(%arg16 : memref<128xf32, #tpu.memory_space<vmem>>)
      tpu.yield
    }) : () -> ()
    "tpu.region"() ({
      %run_scoped3A = tpu.sem_alloc : memref<!tpu.dma_semaphore, #tpu.memory_space<semaphore_mem>>
      %dma_start3A = tpu.memref_slice %arg7[%multiple_of3A] : memref<50176xi32, #tpu.memory_space<hbm>> -> memref<1568xi32, #tpu.memory_space<hbm>>
      %dma_start3A_62 = tpu.memref_slice %arg7[%multiple_of3A] : memref<50176xi32, #tpu.memory_space<hbm>> -> memref<1568xi32, #tpu.memory_space<hbm>>
      tpu.enqueue_dma source(%dma_start3A_62 : memref<1568xi32, #tpu.memory_space<hbm>>) target(%arg17 : memref<1568xi32, #tpu.memory_space<vmem>>) target_semaphore(%run_scoped3A : memref<!tpu.dma_semaphore, #tpu.memory_space<semaphore_mem>>)
      %dma_wait3A = tpu.memref_slice %arg7[%multiple_of3A] : memref<50176xi32, #tpu.memory_space<hbm>> -> memref<1568xi32, #tpu.memory_space<hbm>>
      %dma_wait3A_63 = tpu.memref_slice %arg7[%multiple_of3A] : memref<50176xi32, #tpu.memory_space<hbm>> -> memref<1568xi32, #tpu.memory_space<hbm>>
      tpu.wait_dma2 semaphore(%run_scoped3A : memref<!tpu.dma_semaphore, #tpu.memory_space<semaphore_mem>>) src(%dma_wait3A_63 : memref<1568xi32, #tpu.memory_space<hbm>>) dst(%arg17 : memref<1568xi32, #tpu.memory_space<vmem>>)
      tpu.yield
    }) : () -> ()
    %mul3A_6 = arith.constant 9 : i32
    %mul3A_7 = arith.muli %multiple_of3A, %mul3A_6 : i32
    %multiple_of3A_8 = tpu.assume_multiple %mul3A_7, 32 : i32
    "tpu.region"() ({
      %run_scoped3A = tpu.sem_alloc : memref<!tpu.dma_semaphore, #tpu.memory_space<semaphore_mem>>
      %dma_start3A = tpu.memref_slice %arg10[%multiple_of3A_8] : memref<451584xf32, #tpu.memory_space<hbm>> -> memref<14112xf32, #tpu.memory_space<hbm>>
      %dma_start3A_62 = tpu.memref_slice %arg10[%multiple_of3A_8] : memref<451584xf32, #tpu.memory_space<hbm>> -> memref<14112xf32, #tpu.memory_space<hbm>>
      tpu.enqueue_dma source(%dma_start3A_62 : memref<14112xf32, #tpu.memory_space<hbm>>) target(%arg29 : memref<14112xf32, #tpu.memory_space<vmem>>) target_semaphore(%run_scoped3A : memref<!tpu.dma_semaphore, #tpu.memory_space<semaphore_mem>>)
      %dma_wait3A = tpu.memref_slice %arg10[%multiple_of3A_8] : memref<451584xf32, #tpu.memory_space<hbm>> -> memref<14112xf32, #tpu.memory_space<hbm>>
      %dma_wait3A_63 = tpu.memref_slice %arg10[%multiple_of3A_8] : memref<451584xf32, #tpu.memory_space<hbm>> -> memref<14112xf32, #tpu.memory_space<hbm>>
      tpu.wait_dma2 semaphore(%run_scoped3A : memref<!tpu.dma_semaphore, #tpu.memory_space<semaphore_mem>>) src(%dma_wait3A_63 : memref<14112xf32, #tpu.memory_space<hbm>>) dst(%arg29 : memref<14112xf32, #tpu.memory_space<vmem>>)
      tpu.yield
    }) : () -> ()
    %get3A = arith.index_cast %add3A : i32 to index
    %get3A_9 = tpu.vector_load %arg14[%get3A] {strides = array<i32>} : memref<64xi32, #tpu.memory_space<vmem>>, vector<16xi32>,
    %slice3A = vector.extract_strided_slice %get3A_9 {offsets = [0], sizes = [1], strides = [1]} : vector<16xi32> to vector<1xi32>
    %squeeze3A = vector.extract %slice3A[0] : i32 from vector<1xi32>
    %slice3A_10 = vector.extract_strided_slice %get3A_9 {offsets = [1], sizes = [1], strides = [1]} : vector<16xi32> to vector<1xi32>
    %squeeze3A_11 = vector.extract %slice3A_10[0] : i32 from vector<1xi32>
    %iota3A = tpu.iota {dimensions = array<i32: 0>} : vector<16xi32>
    %lt3A = arith.constant 16 : i32
    %lt3A_12 = vector.broadcast %lt3A : i32 to vector<16xi32>
    %lt3A_13 = arith.cmpi slt, %iota3A, %lt3A_12 : vector<16xi32>
    %jit3A = arith.constant 0.000000e+00 : f32
    %jit3A_14 = arith.constant 0.000000e+00 : f32
    %broadcast_in_dim3A = vector.broadcast %jit3A : f32 to vector<16xf32>
    %broadcast_in_dim3A_15 = vector.broadcast %jit3A_14 : f32 to vector<16xf32>
    %select_n3A = arith.select %lt3A_13, %broadcast_in_dim3A, %broadcast_in_dim3A_15 : vector<16xi1>, vector<16xf32>
    %add3A_16 = arith.constant 1.000000e+00 : f32
    %add3A_17 = vector.broadcast %add3A_16 : f32 to vector<16xf32>
    %add3A_18 = arith.addf %select_n3A, %add3A_17 : vector<16xf32>
    %parallel_loop3A = arith.constant 0 : i32
    %parallel_loop3A_19 = arith.constant 98 : i32
    %parallel_loop3A_20 = arith.constant 1 : i32
    scf.for %parallel_loop3A_62 = %parallel_loop3A to %parallel_loop3A_19 step %parallel_loop3A_20  : i32 {
      %parallel_loop3A_63 = arith.constant 16 : i32
      %parallel_loop3A_64 = arith.muli %parallel_loop3A_62, %parallel_loop3A_63 : i32
      %parallel_loop3A_65 = arith.index_cast %parallel_loop3A_64 : i32 to index
      %parallel_loop3A_66 = tpu.vector_load %arg17[%parallel_loop3A_65] {strides = array<i32>} : memref<1568xi32, #tpu.memory_space<vmem>>, vector<16xi32>,
      %parallel_loop3A_67 = tpu.vector_load_idx %arg15[%parallel_loop3A_66] : memref<128xf32, #tpu.memory_space<vmem>>[vector<16xi32>], vector<16xf32>,
      %parallel_loop3A_68 = arith.index_cast %parallel_loop3A_64 : i32 to index
      %parallel_loop3A_69 = tpu.vector_load %arg18[%parallel_loop3A_68] {strides = array<i32>} : memref<1568xf32, #tpu.memory_space<vmem>>, vector<16xf32>,
      tpu.vector_store %arg18[%parallel_loop3A_68], %parallel_loop3A_67 {strides = array<i32>} : memref<1568xf32, #tpu.memory_space<vmem>>, vector<16xf32>,
      %parallel_loop3A_70 = arith.index_cast %parallel_loop3A_64 : i32 to index
      %parallel_loop3A_71 = tpu.vector_load %arg19[%parallel_loop3A_70] {strides = array<i32>} : memref<1600xf32, #tpu.memory_space<vmem>>, vector<16xf32>,
      tpu.vector_store %arg19[%parallel_loop3A_70], %select_n3A {strides = array<i32>} : memref<1600xf32, #tpu.memory_space<vmem>>, vector<16xf32>,
      %parallel_loop3A_72 = arith.index_cast %parallel_loop3A_64 : i32 to index
      %parallel_loop3A_73 = tpu.vector_load %arg20[%parallel_loop3A_72] {strides = array<i32>} : memref<1600xf32, #tpu.memory_space<vmem>>, vector<16xf32>,
      tpu.vector_store %arg20[%parallel_loop3A_72], %select_n3A {strides = array<i32>} : memref<1600xf32, #tpu.memory_space<vmem>>, vector<16xf32>,
      %parallel_loop3A_74 = arith.index_cast %parallel_loop3A_64 : i32 to index
      %parallel_loop3A_75 = tpu.vector_load %arg21[%parallel_loop3A_74] {strides = array<i32>} : memref<1600xf32, #tpu.memory_space<vmem>>, vector<16xf32>,
      tpu.vector_store %arg21[%parallel_loop3A_74], %select_n3A {strides = array<i32>} : memref<1600xf32, #tpu.memory_space<vmem>>, vector<16xf32>,
      %parallel_loop3A_76 = arith.index_cast %parallel_loop3A_64 : i32 to index
      %parallel_loop3A_77 = tpu.vector_load %arg22[%parallel_loop3A_76] {strides = array<i32>} : memref<1600xf32, #tpu.memory_space<vmem>>, vector<16xf32>,
      tpu.vector_store %arg22[%parallel_loop3A_76], %select_n3A {strides = array<i32>} : memref<1600xf32, #tpu.memory_space<vmem>>, vector<16xf32>,
      %parallel_loop3A_78 = arith.index_cast %parallel_loop3A_64 : i32 to index
      %parallel_loop3A_79 = tpu.vector_load %arg23[%parallel_loop3A_78] {strides = array<i32>} : memref<1600xf32, #tpu.memory_space<vmem>>, vector<16xf32>,
      tpu.vector_store %arg23[%parallel_loop3A_78], %select_n3A {strides = array<i32>} : memref<1600xf32, #tpu.memory_space<vmem>>, vector<16xf32>,
    } {sc.loop_unroll_factor = 4 : i64, sc.parallel_access}
    %swap3A = arith.constant 1568 : index
    %swap3A_21 = tpu.vector_load %arg19[%swap3A] {strides = array<i32>} : memref<1600xf32, #tpu.memory_space<vmem>>, vector<16xf32>,
    tpu.vector_store %arg19[%swap3A], %select_n3A {strides = array<i32>} : memref<1600xf32, #tpu.memory_space<vmem>>, vector<16xf32>,
    %swap3A_22 = arith.constant 1568 : index
    %swap3A_23 = tpu.vector_load %arg20[%swap3A_22] {strides = array<i32>} : memref<1600xf32, #tpu.memory_space<vmem>>, vector<16xf32>,
    tpu.vector_store %arg20[%swap3A_22], %select_n3A {strides = array<i32>} : memref<1600xf32, #tpu.memory_space<vmem>>, vector<16xf32>,
    %swap3A_24 = arith.constant 1568 : index
    %swap3A_25 = tpu.vector_load %arg21[%swap3A_24] {strides = array<i32>} : memref<1600xf32, #tpu.memory_space<vmem>>, vector<16xf32>,
    tpu.vector_store %arg21[%swap3A_24], %select_n3A {strides = array<i32>} : memref<1600xf32, #tpu.memory_space<vmem>>, vector<16xf32>,
    %swap3A_26 = arith.constant 1568 : index
    %swap3A_27 = tpu.vector_load %arg22[%swap3A_26] {strides = array<i32>} : memref<1600xf32, #tpu.memory_space<vmem>>, vector<16xf32>,
    tpu.vector_store %arg22[%swap3A_26], %select_n3A {strides = array<i32>} : memref<1600xf32, #tpu.memory_space<vmem>>, vector<16xf32>,
    %swap3A_28 = arith.constant 1568 : index
    %swap3A_29 = tpu.vector_load %arg23[%swap3A_28] {strides = array<i32>} : memref<1600xf32, #tpu.memory_space<vmem>>, vector<16xf32>,
    tpu.vector_store %arg23[%swap3A_28], %select_n3A {strides = array<i32>} : memref<1600xf32, #tpu.memory_space<vmem>>, vector<16xf32>,
    %swap3A_30 = arith.constant 1584 : index
    %swap3A_31 = tpu.vector_load %arg19[%swap3A_30] {strides = array<i32>} : memref<1600xf32, #tpu.memory_space<vmem>>, vector<16xf32>,
    tpu.vector_store %arg19[%swap3A_30], %select_n3A {strides = array<i32>} : memref<1600xf32, #tpu.memory_space<vmem>>, vector<16xf32>,
    %swap3A_32 = arith.constant 1584 : index
    %swap3A_33 = tpu.vector_load %arg20[%swap3A_32] {strides = array<i32>} : memref<1600xf32, #tpu.memory_space<vmem>>, vector<16xf32>,
    tpu.vector_store %arg20[%swap3A_32], %select_n3A {strides = array<i32>} : memref<1600xf32, #tpu.memory_space<vmem>>, vector<16xf32>,
    %swap3A_34 = arith.constant 1584 : index
    %swap3A_35 = tpu.vector_load %arg21[%swap3A_34] {strides = array<i32>} : memref<1600xf32, #tpu.memory_space<vmem>>, vector<16xf32>,
    tpu.vector_store %arg21[%swap3A_34], %select_n3A {strides = array<i32>} : memref<1600xf32, #tpu.memory_space<vmem>>, vector<16xf32>,
    %swap3A_36 = arith.constant 1584 : index
    %swap3A_37 = tpu.vector_load %arg22[%swap3A_36] {strides = array<i32>} : memref<1600xf32, #tpu.memory_space<vmem>>, vector<16xf32>,
    tpu.vector_store %arg22[%swap3A_36], %select_n3A {strides = array<i32>} : memref<1600xf32, #tpu.memory_space<vmem>>, vector<16xf32>,
    %swap3A_38 = arith.constant 1584 : index
    %swap3A_39 = tpu.vector_load %arg23[%swap3A_38] {strides = array<i32>} : memref<1600xf32, #tpu.memory_space<vmem>>, vector<16xf32>,
    tpu.vector_store %arg23[%swap3A_38], %select_n3A {strides = array<i32>} : memref<1600xf32, #tpu.memory_space<vmem>>, vector<16xf32>,
    %and3A = arith.constant -16 : i32
    %and3A_40 = arith.andi %squeeze3A, %and3A : i32
    %multiple_of3A_41 = tpu.assume_multiple %and3A_40, 16 : i32
    %sub3A = arith.subi %squeeze3A_11, %multiple_of3A_41 : i32
    %add3A_42 = arith.constant 2047 : i32
    %add3A_43 = arith.addi %sub3A, %add3A_42 : i32
    %shift_right_arithmetic3A = arith.constant 11 : i32
    %shift_right_arithmetic3A_44 = arith.shrsi %add3A_43, %shift_right_arithmetic3A : i32
    %while3A = arith.constant 0 : i32
    %while3A_45 = arith.constant 0 : i32
    %while3A_46 = arith.subi %shift_right_arithmetic3A_44, %while3A : i32
    %while3A_47 = arith.addi %while3A, %while3A_46 : i32
    %while3A_48 = arith.constant 1 : i32
    %while3A_49 = arith.divsi %while3A_46, %while3A_48 : i32
    %while3A_50 = arith.muli %while3A_49, %while3A_48 : i32
    %while3A_51 = arith.addi %while3A, %while3A_50 : i32
    %while3A_52 = arith.constant 1 : i32
    %while3A_53 = scf.for %while3A_62 = %while3A to %while3A_51 step %while3A_52 iter_args(%while3A_63 = %while3A_45) -> (i32)  : i32 {
      %mul3A_64 = arith.constant 2048 : i32
      %mul3A_65 = arith.muli %while3A_62, %mul3A_64 : i32
      %add3A_66 = arith.addi %multiple_of3A_41, %mul3A_65 : i32
      %min3A_67 = arith.constant 1597952 : i32
      %min3A_68 = arith.minsi %add3A_66, %min3A_67 : i32
      %multiple_of3A_69 = tpu.assume_multiple %min3A_68, 16 : i32
      %sub3A_70 = arith.subi %add3A_66, %multiple_of3A_69 : i32
      %dma_start3A = tpu.memref_slice %arg6[%multiple_of3A_69] : memref<1600000xi32, #tpu.memory_space<hbm>> -> memref<2048xi32, #tpu.memory_space<hbm>>
      %dma_start3A_71 = tpu.memref_slice %arg6[%multiple_of3A_69] : memref<1600000xi32, #tpu.memory_space<hbm>> -> memref<2048xi32, #tpu.memory_space<hbm>>
      tpu.enqueue_dma source(%dma_start3A_71 : memref<2048xi32, #tpu.memory_space<hbm>>) target(%arg25 : memref<2048xi32, #tpu.memory_space<vmem>>) target_semaphore(%arg32 : memref<!tpu.dma_semaphore, #tpu.memory_space<semaphore_mem>>)
      %dma_start3A_72 = tpu.memref_slice %arg2[%multiple_of3A_69] : memref<1600000xf32, #tpu.memory_space<hbm>> -> memref<2048xf32, #tpu.memory_space<hbm>>
      %dma_start3A_73 = tpu.memref_slice %arg2[%multiple_of3A_69] : memref<1600000xf32, #tpu.memory_space<hbm>> -> memref<2048xf32, #tpu.memory_space<hbm>>
      tpu.enqueue_dma source(%dma_start3A_73 : memref<2048xf32, #tpu.memory_space<hbm>>) target(%arg26 : memref<2048xf32, #tpu.memory_space<vmem>>) target_semaphore(%arg32 : memref<!tpu.dma_semaphore, #tpu.memory_space<semaphore_mem>>)
      %dma_start3A_74 = tpu.memref_slice %arg3[%multiple_of3A_69] : memref<1600000xf32, #tpu.memory_space<hbm>> -> memref<2048xf32, #tpu.memory_space<hbm>>
      %dma_start3A_75 = tpu.memref_slice %arg3[%multiple_of3A_69] : memref<1600000xf32, #tpu.memory_space<hbm>> -> memref<2048xf32, #tpu.memory_space<hbm>>
      tpu.enqueue_dma source(%dma_start3A_75 : memref<2048xf32, #tpu.memory_space<hbm>>) target(%arg27 : memref<2048xf32, #tpu.memory_space<vmem>>) target_semaphore(%arg32 : memref<!tpu.dma_semaphore, #tpu.memory_space<semaphore_mem>>)
      %dma_start3A_76 = tpu.memref_slice %arg4[%multiple_of3A_69] : memref<1600000xf32, #tpu.memory_space<hbm>> -> memref<2048xf32, #tpu.memory_space<hbm>>
      %dma_start3A_77 = tpu.memref_slice %arg4[%multiple_of3A_69] : memref<1600000xf32, #tpu.memory_space<hbm>> -> memref<2048xf32, #tpu.memory_space<hbm>>
      tpu.enqueue_dma source(%dma_start3A_77 : memref<2048xf32, #tpu.memory_space<hbm>>) target(%arg28 : memref<2048xf32, #tpu.memory_space<vmem>>) target_semaphore(%arg32 : memref<!tpu.dma_semaphore, #tpu.memory_space<semaphore_mem>>)
      "tpu.region"() ({
        %run_scoped3A = tpu.sem_alloc : memref<!tpu.dma_semaphore, #tpu.memory_space<semaphore_mem>>
        %dma_start3A_92 = arith.constant 0 : i32
        %dma_start3A_93 = tpu.memref_slice %arg24[%dma_start3A_92] : memref<2064xi32, #tpu.memory_space<vmem>> -> memref<2048xi32, #tpu.memory_space<vmem>>
        %dma_start3A_94 = tpu.memref_slice %arg5[%multiple_of3A_69] : memref<1600000xi32, #tpu.memory_space<hbm>> -> memref<2048xi32, #tpu.memory_space<hbm>>
        %dma_start3A_95 = arith.constant 0 : i32
        %dma_start3A_96 = tpu.memref_slice %arg24[%dma_start3A_95] : memref<2064xi32, #tpu.memory_space<vmem>> -> memref<2048xi32, #tpu.memory_space<vmem>>
        %dma_start3A_97 = tpu.memref_slice %arg5[%multiple_of3A_69] : memref<1600000xi32, #tpu.memory_space<hbm>> -> memref<2048xi32, #tpu.memory_space<hbm>>
        tpu.enqueue_dma source(%dma_start3A_97 : memref<2048xi32, #tpu.memory_space<hbm>>) target(%dma_start3A_96 : memref<2048xi32, #tpu.memory_space<vmem>>) target_semaphore(%run_scoped3A : memref<!tpu.dma_semaphore, #tpu.memory_space<semaphore_mem>>)
        %dma_wait3A_98 = arith.constant 0 : i32
        %dma_wait3A_99 = tpu.memref_slice %arg24[%dma_wait3A_98] : memref<2064xi32, #tpu.memory_space<vmem>> -> memref<2048xi32, #tpu.memory_space<vmem>>
        %dma_wait3A_100 = tpu.memref_slice %arg5[%multiple_of3A_69] : memref<1600000xi32, #tpu.memory_space<hbm>> -> memref<2048xi32, #tpu.memory_space<hbm>>
        %dma_wait3A_101 = arith.constant 0 : i32
        %dma_wait3A_102 = tpu.memref_slice %arg24[%dma_wait3A_101] : memref<2064xi32, #tpu.memory_space<vmem>> -> memref<2048xi32, #tpu.memory_space<vmem>>
        %dma_wait3A_103 = tpu.memref_slice %arg5[%multiple_of3A_69] : memref<1600000xi32, #tpu.memory_space<hbm>> -> memref<2048xi32, #tpu.memory_space<hbm>>
        tpu.wait_dma2 semaphore(%run_scoped3A : memref<!tpu.dma_semaphore, #tpu.memory_space<semaphore_mem>>) src(%dma_wait3A_103 : memref<2048xi32, #tpu.memory_space<hbm>>) dst(%dma_wait3A_102 : memref<2048xi32, #tpu.memory_space<vmem>>)
        tpu.yield
      }) : () -> ()
      %dma_wait3A = tpu.memref_slice %arg6[%multiple_of3A_69] : memref<1600000xi32, #tpu.memory_space<hbm>> -> memref<2048xi32, #tpu.memory_space<hbm>>
      %dma_wait3A_78 = tpu.memref_slice %arg6[%multiple_of3A_69] : memref<1600000xi32, #tpu.memory_space<hbm>> -> memref<2048xi32, #tpu.memory_space<hbm>>
      tpu.wait_dma2 semaphore(%arg32 : memref<!tpu.dma_semaphore, #tpu.memory_space<semaphore_mem>>) src(%dma_wait3A_78 : memref<2048xi32, #tpu.memory_space<hbm>>) dst(%arg25 : memref<2048xi32, #tpu.memory_space<vmem>>)
      %dma_wait3A_79 = tpu.memref_slice %arg2[%multiple_of3A_69] : memref<1600000xf32, #tpu.memory_space<hbm>> -> memref<2048xf32, #tpu.memory_space<hbm>>
      %dma_wait3A_80 = tpu.memref_slice %arg2[%multiple_of3A_69] : memref<1600000xf32, #tpu.memory_space<hbm>> -> memref<2048xf32, #tpu.memory_space<hbm>>
      tpu.wait_dma2 semaphore(%arg32 : memref<!tpu.dma_semaphore, #tpu.memory_space<semaphore_mem>>) src(%dma_wait3A_80 : memref<2048xf32, #tpu.memory_space<hbm>>) dst(%arg26 : memref<2048xf32, #tpu.memory_space<vmem>>)
      %dma_wait3A_81 = tpu.memref_slice %arg3[%multiple_of3A_69] : memref<1600000xf32, #tpu.memory_space<hbm>> -> memref<2048xf32, #tpu.memory_space<hbm>>
      %dma_wait3A_82 = tpu.memref_slice %arg3[%multiple_of3A_69] : memref<1600000xf32, #tpu.memory_space<hbm>> -> memref<2048xf32, #tpu.memory_space<hbm>>
      tpu.wait_dma2 semaphore(%arg32 : memref<!tpu.dma_semaphore, #tpu.memory_space<semaphore_mem>>) src(%dma_wait3A_82 : memref<2048xf32, #tpu.memory_space<hbm>>) dst(%arg27 : memref<2048xf32, #tpu.memory_space<vmem>>)
      %dma_wait3A_83 = tpu.memref_slice %arg4[%multiple_of3A_69] : memref<1600000xf32, #tpu.memory_space<hbm>> -> memref<2048xf32, #tpu.memory_space<hbm>>
      %dma_wait3A_84 = tpu.memref_slice %arg4[%multiple_of3A_69] : memref<1600000xf32, #tpu.memory_space<hbm>> -> memref<2048xf32, #tpu.memory_space<hbm>>
      tpu.wait_dma2 semaphore(%arg32 : memref<!tpu.dma_semaphore, #tpu.memory_space<semaphore_mem>>) src(%dma_wait3A_84 : memref<2048xf32, #tpu.memory_space<hbm>>) dst(%arg28 : memref<2048xf32, #tpu.memory_space<vmem>>)
      %scan3A = arith.constant 0 : i32
      %scan3A_85 = arith.constant 0 : i32
      %scan3A_86 = arith.constant 128 : i32
      %scan3A_87 = arith.addi %scan3A_85, %scan3A_86 : i32
      %scan3A_88 = arith.constant 1 : i32
      %scan3A_89 = scf.for %scan3A_92 = %scan3A_85 to %scan3A_87 step %scan3A_88 iter_args(%scan3A_93 = %scan3A) -> (i32)  : i32 {
        %mul3A_94 = arith.constant 16 : i32
        %mul3A_95 = arith.muli %scan3A_92, %mul3A_94 : i32
        %get3A_96 = arith.index_cast %mul3A_95 : i32 to index
        %get3A_97 = tpu.vector_load %arg24[%get3A_96] {strides = array<i32>} : memref<2064xi32, #tpu.memory_space<vmem>>, vector<16xi32>,
        %add3A_98 = arith.constant 1 : i32
        %add3A_99 = arith.addi %mul3A_95, %add3A_98 : i32
        %get3A_100 = arith.index_cast %add3A_99 : i32 to index
        %get3A_101 = tpu.vector_load %arg24[%get3A_100] {strides = array<i32>} : memref<2064xi32, #tpu.memory_space<vmem>>, vector<16xi32>,
        %add3A_102 = vector.broadcast %mul3A_95 : i32 to vector<16xi32>
        %add3A_103 = arith.addi %add3A_102, %iota3A : vector<16xi32>
        %ge3A = vector.broadcast %multiple_of3A : i32 to vector<16xi32>
        %ge3A_104 = arith.cmpi sge, %get3A_97, %ge3A : vector<16xi32>
        %lt3A_105 = vector.broadcast %min3A_5 : i32 to vector<16xi32>
        %lt3A_106 = arith.cmpi slt, %get3A_97, %lt3A_105 : vector<16xi32>
        %and3A_107 = arith.andi %ge3A_104, %lt3A_106 : vector<16xi1>
        %ge3A_108 = vector.broadcast %multiple_of3A : i32 to vector<16xi32>
        %ge3A_109 = arith.cmpi sge, %get3A_101, %ge3A_108 : vector<16xi32>
        %lt3A_110 = vector.broadcast %min3A_5 : i32 to vector<16xi32>
        %lt3A_111 = arith.cmpi slt, %get3A_101, %lt3A_110 : vector<16xi32>
        %and3A_112 = arith.andi %ge3A_109, %lt3A_111 : vector<16xi1>
        %ge3A_113 = vector.broadcast %sub3A_70 : i32 to vector<16xi32>
        %ge3A_114 = arith.cmpi sge, %add3A_103, %ge3A_113 : vector<16xi32>
        %and3A_115 = arith.andi %and3A_107, %ge3A_114 : vector<16xi1>
        %sub3A_116 = vector.broadcast %multiple_of3A : i32 to vector<16xi32>
        %sub3A_117 = arith.subi %get3A_97, %sub3A_116 : vector<16xi32>
        %add3A_118 = arith.constant 1568 : i32
        %add3A_119 = vector.broadcast %add3A_118 : i32 to vector<16xi32>
        %add3A_120 = arith.addi %iota3A, %add3A_119 : vector<16xi32>
        %select_n3A_121 = arith.select %and3A_107, %sub3A_117, %add3A_120 : vector<16xi1>, vector<16xi32>
        %sub3A_122 = vector.broadcast %multiple_of3A : i32 to vector<16xi32>
        %sub3A_123 = arith.subi %get3A_101, %sub3A_122 : vector<16xi32>
        %add3A_124 = arith.constant 1569 : i32
        %add3A_125 = vector.broadcast %add3A_124 : i32 to vector<16xi32>
        %add3A_126 = arith.addi %iota3A, %add3A_125 : vector<16xi32>
        %select_n3A_127 = arith.select %and3A_112, %sub3A_123, %add3A_126 : vector<16xi1>, vector<16xi32>
        %ne3A = arith.cmpi ne, %get3A_101, %get3A_97 : vector<16xi32>
        %eq3A = arith.constant 15 : i32
        %eq3A_128 = vector.broadcast %eq3A : i32 to vector<16xi32>
        %eq3A_129 = arith.cmpi eq, %iota3A, %eq3A_128 : vector<16xi32>
        %or3A = arith.ori %ne3A, %eq3A_129 : vector<16xi1>
        %ne3A_130 = arith.cmpi ne, %get3A_101, %get3A_97 : vector<16xi32>
        %lt3A_131 = arith.constant 15 : i32
        %lt3A_132 = vector.broadcast %lt3A_131 : i32 to vector<16xi32>
        %lt3A_133 = arith.cmpi slt, %iota3A, %lt3A_132 : vector<16xi32>
        %and3A_134 = arith.andi %ne3A_130, %lt3A_133 : vector<16xi1>
        %get3A_135 = arith.index_cast %mul3A_95 : i32 to index
        %get3A_136 = tpu.vector_load %arg26[%get3A_135] {strides = array<i32>} : memref<2048xf32, #tpu.memory_space<vmem>>, vector<16xf32>,
        %get3A_137 = arith.index_cast %mul3A_95 : i32 to index
        %get3A_138 = tpu.vector_load %arg27[%get3A_137] {strides = array<i32>} : memref<2048xf32, #tpu.memory_space<vmem>>, vector<16xf32>,
        %get3A_139 = arith.index_cast %mul3A_95 : i32 to index
        %get3A_140 = tpu.vector_load %arg28[%get3A_139] {strides = array<i32>} : memref<2048xf32, #tpu.memory_space<vmem>>, vector<16xf32>,
        %get3A_141 = arith.index_cast %mul3A_95 : i32 to index
        %get3A_142 = tpu.vector_load %arg25[%get3A_141] {strides = array<i32>} : memref<2048xi32, #tpu.memory_space<vmem>>, vector<16xi32>,
        %gather3A = tpu.vector_load_idx %arg16[%get3A_142] : memref<128xf32, #tpu.memory_space<vmem>>[vector<16xi32>], vector<16xf32>,
        %select_n3A_143 = arith.select %and3A_115, %get3A_136, %select_n3A : vector<16xi1>, vector<16xf32>
        %broadcast_in_dim3A_144 = arith.constant true
        %broadcast_in_dim3A_145 = vector.broadcast %broadcast_in_dim3A_144 : i1 to vector<16xi1>
        %masked_cumsum3A = tpu.scan <sum>, %select_n3A_143 masked %broadcast_in_dim3A_145 : vector<16xf32>, vector<16xi1> -> vector<16xf32>
        tpu.vector_store_idx %arg19[%select_n3A_121], %masked_cumsum3A masked %or3A {add = true} : memref<1600xf32, #tpu.memory_space<vmem>>[vector<16xi32>], vector<16xf32>, vector<16xi1>
        %neg3A = arith.constant 0.000000e+00 : f32
        %neg3A_146 = vector.broadcast %neg3A : f32 to vector<16xf32>
        %neg3A_147 = arith.subf %neg3A_146, %masked_cumsum3A : vector<16xf32>
        tpu.vector_store_idx %arg19[%select_n3A_127], %neg3A_147 masked %and3A_134 {add = true} : memref<1600xf32, #tpu.memory_space<vmem>>[vector<16xi32>], vector<16xf32>, vector<16xi1>
        %select_n3A_148 = arith.select %and3A_115, %get3A_138, %select_n3A : vector<16xi1>, vector<16xf32>
        %broadcast_in_dim3A_149 = arith.constant true
        %broadcast_in_dim3A_150 = vector.broadcast %broadcast_in_dim3A_149 : i1 to vector<16xi1>
        %masked_cumsum3A_151 = tpu.scan <sum>, %select_n3A_148 masked %broadcast_in_dim3A_150 : vector<16xf32>, vector<16xi1> -> vector<16xf32>
        tpu.vector_store_idx %arg20[%select_n3A_121], %masked_cumsum3A_151 masked %or3A {add = true} : memref<1600xf32, #tpu.memory_space<vmem>>[vector<16xi32>], vector<16xf32>, vector<16xi1>
        %neg3A_152 = arith.constant 0.000000e+00 : f32
        %neg3A_153 = vector.broadcast %neg3A_152 : f32 to vector<16xf32>
        %neg3A_154 = arith.subf %neg3A_153, %masked_cumsum3A_151 : vector<16xf32>
        tpu.vector_store_idx %arg20[%select_n3A_127], %neg3A_154 masked %and3A_134 {add = true} : memref<1600xf32, #tpu.memory_space<vmem>>[vector<16xi32>], vector<16xf32>, vector<16xi1>
        %select_n3A_155 = arith.select %and3A_115, %get3A_140, %select_n3A : vector<16xi1>, vector<16xf32>
        %broadcast_in_dim3A_156 = arith.constant true
        %broadcast_in_dim3A_157 = vector.broadcast %broadcast_in_dim3A_156 : i1 to vector<16xi1>
        %masked_cumsum3A_158 = tpu.scan <sum>, %select_n3A_155 masked %broadcast_in_dim3A_157 : vector<16xf32>, vector<16xi1> -> vector<16xf32>
        tpu.vector_store_idx %arg21[%select_n3A_121], %masked_cumsum3A_158 masked %or3A {add = true} : memref<1600xf32, #tpu.memory_space<vmem>>[vector<16xi32>], vector<16xf32>, vector<16xi1>
        %neg3A_159 = arith.constant 0.000000e+00 : f32
        %neg3A_160 = vector.broadcast %neg3A_159 : f32 to vector<16xf32>
        %neg3A_161 = arith.subf %neg3A_160, %masked_cumsum3A_158 : vector<16xf32>
        tpu.vector_store_idx %arg21[%select_n3A_127], %neg3A_161 masked %and3A_134 {add = true} : memref<1600xf32, #tpu.memory_space<vmem>>[vector<16xi32>], vector<16xf32>, vector<16xi1>
        %select_n3A_162 = arith.select %and3A_115, %add3A_18, %select_n3A : vector<16xi1>, vector<16xf32>
        %broadcast_in_dim3A_163 = arith.constant true
        %broadcast_in_dim3A_164 = vector.broadcast %broadcast_in_dim3A_163 : i1 to vector<16xi1>
        %masked_cumsum3A_165 = tpu.scan <sum>, %select_n3A_162 masked %broadcast_in_dim3A_164 : vector<16xf32>, vector<16xi1> -> vector<16xf32>
        tpu.vector_store_idx %arg22[%select_n3A_121], %masked_cumsum3A_165 masked %or3A {add = true} : memref<1600xf32, #tpu.memory_space<vmem>>[vector<16xi32>], vector<16xf32>, vector<16xi1>
        %neg3A_166 = arith.constant 0.000000e+00 : f32
        %neg3A_167 = vector.broadcast %neg3A_166 : f32 to vector<16xf32>
        %neg3A_168 = arith.subf %neg3A_167, %masked_cumsum3A_165 : vector<16xf32>
        tpu.vector_store_idx %arg22[%select_n3A_127], %neg3A_168 masked %and3A_134 {add = true} : memref<1600xf32, #tpu.memory_space<vmem>>[vector<16xi32>], vector<16xf32>, vector<16xi1>
        %select_n3A_169 = arith.select %and3A_115, %gather3A, %select_n3A : vector<16xi1>, vector<16xf32>
        %broadcast_in_dim3A_170 = arith.constant true
        %broadcast_in_dim3A_171 = vector.broadcast %broadcast_in_dim3A_170 : i1 to vector<16xi1>
        %masked_cumsum3A_172 = tpu.scan <sum>, %select_n3A_169 masked %broadcast_in_dim3A_171 : vector<16xf32>, vector<16xi1> -> vector<16xf32>
        tpu.vector_store_idx %arg23[%select_n3A_121], %masked_cumsum3A_172 masked %or3A {add = true} : memref<1600xf32, #tpu.memory_space<vmem>>[vector<16xi32>], vector<16xf32>, vector<16xi1>
        %neg3A_173 = arith.constant 0.000000e+00 : f32
        %neg3A_174 = vector.broadcast %neg3A_173 : f32 to vector<16xf32>
        %neg3A_175 = arith.subf %neg3A_174, %masked_cumsum3A_172 : vector<16xf32>
        tpu.vector_store_idx %arg23[%select_n3A_127], %neg3A_175 masked %and3A_134 {add = true} : memref<1600xf32, #tpu.memory_space<vmem>>[vector<16xi32>], vector<16xf32>, vector<16xi1>
        %scan3A_176 = arith.constant 0 : i32
        scf.yield %scan3A_176 : i32
      }
      %scan3A_90 = arith.constant 128 : i32
      %while3A_91 = arith.constant 0 : i32
      scf.yield %while3A_91 : i32
    }
    %while3A_54 = arith.constant 1 : i32
    %while3A_55 = scf.for %while3A_62 = %while3A_51 to %while3A_47 step %while3A_54 iter_args(%while3A_63 = %while3A_53) -> (i32)  : i32 {
      %mul3A_64 = arith.constant 2048 : i32
      %mul3A_65 = arith.muli %while3A_62, %mul3A_64 : i32
      %add3A_66 = arith.addi %multiple_of3A_41, %mul3A_65 : i32
      %min3A_67 = arith.constant 1597952 : i32
      %min3A_68 = arith.minsi %add3A_66, %min3A_67 : i32
      %multiple_of3A_69 = tpu.assume_multiple %min3A_68, 16 : i32
      %sub3A_70 = arith.subi %add3A_66, %multiple_of3A_69 : i32
      %dma_start3A = tpu.memref_slice %arg6[%multiple_of3A_69] : memref<1600000xi32, #tpu.memory_space<hbm>> -> memref<2048xi32, #tpu.memory_space<hbm>>
      %dma_start3A_71 = tpu.memref_slice %arg6[%multiple_of3A_69] : memref<1600000xi32, #tpu.memory_space<hbm>> -> memref<2048xi32, #tpu.memory_space<hbm>>
      tpu.enqueue_dma source(%dma_start3A_71 : memref<2048xi32, #tpu.memory_space<hbm>>) target(%arg25 : memref<2048xi32, #tpu.memory_space<vmem>>) target_semaphore(%arg32 : memref<!tpu.dma_semaphore, #tpu.memory_space<semaphore_mem>>)
      %dma_start3A_72 = tpu.memref_slice %arg2[%multiple_of3A_69] : memref<1600000xf32, #tpu.memory_space<hbm>> -> memref<2048xf32, #tpu.memory_space<hbm>>
      %dma_start3A_73 = tpu.memref_slice %arg2[%multiple_of3A_69] : memref<1600000xf32, #tpu.memory_space<hbm>> -> memref<2048xf32, #tpu.memory_space<hbm>>
      tpu.enqueue_dma source(%dma_start3A_73 : memref<2048xf32, #tpu.memory_space<hbm>>) target(%arg26 : memref<2048xf32, #tpu.memory_space<vmem>>) target_semaphore(%arg32 : memref<!tpu.dma_semaphore, #tpu.memory_space<semaphore_mem>>)
      %dma_start3A_74 = tpu.memref_slice %arg3[%multiple_of3A_69] : memref<1600000xf32, #tpu.memory_space<hbm>> -> memref<2048xf32, #tpu.memory_space<hbm>>
      %dma_start3A_75 = tpu.memref_slice %arg3[%multiple_of3A_69] : memref<1600000xf32, #tpu.memory_space<hbm>> -> memref<2048xf32, #tpu.memory_space<hbm>>
      tpu.enqueue_dma source(%dma_start3A_75 : memref<2048xf32, #tpu.memory_space<hbm>>) target(%arg27 : memref<2048xf32, #tpu.memory_space<vmem>>) target_semaphore(%arg32 : memref<!tpu.dma_semaphore, #tpu.memory_space<semaphore_mem>>)
      %dma_start3A_76 = tpu.memref_slice %arg4[%multiple_of3A_69] : memref<1600000xf32, #tpu.memory_space<hbm>> -> memref<2048xf32, #tpu.memory_space<hbm>>
      %dma_start3A_77 = tpu.memref_slice %arg4[%multiple_of3A_69] : memref<1600000xf32, #tpu.memory_space<hbm>> -> memref<2048xf32, #tpu.memory_space<hbm>>
      tpu.enqueue_dma source(%dma_start3A_77 : memref<2048xf32, #tpu.memory_space<hbm>>) target(%arg28 : memref<2048xf32, #tpu.memory_space<vmem>>) target_semaphore(%arg32 : memref<!tpu.dma_semaphore, #tpu.memory_space<semaphore_mem>>)
      "tpu.region"() ({
        %run_scoped3A = tpu.sem_alloc : memref<!tpu.dma_semaphore, #tpu.memory_space<semaphore_mem>>
        %dma_start3A_92 = arith.constant 0 : i32
        %dma_start3A_93 = tpu.memref_slice %arg24[%dma_start3A_92] : memref<2064xi32, #tpu.memory_space<vmem>> -> memref<2048xi32, #tpu.memory_space<vmem>>
        %dma_start3A_94 = tpu.memref_slice %arg5[%multiple_of3A_69] : memref<1600000xi32, #tpu.memory_space<hbm>> -> memref<2048xi32, #tpu.memory_space<hbm>>
        %dma_start3A_95 = arith.constant 0 : i32
        %dma_start3A_96 = tpu.memref_slice %arg24[%dma_start3A_95] : memref<2064xi32, #tpu.memory_space<vmem>> -> memref<2048xi32, #tpu.memory_space<vmem>>
        %dma_start3A_97 = tpu.memref_slice %arg5[%multiple_of3A_69] : memref<1600000xi32, #tpu.memory_space<hbm>> -> memref<2048xi32, #tpu.memory_space<hbm>>
        tpu.enqueue_dma source(%dma_start3A_97 : memref<2048xi32, #tpu.memory_space<hbm>>) target(%dma_start3A_96 : memref<2048xi32, #tpu.memory_space<vmem>>) target_semaphore(%run_scoped3A : memref<!tpu.dma_semaphore, #tpu.memory_space<semaphore_mem>>)
        %dma_wait3A_98 = arith.constant 0 : i32
        %dma_wait3A_99 = tpu.memref_slice %arg24[%dma_wait3A_98] : memref<2064xi32, #tpu.memory_space<vmem>> -> memref<2048xi32, #tpu.memory_space<vmem>>
        %dma_wait3A_100 = tpu.memref_slice %arg5[%multiple_of3A_69] : memref<1600000xi32, #tpu.memory_space<hbm>> -> memref<2048xi32, #tpu.memory_space<hbm>>
        %dma_wait3A_101 = arith.constant 0 : i32
        %dma_wait3A_102 = tpu.memref_slice %arg24[%dma_wait3A_101] : memref<2064xi32, #tpu.memory_space<vmem>> -> memref<2048xi32, #tpu.memory_space<vmem>>
        %dma_wait3A_103 = tpu.memref_slice %arg5[%multiple_of3A_69] : memref<1600000xi32, #tpu.memory_space<hbm>> -> memref<2048xi32, #tpu.memory_space<hbm>>
        tpu.wait_dma2 semaphore(%run_scoped3A : memref<!tpu.dma_semaphore, #tpu.memory_space<semaphore_mem>>) src(%dma_wait3A_103 : memref<2048xi32, #tpu.memory_space<hbm>>) dst(%dma_wait3A_102 : memref<2048xi32, #tpu.memory_space<vmem>>)
        tpu.yield
      }) : () -> ()
      %dma_wait3A = tpu.memref_slice %arg6[%multiple_of3A_69] : memref<1600000xi32, #tpu.memory_space<hbm>> -> memref<2048xi32, #tpu.memory_space<hbm>>
      %dma_wait3A_78 = tpu.memref_slice %arg6[%multiple_of3A_69] : memref<1600000xi32, #tpu.memory_space<hbm>> -> memref<2048xi32, #tpu.memory_space<hbm>>
      tpu.wait_dma2 semaphore(%arg32 : memref<!tpu.dma_semaphore, #tpu.memory_space<semaphore_mem>>) src(%dma_wait3A_78 : memref<2048xi32, #tpu.memory_space<hbm>>) dst(%arg25 : memref<2048xi32, #tpu.memory_space<vmem>>)
      %dma_wait3A_79 = tpu.memref_slice %arg2[%multiple_of3A_69] : memref<1600000xf32, #tpu.memory_space<hbm>> -> memref<2048xf32, #tpu.memory_space<hbm>>
      %dma_wait3A_80 = tpu.memref_slice %arg2[%multiple_of3A_69] : memref<1600000xf32, #tpu.memory_space<hbm>> -> memref<2048xf32, #tpu.memory_space<hbm>>
      tpu.wait_dma2 semaphore(%arg32 : memref<!tpu.dma_semaphore, #tpu.memory_space<semaphore_mem>>) src(%dma_wait3A_80 : memref<2048xf32, #tpu.memory_space<hbm>>) dst(%arg26 : memref<2048xf32, #tpu.memory_space<vmem>>)
      %dma_wait3A_81 = tpu.memref_slice %arg3[%multiple_of3A_69] : memref<1600000xf32, #tpu.memory_space<hbm>> -> memref<2048xf32, #tpu.memory_space<hbm>>
      %dma_wait3A_82 = tpu.memref_slice %arg3[%multiple_of3A_69] : memref<1600000xf32, #tpu.memory_space<hbm>> -> memref<2048xf32, #tpu.memory_space<hbm>>
      tpu.wait_dma2 semaphore(%arg32 : memref<!tpu.dma_semaphore, #tpu.memory_space<semaphore_mem>>) src(%dma_wait3A_82 : memref<2048xf32, #tpu.memory_space<hbm>>) dst(%arg27 : memref<2048xf32, #tpu.memory_space<vmem>>)
      %dma_wait3A_83 = tpu.memref_slice %arg4[%multiple_of3A_69] : memref<1600000xf32, #tpu.memory_space<hbm>> -> memref<2048xf32, #tpu.memory_space<hbm>>
      %dma_wait3A_84 = tpu.memref_slice %arg4[%multiple_of3A_69] : memref<1600000xf32, #tpu.memory_space<hbm>> -> memref<2048xf32, #tpu.memory_space<hbm>>
      tpu.wait_dma2 semaphore(%arg32 : memref<!tpu.dma_semaphore, #tpu.memory_space<semaphore_mem>>) src(%dma_wait3A_84 : memref<2048xf32, #tpu.memory_space<hbm>>) dst(%arg28 : memref<2048xf32, #tpu.memory_space<vmem>>)
      %scan3A = arith.constant 0 : i32
      %scan3A_85 = arith.constant 0 : i32
      %scan3A_86 = arith.constant 128 : i32
      %scan3A_87 = arith.addi %scan3A_85, %scan3A_86 : i32
      %scan3A_88 = arith.constant 1 : i32
      %scan3A_89 = scf.for %scan3A_92 = %scan3A_85 to %scan3A_87 step %scan3A_88 iter_args(%scan3A_93 = %scan3A) -> (i32)  : i32 {
        %mul3A_94 = arith.constant 16 : i32
        %mul3A_95 = arith.muli %scan3A_92, %mul3A_94 : i32
        %get3A_96 = arith.index_cast %mul3A_95 : i32 to index
        %get3A_97 = tpu.vector_load %arg24[%get3A_96] {strides = array<i32>} : memref<2064xi32, #tpu.memory_space<vmem>>, vector<16xi32>,
        %add3A_98 = arith.constant 1 : i32
        %add3A_99 = arith.addi %mul3A_95, %add3A_98 : i32
        %get3A_100 = arith.index_cast %add3A_99 : i32 to index
        %get3A_101 = tpu.vector_load %arg24[%get3A_100] {strides = array<i32>} : memref<2064xi32, #tpu.memory_space<vmem>>, vector<16xi32>,
        %add3A_102 = vector.broadcast %mul3A_95 : i32 to vector<16xi32>
        %add3A_103 = arith.addi %add3A_102, %iota3A : vector<16xi32>
        %ge3A = vector.broadcast %multiple_of3A : i32 to vector<16xi32>
        %ge3A_104 = arith.cmpi sge, %get3A_97, %ge3A : vector<16xi32>
        %lt3A_105 = vector.broadcast %min3A_5 : i32 to vector<16xi32>
        %lt3A_106 = arith.cmpi slt, %get3A_97, %lt3A_105 : vector<16xi32>
        %and3A_107 = arith.andi %ge3A_104, %lt3A_106 : vector<16xi1>
        %ge3A_108 = vector.broadcast %multiple_of3A : i32 to vector<16xi32>
        %ge3A_109 = arith.cmpi sge, %get3A_101, %ge3A_108 : vector<16xi32>
        %lt3A_110 = vector.broadcast %min3A_5 : i32 to vector<16xi32>
        %lt3A_111 = arith.cmpi slt, %get3A_101, %lt3A_110 : vector<16xi32>
        %and3A_112 = arith.andi %ge3A_109, %lt3A_111 : vector<16xi1>
        %ge3A_113 = vector.broadcast %sub3A_70 : i32 to vector<16xi32>
        %ge3A_114 = arith.cmpi sge, %add3A_103, %ge3A_113 : vector<16xi32>
        %and3A_115 = arith.andi %and3A_107, %ge3A_114 : vector<16xi1>
        %sub3A_116 = vector.broadcast %multiple_of3A : i32 to vector<16xi32>
        %sub3A_117 = arith.subi %get3A_97, %sub3A_116 : vector<16xi32>
        %add3A_118 = arith.constant 1568 : i32
        %add3A_119 = vector.broadcast %add3A_118 : i32 to vector<16xi32>
        %add3A_120 = arith.addi %iota3A, %add3A_119 : vector<16xi32>
        %select_n3A_121 = arith.select %and3A_107, %sub3A_117, %add3A_120 : vector<16xi1>, vector<16xi32>
        %sub3A_122 = vector.broadcast %multiple_of3A : i32 to vector<16xi32>
        %sub3A_123 = arith.subi %get3A_101, %sub3A_122 : vector<16xi32>
        %add3A_124 = arith.constant 1569 : i32
        %add3A_125 = vector.broadcast %add3A_124 : i32 to vector<16xi32>
        %add3A_126 = arith.addi %iota3A, %add3A_125 : vector<16xi32>
        %select_n3A_127 = arith.select %and3A_112, %sub3A_123, %add3A_126 : vector<16xi1>, vector<16xi32>
        %ne3A = arith.cmpi ne, %get3A_101, %get3A_97 : vector<16xi32>
        %eq3A = arith.constant 15 : i32
        %eq3A_128 = vector.broadcast %eq3A : i32 to vector<16xi32>
        %eq3A_129 = arith.cmpi eq, %iota3A, %eq3A_128 : vector<16xi32>
        %or3A = arith.ori %ne3A, %eq3A_129 : vector<16xi1>
        %ne3A_130 = arith.cmpi ne, %get3A_101, %get3A_97 : vector<16xi32>
        %lt3A_131 = arith.constant 15 : i32
        %lt3A_132 = vector.broadcast %lt3A_131 : i32 to vector<16xi32>
        %lt3A_133 = arith.cmpi slt, %iota3A, %lt3A_132 : vector<16xi32>
        %and3A_134 = arith.andi %ne3A_130, %lt3A_133 : vector<16xi1>
        %get3A_135 = arith.index_cast %mul3A_95 : i32 to index
        %get3A_136 = tpu.vector_load %arg26[%get3A_135] {strides = array<i32>} : memref<2048xf32, #tpu.memory_space<vmem>>, vector<16xf32>,
        %get3A_137 = arith.index_cast %mul3A_95 : i32 to index
        %get3A_138 = tpu.vector_load %arg27[%get3A_137] {strides = array<i32>} : memref<2048xf32, #tpu.memory_space<vmem>>, vector<16xf32>,
        %get3A_139 = arith.index_cast %mul3A_95 : i32 to index
        %get3A_140 = tpu.vector_load %arg28[%get3A_139] {strides = array<i32>} : memref<2048xf32, #tpu.memory_space<vmem>>, vector<16xf32>,
        %get3A_141 = arith.index_cast %mul3A_95 : i32 to index
        %get3A_142 = tpu.vector_load %arg25[%get3A_141] {strides = array<i32>} : memref<2048xi32, #tpu.memory_space<vmem>>, vector<16xi32>,
        %gather3A = tpu.vector_load_idx %arg16[%get3A_142] : memref<128xf32, #tpu.memory_space<vmem>>[vector<16xi32>], vector<16xf32>,
        %select_n3A_143 = arith.select %and3A_115, %get3A_136, %select_n3A : vector<16xi1>, vector<16xf32>
        %broadcast_in_dim3A_144 = arith.constant true
        %broadcast_in_dim3A_145 = vector.broadcast %broadcast_in_dim3A_144 : i1 to vector<16xi1>
        %masked_cumsum3A = tpu.scan <sum>, %select_n3A_143 masked %broadcast_in_dim3A_145 : vector<16xf32>, vector<16xi1> -> vector<16xf32>
        tpu.vector_store_idx %arg19[%select_n3A_121], %masked_cumsum3A masked %or3A {add = true} : memref<1600xf32, #tpu.memory_space<vmem>>[vector<16xi32>], vector<16xf32>, vector<16xi1>
        %neg3A = arith.constant 0.000000e+00 : f32
        %neg3A_146 = vector.broadcast %neg3A : f32 to vector<16xf32>
        %neg3A_147 = arith.subf %neg3A_146, %masked_cumsum3A : vector<16xf32>
        tpu.vector_store_idx %arg19[%select_n3A_127], %neg3A_147 masked %and3A_134 {add = true} : memref<1600xf32, #tpu.memory_space<vmem>>[vector<16xi32>], vector<16xf32>, vector<16xi1>
        %select_n3A_148 = arith.select %and3A_115, %get3A_138, %select_n3A : vector<16xi1>, vector<16xf32>
        %broadcast_in_dim3A_149 = arith.constant true
        %broadcast_in_dim3A_150 = vector.broadcast %broadcast_in_dim3A_149 : i1 to vector<16xi1>
        %masked_cumsum3A_151 = tpu.scan <sum>, %select_n3A_148 masked %broadcast_in_dim3A_150 : vector<16xf32>, vector<16xi1> -> vector<16xf32>
        tpu.vector_store_idx %arg20[%select_n3A_121], %masked_cumsum3A_151 masked %or3A {add = true} : memref<1600xf32, #tpu.memory_space<vmem>>[vector<16xi32>], vector<16xf32>, vector<16xi1>
        %neg3A_152 = arith.constant 0.000000e+00 : f32
        %neg3A_153 = vector.broadcast %neg3A_152 : f32 to vector<16xf32>
        %neg3A_154 = arith.subf %neg3A_153, %masked_cumsum3A_151 : vector<16xf32>
        tpu.vector_store_idx %arg20[%select_n3A_127], %neg3A_154 masked %and3A_134 {add = true} : memref<1600xf32, #tpu.memory_space<vmem>>[vector<16xi32>], vector<16xf32>, vector<16xi1>
        %select_n3A_155 = arith.select %and3A_115, %get3A_140, %select_n3A : vector<16xi1>, vector<16xf32>
        %broadcast_in_dim3A_156 = arith.constant true
        %broadcast_in_dim3A_157 = vector.broadcast %broadcast_in_dim3A_156 : i1 to vector<16xi1>
        %masked_cumsum3A_158 = tpu.scan <sum>, %select_n3A_155 masked %broadcast_in_dim3A_157 : vector<16xf32>, vector<16xi1> -> vector<16xf32>
        tpu.vector_store_idx %arg21[%select_n3A_121], %masked_cumsum3A_158 masked %or3A {add = true} : memref<1600xf32, #tpu.memory_space<vmem>>[vector<16xi32>], vector<16xf32>, vector<16xi1>
        %neg3A_159 = arith.constant 0.000000e+00 : f32
        %neg3A_160 = vector.broadcast %neg3A_159 : f32 to vector<16xf32>
        %neg3A_161 = arith.subf %neg3A_160, %masked_cumsum3A_158 : vector<16xf32>
        tpu.vector_store_idx %arg21[%select_n3A_127], %neg3A_161 masked %and3A_134 {add = true} : memref<1600xf32, #tpu.memory_space<vmem>>[vector<16xi32>], vector<16xf32>, vector<16xi1>
        %select_n3A_162 = arith.select %and3A_115, %add3A_18, %select_n3A : vector<16xi1>, vector<16xf32>
        %broadcast_in_dim3A_163 = arith.constant true
        %broadcast_in_dim3A_164 = vector.broadcast %broadcast_in_dim3A_163 : i1 to vector<16xi1>
        %masked_cumsum3A_165 = tpu.scan <sum>, %select_n3A_162 masked %broadcast_in_dim3A_164 : vector<16xf32>, vector<16xi1> -> vector<16xf32>
        tpu.vector_store_idx %arg22[%select_n3A_121], %masked_cumsum3A_165 masked %or3A {add = true} : memref<1600xf32, #tpu.memory_space<vmem>>[vector<16xi32>], vector<16xf32>, vector<16xi1>
        %neg3A_166 = arith.constant 0.000000e+00 : f32
        %neg3A_167 = vector.broadcast %neg3A_166 : f32 to vector<16xf32>
        %neg3A_168 = arith.subf %neg3A_167, %masked_cumsum3A_165 : vector<16xf32>
        tpu.vector_store_idx %arg22[%select_n3A_127], %neg3A_168 masked %and3A_134 {add = true} : memref<1600xf32, #tpu.memory_space<vmem>>[vector<16xi32>], vector<16xf32>, vector<16xi1>
        %select_n3A_169 = arith.select %and3A_115, %gather3A, %select_n3A : vector<16xi1>, vector<16xf32>
        %broadcast_in_dim3A_170 = arith.constant true
        %broadcast_in_dim3A_171 = vector.broadcast %broadcast_in_dim3A_170 : i1 to vector<16xi1>
        %masked_cumsum3A_172 = tpu.scan <sum>, %select_n3A_169 masked %broadcast_in_dim3A_171 : vector<16xf32>, vector<16xi1> -> vector<16xf32>
        tpu.vector_store_idx %arg23[%select_n3A_121], %masked_cumsum3A_172 masked %or3A {add = true} : memref<1600xf32, #tpu.memory_space<vmem>>[vector<16xi32>], vector<16xf32>, vector<16xi1>
        %neg3A_173 = arith.constant 0.000000e+00 : f32
        %neg3A_174 = vector.broadcast %neg3A_173 : f32 to vector<16xf32>
        %neg3A_175 = arith.subf %neg3A_174, %masked_cumsum3A_172 : vector<16xf32>
        tpu.vector_store_idx %arg23[%select_n3A_127], %neg3A_175 masked %and3A_134 {add = true} : memref<1600xf32, #tpu.memory_space<vmem>>[vector<16xi32>], vector<16xf32>, vector<16xi1>
        %scan3A_176 = arith.constant 0 : i32
        scf.yield %scan3A_176 : i32
      }
      %scan3A_90 = arith.constant 128 : i32
      %while3A_91 = arith.constant 0 : i32
      scf.yield %while3A_91 : i32
    }
    %parallel_loop3A_56 = arith.constant 0 : i32
    %parallel_loop3A_57 = arith.constant 98 : i32
    %parallel_loop3A_58 = arith.constant 1 : i32
    scf.for %parallel_loop3A_62 = %parallel_loop3A_56 to %parallel_loop3A_57 step %parallel_loop3A_58  : i32 {
      %parallel_loop3A_63 = arith.constant 16 : i32
      %parallel_loop3A_64 = arith.muli %parallel_loop3A_62, %parallel_loop3A_63 : i32
      %parallel_loop3A_65 = arith.constant 16 : i32
      %parallel_loop3A_66 = arith.muli %parallel_loop3A_62, %parallel_loop3A_65 : i32
      %parallel_loop3A_67 = vector.broadcast %parallel_loop3A_66 : i32 to vector<16xi32>
      %parallel_loop3A_68 = arith.addi %parallel_loop3A_67, %iota3A : vector<16xi32>
      %parallel_loop3A_69 = arith.index_cast %parallel_loop3A_64 : i32 to index
      %parallel_loop3A_70 = tpu.vector_load %arg22[%parallel_loop3A_69] {strides = array<i32>} : memref<1600xf32, #tpu.memory_space<vmem>>, vector<16xf32>,
      %parallel_loop3A_71 = arith.maximumf %parallel_loop3A_70, %add3A_18 : vector<16xf32>
      %parallel_loop3A_72 = arith.divf %add3A_18, %parallel_loop3A_71 : vector<16xf32>
      %parallel_loop3A_73 = arith.index_cast %parallel_loop3A_64 : i32 to index
      %parallel_loop3A_74 = tpu.vector_load %arg18[%parallel_loop3A_73] {strides = array<i32>} : memref<1568xf32, #tpu.memory_space<vmem>>, vector<16xf32>,
      %parallel_loop3A_75 = arith.mulf %parallel_loop3A_72, %parallel_loop3A_74 : vector<16xf32>
      %parallel_loop3A_76 = arith.constant 4 : i32
      %parallel_loop3A_77 = vector.broadcast %parallel_loop3A_76 : i32 to vector<16xi32>
      %parallel_loop3A_78 = arith.muli %parallel_loop3A_68, %parallel_loop3A_77 : vector<16xi32>
      %parallel_loop3A_79 = arith.index_cast %parallel_loop3A_64 : i32 to index
      %parallel_loop3A_80 = tpu.vector_load %arg19[%parallel_loop3A_79] {strides = array<i32>} : memref<1600xf32, #tpu.memory_space<vmem>>, vector<16xf32>,
      %parallel_loop3A_81 = arith.mulf %parallel_loop3A_80, %parallel_loop3A_75 : vector<16xf32>
      tpu.vector_store_idx %arg30[%parallel_loop3A_78], %parallel_loop3A_81 : memref<6272xf32, #tpu.memory_space<vmem>>[vector<16xi32>], vector<16xf32>,
      %parallel_loop3A_82 = arith.constant 4 : i32
      %parallel_loop3A_83 = vector.broadcast %parallel_loop3A_82 : i32 to vector<16xi32>
      %parallel_loop3A_84 = arith.muli %parallel_loop3A_68, %parallel_loop3A_83 : vector<16xi32>
      %parallel_loop3A_85 = arith.constant 1 : i32
      %parallel_loop3A_86 = vector.broadcast %parallel_loop3A_85 : i32 to vector<16xi32>
      %parallel_loop3A_87 = arith.addi %parallel_loop3A_84, %parallel_loop3A_86 : vector<16xi32>
      %parallel_loop3A_88 = arith.index_cast %parallel_loop3A_64 : i32 to index
      %parallel_loop3A_89 = tpu.vector_load %arg20[%parallel_loop3A_88] {strides = array<i32>} : memref<1600xf32, #tpu.memory_space<vmem>>, vector<16xf32>,
      %parallel_loop3A_90 = arith.mulf %parallel_loop3A_89, %parallel_loop3A_75 : vector<16xf32>
      tpu.vector_store_idx %arg30[%parallel_loop3A_87], %parallel_loop3A_90 : memref<6272xf32, #tpu.memory_space<vmem>>[vector<16xi32>], vector<16xf32>,
      %parallel_loop3A_91 = arith.constant 4 : i32
      %parallel_loop3A_92 = vector.broadcast %parallel_loop3A_91 : i32 to vector<16xi32>
      %parallel_loop3A_93 = arith.muli %parallel_loop3A_68, %parallel_loop3A_92 : vector<16xi32>
      %parallel_loop3A_94 = arith.constant 2 : i32
      %parallel_loop3A_95 = vector.broadcast %parallel_loop3A_94 : i32 to vector<16xi32>
      %parallel_loop3A_96 = arith.addi %parallel_loop3A_93, %parallel_loop3A_95 : vector<16xi32>
      %parallel_loop3A_97 = arith.index_cast %parallel_loop3A_64 : i32 to index
      %parallel_loop3A_98 = tpu.vector_load %arg21[%parallel_loop3A_97] {strides = array<i32>} : memref<1600xf32, #tpu.memory_space<vmem>>, vector<16xf32>,
      %parallel_loop3A_99 = arith.mulf %parallel_loop3A_98, %parallel_loop3A_75 : vector<16xf32>
      tpu.vector_store_idx %arg30[%parallel_loop3A_96], %parallel_loop3A_99 : memref<6272xf32, #tpu.memory_space<vmem>>[vector<16xi32>], vector<16xf32>,
      %parallel_loop3A_100 = arith.constant 4 : i32
      %parallel_loop3A_101 = vector.broadcast %parallel_loop3A_100 : i32 to vector<16xi32>
      %parallel_loop3A_102 = arith.muli %parallel_loop3A_68, %parallel_loop3A_101 : vector<16xi32>
      %parallel_loop3A_103 = arith.constant 3 : i32
      %parallel_loop3A_104 = vector.broadcast %parallel_loop3A_103 : i32 to vector<16xi32>
      %parallel_loop3A_105 = arith.addi %parallel_loop3A_102, %parallel_loop3A_104 : vector<16xi32>
      tpu.vector_store_idx %arg30[%parallel_loop3A_105], %parallel_loop3A_74 : memref<6272xf32, #tpu.memory_space<vmem>>[vector<16xi32>], vector<16xf32>,
      %parallel_loop3A_106 = arith.constant 144 : i32
      %parallel_loop3A_107 = arith.muli %parallel_loop3A_62, %parallel_loop3A_106 : i32
      %parallel_loop3A_108 = arith.constant 9 : i32
      %parallel_loop3A_109 = vector.broadcast %parallel_loop3A_108 : i32 to vector<16xi32>
      %parallel_loop3A_110 = arith.muli %iota3A, %parallel_loop3A_109 : vector<16xi32>
      %parallel_loop3A_111 = vector.broadcast %parallel_loop3A_107 : i32 to vector<16xi32>
      %parallel_loop3A_112 = arith.addi %parallel_loop3A_110, %parallel_loop3A_111 : vector<16xi32>
      %parallel_loop3A_113 = tpu.vector_load_idx %arg29[%parallel_loop3A_112] : memref<14112xf32, #tpu.memory_space<vmem>>[vector<16xi32>], vector<16xf32>,
      %parallel_loop3A_114 = arith.constant 1 : i32
      %parallel_loop3A_115 = vector.broadcast %parallel_loop3A_114 : i32 to vector<16xi32>
      %parallel_loop3A_116 = arith.addi %parallel_loop3A_112, %parallel_loop3A_115 : vector<16xi32>
      %parallel_loop3A_117 = tpu.vector_load_idx %arg29[%parallel_loop3A_116] : memref<14112xf32, #tpu.memory_space<vmem>>[vector<16xi32>], vector<16xf32>,
      %parallel_loop3A_118 = arith.constant 2 : i32
      %parallel_loop3A_119 = vector.broadcast %parallel_loop3A_118 : i32 to vector<16xi32>
      %parallel_loop3A_120 = arith.addi %parallel_loop3A_112, %parallel_loop3A_119 : vector<16xi32>
      %parallel_loop3A_121 = tpu.vector_load_idx %arg29[%parallel_loop3A_120] : memref<14112xf32, #tpu.memory_space<vmem>>[vector<16xi32>], vector<16xf32>,
      %parallel_loop3A_122 = arith.constant 3 : i32
      %parallel_loop3A_123 = vector.broadcast %parallel_loop3A_122 : i32 to vector<16xi32>
      %parallel_loop3A_124 = arith.addi %parallel_loop3A_112, %parallel_loop3A_123 : vector<16xi32>
      %parallel_loop3A_125 = tpu.vector_load_idx %arg29[%parallel_loop3A_124] : memref<14112xf32, #tpu.memory_space<vmem>>[vector<16xi32>], vector<16xf32>,
      %parallel_loop3A_126 = arith.constant 4 : i32
      %parallel_loop3A_127 = vector.broadcast %parallel_loop3A_126 : i32 to vector<16xi32>
      %parallel_loop3A_128 = arith.addi %parallel_loop3A_112, %parallel_loop3A_127 : vector<16xi32>
      %parallel_loop3A_129 = tpu.vector_load_idx %arg29[%parallel_loop3A_128] : memref<14112xf32, #tpu.memory_space<vmem>>[vector<16xi32>], vector<16xf32>,
      %parallel_loop3A_130 = arith.constant 5 : i32
      %parallel_loop3A_131 = vector.broadcast %parallel_loop3A_130 : i32 to vector<16xi32>
      %parallel_loop3A_132 = arith.addi %parallel_loop3A_112, %parallel_loop3A_131 : vector<16xi32>
      %parallel_loop3A_133 = tpu.vector_load_idx %arg29[%parallel_loop3A_132] : memref<14112xf32, #tpu.memory_space<vmem>>[vector<16xi32>], vector<16xf32>,
      %parallel_loop3A_134 = arith.constant 6 : i32
      %parallel_loop3A_135 = vector.broadcast %parallel_loop3A_134 : i32 to vector<16xi32>
      %parallel_loop3A_136 = arith.addi %parallel_loop3A_112, %parallel_loop3A_135 : vector<16xi32>
      %parallel_loop3A_137 = tpu.vector_load_idx %arg29[%parallel_loop3A_136] : memref<14112xf32, #tpu.memory_space<vmem>>[vector<16xi32>], vector<16xf32>,
      %parallel_loop3A_138 = arith.constant 7 : i32
      %parallel_loop3A_139 = vector.broadcast %parallel_loop3A_138 : i32 to vector<16xi32>
      %parallel_loop3A_140 = arith.addi %parallel_loop3A_112, %parallel_loop3A_139 : vector<16xi32>
      %parallel_loop3A_141 = tpu.vector_load_idx %arg29[%parallel_loop3A_140] : memref<14112xf32, #tpu.memory_space<vmem>>[vector<16xi32>], vector<16xf32>,
      %parallel_loop3A_142 = arith.constant 8 : i32
      %parallel_loop3A_143 = vector.broadcast %parallel_loop3A_142 : i32 to vector<16xi32>
      %parallel_loop3A_144 = arith.addi %parallel_loop3A_112, %parallel_loop3A_143 : vector<16xi32>
      %parallel_loop3A_145 = tpu.vector_load_idx %arg29[%parallel_loop3A_144] : memref<14112xf32, #tpu.memory_space<vmem>>[vector<16xi32>], vector<16xf32>,
      %parallel_loop3A_146 = arith.mulf %parallel_loop3A_129, %parallel_loop3A_145 : vector<16xf32>
      %parallel_loop3A_147 = arith.mulf %parallel_loop3A_133, %parallel_loop3A_141 : vector<16xf32>
      %parallel_loop3A_148 = arith.subf %parallel_loop3A_146, %parallel_loop3A_147 : vector<16xf32>
      %parallel_loop3A_149 = arith.mulf %parallel_loop3A_113, %parallel_loop3A_148 : vector<16xf32>
      %parallel_loop3A_150 = arith.mulf %parallel_loop3A_125, %parallel_loop3A_145 : vector<16xf32>
      %parallel_loop3A_151 = arith.mulf %parallel_loop3A_133, %parallel_loop3A_137 : vector<16xf32>
      %parallel_loop3A_152 = arith.subf %parallel_loop3A_150, %parallel_loop3A_151 : vector<16xf32>
      %parallel_loop3A_153 = arith.mulf %parallel_loop3A_117, %parallel_loop3A_152 : vector<16xf32>
      %parallel_loop3A_154 = arith.subf %parallel_loop3A_149, %parallel_loop3A_153 : vector<16xf32>
      %parallel_loop3A_155 = arith.mulf %parallel_loop3A_125, %parallel_loop3A_141 : vector<16xf32>
      %parallel_loop3A_156 = arith.mulf %parallel_loop3A_129, %parallel_loop3A_137 : vector<16xf32>
      %parallel_loop3A_157 = arith.subf %parallel_loop3A_155, %parallel_loop3A_156 : vector<16xf32>
      %parallel_loop3A_158 = arith.mulf %parallel_loop3A_121, %parallel_loop3A_157 : vector<16xf32>
      %parallel_loop3A_159 = arith.addf %parallel_loop3A_154, %parallel_loop3A_158 : vector<16xf32>
      %parallel_loop3A_160 = arith.index_cast %parallel_loop3A_64 : i32 to index
      %parallel_loop3A_161 = tpu.vector_load %arg23[%parallel_loop3A_160] {strides = array<i32>} : memref<1600xf32, #tpu.memory_space<vmem>>, vector<16xf32>,
      %parallel_loop3A_162 = arith.constant 1.660540e+00 : f32
      %parallel_loop3A_163 = vector.broadcast %parallel_loop3A_162 : f32 to vector<16xf32>
      %parallel_loop3A_164 = arith.mulf %parallel_loop3A_163, %parallel_loop3A_161 : vector<16xf32>
      %parallel_loop3A_165 = arith.divf %parallel_loop3A_164, %parallel_loop3A_159 : vector<16xf32>
      %parallel_loop3A_166 = arith.index_cast %parallel_loop3A_64 : i32 to index
      %parallel_loop3A_167 = tpu.vector_load %arg31[%parallel_loop3A_166] {strides = array<i32>} : memref<1568xf32, #tpu.memory_space<vmem>>, vector<16xf32>,
      tpu.vector_store %arg31[%parallel_loop3A_166], %parallel_loop3A_165 {strides = array<i32>} : memref<1568xf32, #tpu.memory_space<vmem>>, vector<16xf32>,
    } {sc.loop_unroll_factor = 2 : i64, sc.parallel_access}
    %mul3A_59 = arith.constant 4 : i32
    %mul3A_60 = arith.muli %multiple_of3A, %mul3A_59 : i32
    %multiple_of3A_61 = tpu.assume_multiple %mul3A_60, 32 : i32
    "tpu.region"() ({
      %run_scoped3A = tpu.sem_alloc : memref<!tpu.dma_semaphore, #tpu.memory_space<semaphore_mem>>
      %dma_start3A = tpu.memref_slice %arg12[%multiple_of3A_61] : memref<200704xf32, #tpu.memory_space<hbm>> -> memref<6272xf32, #tpu.memory_space<hbm>>
      %dma_start3A_62 = tpu.memref_slice %arg12[%multiple_of3A_61] : memref<200704xf32, #tpu.memory_space<hbm>> -> memref<6272xf32, #tpu.memory_space<hbm>>
      tpu.enqueue_dma source(%arg30 : memref<6272xf32, #tpu.memory_space<vmem>>) target(%dma_start3A_62 : memref<6272xf32, #tpu.memory_space<hbm>>) target_semaphore(%run_scoped3A : memref<!tpu.dma_semaphore, #tpu.memory_space<semaphore_mem>>)
      %dma_wait3A = tpu.memref_slice %arg12[%multiple_of3A_61] : memref<200704xf32, #tpu.memory_space<hbm>> -> memref<6272xf32, #tpu.memory_space<hbm>>
      %dma_wait3A_63 = tpu.memref_slice %arg12[%multiple_of3A_61] : memref<200704xf32, #tpu.memory_space<hbm>> -> memref<6272xf32, #tpu.memory_space<hbm>>
      tpu.wait_dma2 semaphore(%run_scoped3A : memref<!tpu.dma_semaphore, #tpu.memory_space<semaphore_mem>>) src(%arg30 : memref<6272xf32, #tpu.memory_space<vmem>>) dst(%dma_wait3A_63 : memref<6272xf32, #tpu.memory_space<hbm>>)
      tpu.yield
    }) : () -> ()
    "tpu.region"() ({
      %run_scoped3A = tpu.sem_alloc : memref<!tpu.dma_semaphore, #tpu.memory_space<semaphore_mem>>
      %dma_start3A = tpu.memref_slice %arg13[%multiple_of3A] : memref<50176xf32, #tpu.memory_space<hbm>> -> memref<1568xf32, #tpu.memory_space<hbm>>
      %dma_start3A_62 = tpu.memref_slice %arg13[%multiple_of3A] : memref<50176xf32, #tpu.memory_space<hbm>> -> memref<1568xf32, #tpu.memory_space<hbm>>
      tpu.enqueue_dma source(%arg31 : memref<1568xf32, #tpu.memory_space<vmem>>) target(%dma_start3A_62 : memref<1568xf32, #tpu.memory_space<hbm>>) target_semaphore(%run_scoped3A : memref<!tpu.dma_semaphore, #tpu.memory_space<semaphore_mem>>)
      %dma_wait3A = tpu.memref_slice %arg13[%multiple_of3A] : memref<50176xf32, #tpu.memory_space<hbm>> -> memref<1568xf32, #tpu.memory_space<hbm>>
      %dma_wait3A_63 = tpu.memref_slice %arg13[%multiple_of3A] : memref<50176xf32, #tpu.memory_space<hbm>> -> memref<1568xf32, #tpu.memory_space<hbm>>
      tpu.wait_dma2 semaphore(%run_scoped3A : memref<!tpu.dma_semaphore, #tpu.memory_space<semaphore_mem>>) src(%arg31 : memref<1568xf32, #tpu.memory_space<vmem>>) dst(%dma_wait3A_63 : memref<1568xf32, #tpu.memory_space<hbm>>)
      tpu.yield
    }) : () -> ()
    return
  }
}

#map = affine_map<(d0, d1) -> (0)>
module attributes {stable_mosaic.version = 14 : i64} {
  func.func @_k2_body(%arg0: i32, %arg1: i32, %arg2: memref<1600000xf32, #tpu.memory_space<hbm>>, %arg3: memref<1600000xf32, #tpu.memory_space<hbm>>, %arg4: memref<1600000xf32, #tpu.memory_space<hbm>>, %arg5: memref<1600000xf32, #tpu.memory_space<hbm>>, %arg6: memref<1600000xf32, #tpu.memory_space<hbm>>, %arg7: memref<1600000xf32, #tpu.memory_space<hbm>>, %arg8: memref<1600000xi32, #tpu.memory_space<hbm>>, %arg9: memref<200704xf32, #tpu.memory_space<hbm>>, %arg10: memref<1600000xf32, #tpu.memory_space<hbm>>, %arg11: memref<1600000xf32, #tpu.memory_space<hbm>>, %arg12: memref<1600000xf32, #tpu.memory_space<hbm>>, %arg13: memref<2000xi32, #tpu.memory_space<vmem>>, %arg14: memref<2000xf32, #tpu.memory_space<vmem>>, %arg15: memref<2000xf32, #tpu.memory_space<vmem>>, %arg16: memref<2000xf32, #tpu.memory_space<vmem>>, %arg17: memref<2000xf32, #tpu.memory_space<vmem>>, %arg18: memref<2000xf32, #tpu.memory_space<vmem>>, %arg19: memref<2000xf32, #tpu.memory_space<vmem>>, %arg20: memref<8192xf32, #tpu.memory_space<vmem>>, %arg21: memref<2000xf32, #tpu.memory_space<vmem>>, %arg22: memref<2000xf32, #tpu.memory_space<vmem>>, %arg23: memref<2000xf32, #tpu.memory_space<vmem>>, %arg24: memref<!tpu.dma_semaphore, #tpu.memory_space<semaphore_mem>>) attributes {dimension_semantics = [#tpu.dimension_semantics<core_parallel>, #tpu.dimension_semantics<subcore_parallel>], iteration_bounds = array<i64: 2, 16>, scalar_prefetch = 0 : i64, scratch_operands = 12 : i64, tpu.core_type = #tpu.core_type<sc_vector_subcore>, window_params = [{transform_indices = #map}, {transform_indices = #map}, {transform_indices = #map}, {transform_indices = #map}, {transform_indices = #map}, {transform_indices = #map}, {transform_indices = #map}, {transform_indices = #map}, {transform_indices = #map}, {transform_indices = #map}, {transform_indices = #map}]} {
    %mul3A = arith.constant 2 : i32
    %mul3A_0 = arith.muli %arg1, %mul3A : i32
    %add3A = arith.addi %mul3A_0, %arg0 : i32
    %mul3A_1 = arith.constant 50000 : i32
    %mul3A_2 = arith.muli %add3A, %mul3A_1 : i32
    %multiple_of3A = tpu.assume_multiple %mul3A_2, 16 : i32
    %iota3A = tpu.iota {dimensions = array<i32: 0>} : vector<16xi32>
    %lt3A = arith.constant 16 : i32
    %lt3A_3 = vector.broadcast %lt3A : i32 to vector<16xi32>
    %lt3A_4 = arith.cmpi slt, %iota3A, %lt3A_3 : vector<16xi32>
    %jit3A = arith.constant 0.000000e+00 : f32
    %jit3A_5 = arith.constant 0.000000e+00 : f32
    %broadcast_in_dim3A = vector.broadcast %jit3A : f32 to vector<16xf32>
    %broadcast_in_dim3A_6 = vector.broadcast %jit3A_5 : f32 to vector<16xf32>
    %select_n3A = arith.select %lt3A_4, %broadcast_in_dim3A, %broadcast_in_dim3A_6 : vector<16xi1>, vector<16xf32>
    %add3A_7 = arith.constant 1.000000e+00 : f32
    %add3A_8 = vector.broadcast %add3A_7 : f32 to vector<16xf32>
    %add3A_9 = arith.addf %select_n3A, %add3A_8 : vector<16xf32>
    %scan3A = arith.constant 0 : i32
    %scan3A_10 = arith.constant 0 : i32
    %scan3A_11 = arith.constant 25 : i32
    %scan3A_12 = arith.addi %scan3A_10, %scan3A_11 : i32
    %scan3A_13 = arith.constant 1 : i32
    %scan3A_14 = scf.for %scan3A_16 = %scan3A_10 to %scan3A_12 step %scan3A_13 iter_args(%scan3A_17 = %scan3A) -> (i32)  : i32 {
      %mul3A_18 = arith.constant 2000 : i32
      %mul3A_19 = arith.muli %scan3A_16, %mul3A_18 : i32
      %add3A_20 = arith.addi %multiple_of3A, %mul3A_19 : i32
      %multiple_of3A_21 = tpu.assume_multiple %add3A_20, 16 : i32
      %dma_start3A = tpu.memref_slice %arg2[%multiple_of3A_21] : memref<1600000xf32, #tpu.memory_space<hbm>> -> memref<2000xf32, #tpu.memory_space<hbm>>
      %dma_start3A_22 = tpu.memref_slice %arg2[%multiple_of3A_21] : memref<1600000xf32, #tpu.memory_space<hbm>> -> memref<2000xf32, #tpu.memory_space<hbm>>
      tpu.enqueue_dma source(%dma_start3A_22 : memref<2000xf32, #tpu.memory_space<hbm>>) target(%arg14 : memref<2000xf32, #tpu.memory_space<vmem>>) target_semaphore(%arg24 : memref<!tpu.dma_semaphore, #tpu.memory_space<semaphore_mem>>)
      %dma_start3A_23 = tpu.memref_slice %arg3[%multiple_of3A_21] : memref<1600000xf32, #tpu.memory_space<hbm>> -> memref<2000xf32, #tpu.memory_space<hbm>>
      %dma_start3A_24 = tpu.memref_slice %arg3[%multiple_of3A_21] : memref<1600000xf32, #tpu.memory_space<hbm>> -> memref<2000xf32, #tpu.memory_space<hbm>>
      tpu.enqueue_dma source(%dma_start3A_24 : memref<2000xf32, #tpu.memory_space<hbm>>) target(%arg15 : memref<2000xf32, #tpu.memory_space<vmem>>) target_semaphore(%arg24 : memref<!tpu.dma_semaphore, #tpu.memory_space<semaphore_mem>>)
      %dma_start3A_25 = tpu.memref_slice %arg4[%multiple_of3A_21] : memref<1600000xf32, #tpu.memory_space<hbm>> -> memref<2000xf32, #tpu.memory_space<hbm>>
      %dma_start3A_26 = tpu.memref_slice %arg4[%multiple_of3A_21] : memref<1600000xf32, #tpu.memory_space<hbm>> -> memref<2000xf32, #tpu.memory_space<hbm>>
      tpu.enqueue_dma source(%dma_start3A_26 : memref<2000xf32, #tpu.memory_space<hbm>>) target(%arg16 : memref<2000xf32, #tpu.memory_space<vmem>>) target_semaphore(%arg24 : memref<!tpu.dma_semaphore, #tpu.memory_space<semaphore_mem>>)
      %dma_start3A_27 = tpu.memref_slice %arg5[%multiple_of3A_21] : memref<1600000xf32, #tpu.memory_space<hbm>> -> memref<2000xf32, #tpu.memory_space<hbm>>
      %dma_start3A_28 = tpu.memref_slice %arg5[%multiple_of3A_21] : memref<1600000xf32, #tpu.memory_space<hbm>> -> memref<2000xf32, #tpu.memory_space<hbm>>
      tpu.enqueue_dma source(%dma_start3A_28 : memref<2000xf32, #tpu.memory_space<hbm>>) target(%arg17 : memref<2000xf32, #tpu.memory_space<vmem>>) target_semaphore(%arg24 : memref<!tpu.dma_semaphore, #tpu.memory_space<semaphore_mem>>)
      %dma_start3A_29 = tpu.memref_slice %arg6[%multiple_of3A_21] : memref<1600000xf32, #tpu.memory_space<hbm>> -> memref<2000xf32, #tpu.memory_space<hbm>>
      %dma_start3A_30 = tpu.memref_slice %arg6[%multiple_of3A_21] : memref<1600000xf32, #tpu.memory_space<hbm>> -> memref<2000xf32, #tpu.memory_space<hbm>>
      tpu.enqueue_dma source(%dma_start3A_30 : memref<2000xf32, #tpu.memory_space<hbm>>) target(%arg18 : memref<2000xf32, #tpu.memory_space<vmem>>) target_semaphore(%arg24 : memref<!tpu.dma_semaphore, #tpu.memory_space<semaphore_mem>>)
      %dma_start3A_31 = tpu.memref_slice %arg7[%multiple_of3A_21] : memref<1600000xf32, #tpu.memory_space<hbm>> -> memref<2000xf32, #tpu.memory_space<hbm>>
      %dma_start3A_32 = tpu.memref_slice %arg7[%multiple_of3A_21] : memref<1600000xf32, #tpu.memory_space<hbm>> -> memref<2000xf32, #tpu.memory_space<hbm>>
      tpu.enqueue_dma source(%dma_start3A_32 : memref<2000xf32, #tpu.memory_space<hbm>>) target(%arg19 : memref<2000xf32, #tpu.memory_space<vmem>>) target_semaphore(%arg24 : memref<!tpu.dma_semaphore, #tpu.memory_space<semaphore_mem>>)
      "tpu.region"() ({
        %run_scoped3A = tpu.sem_alloc : memref<!tpu.dma_semaphore, #tpu.memory_space<semaphore_mem>>
        %dma_start3A_54 = tpu.memref_slice %arg8[%multiple_of3A_21] : memref<1600000xi32, #tpu.memory_space<hbm>> -> memref<2000xi32, #tpu.memory_space<hbm>>
        %dma_start3A_55 = tpu.memref_slice %arg8[%multiple_of3A_21] : memref<1600000xi32, #tpu.memory_space<hbm>> -> memref<2000xi32, #tpu.memory_space<hbm>>
        tpu.enqueue_dma source(%dma_start3A_55 : memref<2000xi32, #tpu.memory_space<hbm>>) target(%arg13 : memref<2000xi32, #tpu.memory_space<vmem>>) target_semaphore(%run_scoped3A : memref<!tpu.dma_semaphore, #tpu.memory_space<semaphore_mem>>)
        %dma_wait3A_56 = tpu.memref_slice %arg8[%multiple_of3A_21] : memref<1600000xi32, #tpu.memory_space<hbm>> -> memref<2000xi32, #tpu.memory_space<hbm>>
        %dma_wait3A_57 = tpu.memref_slice %arg8[%multiple_of3A_21] : memref<1600000xi32, #tpu.memory_space<hbm>> -> memref<2000xi32, #tpu.memory_space<hbm>>
        tpu.wait_dma2 semaphore(%run_scoped3A : memref<!tpu.dma_semaphore, #tpu.memory_space<semaphore_mem>>) src(%dma_wait3A_57 : memref<2000xi32, #tpu.memory_space<hbm>>) dst(%arg13 : memref<2000xi32, #tpu.memory_space<vmem>>)
        tpu.yield
      }) : () -> ()
      %get3A = arith.constant 0 : index
      %get3A_33 = tpu.vector_load %arg13[%get3A] {strides = array<i32>} : memref<2000xi32, #tpu.memory_space<vmem>>, vector<16xi32>,
      %slice3A = vector.extract_strided_slice %get3A_33 {offsets = [0], sizes = [1], strides = [1]} : vector<16xi32> to vector<1xi32>
      %squeeze3A = vector.extract %slice3A[0] : i32 from vector<1xi32>
      %and3A = arith.constant -32 : i32
      %and3A_34 = arith.andi %squeeze3A, %and3A : i32
      %min3A = arith.constant 48128 : i32
      %min3A_35 = arith.minsi %and3A_34, %min3A : i32
      %multiple_of3A_36 = tpu.assume_multiple %min3A_35, 32 : i32
      %mul3A_37 = arith.constant 4 : i32
      %mul3A_38 = arith.muli %multiple_of3A_36, %mul3A_37 : i32
      %multiple_of3A_39 = tpu.assume_multiple %mul3A_38, 128 : i32
      "tpu.region"() ({
        %run_scoped3A = tpu.sem_alloc : memref<!tpu.dma_semaphore, #tpu.memory_space<semaphore_mem>>
        %dma_start3A_54 = tpu.memref_slice %arg9[%multiple_of3A_39] : memref<200704xf32, #tpu.memory_space<hbm>> -> memref<8192xf32, #tpu.memory_space<hbm>>
        %dma_start3A_55 = tpu.memref_slice %arg9[%multiple_of3A_39] : memref<200704xf32, #tpu.memory_space<hbm>> -> memref<8192xf32, #tpu.memory_space<hbm>>
        tpu.enqueue_dma source(%dma_start3A_55 : memref<8192xf32, #tpu.memory_space<hbm>>) target(%arg20 : memref<8192xf32, #tpu.memory_space<vmem>>) target_semaphore(%run_scoped3A : memref<!tpu.dma_semaphore, #tpu.memory_space<semaphore_mem>>)
        %dma_wait3A_56 = tpu.memref_slice %arg9[%multiple_of3A_39] : memref<200704xf32, #tpu.memory_space<hbm>> -> memref<8192xf32, #tpu.memory_space<hbm>>
        %dma_wait3A_57 = tpu.memref_slice %arg9[%multiple_of3A_39] : memref<200704xf32, #tpu.memory_space<hbm>> -> memref<8192xf32, #tpu.memory_space<hbm>>
        tpu.wait_dma2 semaphore(%run_scoped3A : memref<!tpu.dma_semaphore, #tpu.memory_space<semaphore_mem>>) src(%dma_wait3A_57 : memref<8192xf32, #tpu.memory_space<hbm>>) dst(%arg20 : memref<8192xf32, #tpu.memory_space<vmem>>)
        tpu.yield
      }) : () -> ()
      %dma_wait3A = tpu.memref_slice %arg2[%multiple_of3A_21] : memref<1600000xf32, #tpu.memory_space<hbm>> -> memref<2000xf32, #tpu.memory_space<hbm>>
      %dma_wait3A_40 = tpu.memref_slice %arg2[%multiple_of3A_21] : memref<1600000xf32, #tpu.memory_space<hbm>> -> memref<2000xf32, #tpu.memory_space<hbm>>
      tpu.wait_dma2 semaphore(%arg24 : memref<!tpu.dma_semaphore, #tpu.memory_space<semaphore_mem>>) src(%dma_wait3A_40 : memref<2000xf32, #tpu.memory_space<hbm>>) dst(%arg14 : memref<2000xf32, #tpu.memory_space<vmem>>)
      %dma_wait3A_41 = tpu.memref_slice %arg3[%multiple_of3A_21] : memref<1600000xf32, #tpu.memory_space<hbm>> -> memref<2000xf32, #tpu.memory_space<hbm>>
      %dma_wait3A_42 = tpu.memref_slice %arg3[%multiple_of3A_21] : memref<1600000xf32, #tpu.memory_space<hbm>> -> memref<2000xf32, #tpu.memory_space<hbm>>
      tpu.wait_dma2 semaphore(%arg24 : memref<!tpu.dma_semaphore, #tpu.memory_space<semaphore_mem>>) src(%dma_wait3A_42 : memref<2000xf32, #tpu.memory_space<hbm>>) dst(%arg15 : memref<2000xf32, #tpu.memory_space<vmem>>)
      %dma_wait3A_43 = tpu.memref_slice %arg4[%multiple_of3A_21] : memref<1600000xf32, #tpu.memory_space<hbm>> -> memref<2000xf32, #tpu.memory_space<hbm>>
      %dma_wait3A_44 = tpu.memref_slice %arg4[%multiple_of3A_21] : memref<1600000xf32, #tpu.memory_space<hbm>> -> memref<2000xf32, #tpu.memory_space<hbm>>
      tpu.wait_dma2 semaphore(%arg24 : memref<!tpu.dma_semaphore, #tpu.memory_space<semaphore_mem>>) src(%dma_wait3A_44 : memref<2000xf32, #tpu.memory_space<hbm>>) dst(%arg16 : memref<2000xf32, #tpu.memory_space<vmem>>)
      %dma_wait3A_45 = tpu.memref_slice %arg5[%multiple_of3A_21] : memref<1600000xf32, #tpu.memory_space<hbm>> -> memref<2000xf32, #tpu.memory_space<hbm>>
      %dma_wait3A_46 = tpu.memref_slice %arg5[%multiple_of3A_21] : memref<1600000xf32, #tpu.memory_space<hbm>> -> memref<2000xf32, #tpu.memory_space<hbm>>
      tpu.wait_dma2 semaphore(%arg24 : memref<!tpu.dma_semaphore, #tpu.memory_space<semaphore_mem>>) src(%dma_wait3A_46 : memref<2000xf32, #tpu.memory_space<hbm>>) dst(%arg17 : memref<2000xf32, #tpu.memory_space<vmem>>)
      %dma_wait3A_47 = tpu.memref_slice %arg6[%multiple_of3A_21] : memref<1600000xf32, #tpu.memory_space<hbm>> -> memref<2000xf32, #tpu.memory_space<hbm>>
      %dma_wait3A_48 = tpu.memref_slice %arg6[%multiple_of3A_21] : memref<1600000xf32, #tpu.memory_space<hbm>> -> memref<2000xf32, #tpu.memory_space<hbm>>
      tpu.wait_dma2 semaphore(%arg24 : memref<!tpu.dma_semaphore, #tpu.memory_space<semaphore_mem>>) src(%dma_wait3A_48 : memref<2000xf32, #tpu.memory_space<hbm>>) dst(%arg18 : memref<2000xf32, #tpu.memory_space<vmem>>)
      %dma_wait3A_49 = tpu.memref_slice %arg7[%multiple_of3A_21] : memref<1600000xf32, #tpu.memory_space<hbm>> -> memref<2000xf32, #tpu.memory_space<hbm>>
      %dma_wait3A_50 = tpu.memref_slice %arg7[%multiple_of3A_21] : memref<1600000xf32, #tpu.memory_space<hbm>> -> memref<2000xf32, #tpu.memory_space<hbm>>
      tpu.wait_dma2 semaphore(%arg24 : memref<!tpu.dma_semaphore, #tpu.memory_space<semaphore_mem>>) src(%dma_wait3A_50 : memref<2000xf32, #tpu.memory_space<hbm>>) dst(%arg19 : memref<2000xf32, #tpu.memory_space<vmem>>)
      %parallel_loop3A = arith.constant 0 : i32
      %parallel_loop3A_51 = arith.constant 125 : i32
      %parallel_loop3A_52 = arith.constant 1 : i32
      scf.for %parallel_loop3A_54 = %parallel_loop3A to %parallel_loop3A_51 step %parallel_loop3A_52  : i32 {
        %parallel_loop3A_55 = arith.constant 16 : i32
        %parallel_loop3A_56 = arith.muli %parallel_loop3A_54, %parallel_loop3A_55 : i32
        %parallel_loop3A_57 = arith.index_cast %parallel_loop3A_56 : i32 to index
        %parallel_loop3A_58 = tpu.vector_load %arg13[%parallel_loop3A_57] {strides = array<i32>} : memref<2000xi32, #tpu.memory_space<vmem>>, vector<16xi32>,
        %parallel_loop3A_59 = vector.broadcast %multiple_of3A_36 : i32 to vector<16xi32>
        %parallel_loop3A_60 = arith.subi %parallel_loop3A_58, %parallel_loop3A_59 : vector<16xi32>
        %parallel_loop3A_61 = arith.constant 4 : i32
        %parallel_loop3A_62 = vector.broadcast %parallel_loop3A_61 : i32 to vector<16xi32>
        %parallel_loop3A_63 = arith.muli %parallel_loop3A_60, %parallel_loop3A_62 : vector<16xi32>
        %parallel_loop3A_64 = tpu.vector_load_idx %arg20[%parallel_loop3A_63] : memref<8192xf32, #tpu.memory_space<vmem>>[vector<16xi32>], vector<16xf32>,
        %parallel_loop3A_65 = arith.constant 1 : i32
        %parallel_loop3A_66 = vector.broadcast %parallel_loop3A_65 : i32 to vector<16xi32>
        %parallel_loop3A_67 = arith.addi %parallel_loop3A_63, %parallel_loop3A_66 : vector<16xi32>
        %parallel_loop3A_68 = tpu.vector_load_idx %arg20[%parallel_loop3A_67] : memref<8192xf32, #tpu.memory_space<vmem>>[vector<16xi32>], vector<16xf32>,
        %parallel_loop3A_69 = arith.constant 2 : i32
        %parallel_loop3A_70 = vector.broadcast %parallel_loop3A_69 : i32 to vector<16xi32>
        %parallel_loop3A_71 = arith.addi %parallel_loop3A_63, %parallel_loop3A_70 : vector<16xi32>
        %parallel_loop3A_72 = tpu.vector_load_idx %arg20[%parallel_loop3A_71] : memref<8192xf32, #tpu.memory_space<vmem>>[vector<16xi32>], vector<16xf32>,
        %parallel_loop3A_73 = arith.constant 3 : i32
        %parallel_loop3A_74 = vector.broadcast %parallel_loop3A_73 : i32 to vector<16xi32>
        %parallel_loop3A_75 = arith.addi %parallel_loop3A_63, %parallel_loop3A_74 : vector<16xi32>
        %parallel_loop3A_76 = tpu.vector_load_idx %arg20[%parallel_loop3A_75] : memref<8192xf32, #tpu.memory_space<vmem>>[vector<16xi32>], vector<16xf32>,
        %parallel_loop3A_77 = arith.index_cast %parallel_loop3A_56 : i32 to index
        %parallel_loop3A_78 = tpu.vector_load %arg17[%parallel_loop3A_77] {strides = array<i32>} : memref<2000xf32, #tpu.memory_space<vmem>>, vector<16xf32>,
        %parallel_loop3A_79 = arith.index_cast %parallel_loop3A_56 : i32 to index
        %parallel_loop3A_80 = tpu.vector_load %arg14[%parallel_loop3A_79] {strides = array<i32>} : memref<2000xf32, #tpu.memory_space<vmem>>, vector<16xf32>,
        %parallel_loop3A_81 = arith.mulf %parallel_loop3A_80, %parallel_loop3A_76 : vector<16xf32>
        %parallel_loop3A_82 = arith.addf %parallel_loop3A_78, %parallel_loop3A_81 : vector<16xf32>
        %parallel_loop3A_83 = arith.subf %parallel_loop3A_82, %parallel_loop3A_64 : vector<16xf32>
        %parallel_loop3A_84 = arith.remf %parallel_loop3A_83, %add3A_9 : vector<16xf32>
        %parallel_loop3A_85 = arith.cmpf olt, %parallel_loop3A_84, %select_n3A : vector<16xf32>
        %parallel_loop3A_86 = arith.addf %parallel_loop3A_84, %add3A_9 : vector<16xf32>
        %parallel_loop3A_87 = arith.select %parallel_loop3A_85, %parallel_loop3A_86, %parallel_loop3A_84 : vector<16xi1>, vector<16xf32>
        %parallel_loop3A_88 = arith.index_cast %parallel_loop3A_56 : i32 to index
        %parallel_loop3A_89 = tpu.vector_load %arg21[%parallel_loop3A_88] {strides = array<i32>} : memref<2000xf32, #tpu.memory_space<vmem>>, vector<16xf32>,
        tpu.vector_store %arg21[%parallel_loop3A_88], %parallel_loop3A_87 {strides = array<i32>} : memref<2000xf32, #tpu.memory_space<vmem>>, vector<16xf32>,
        %parallel_loop3A_90 = arith.index_cast %parallel_loop3A_56 : i32 to index
        %parallel_loop3A_91 = tpu.vector_load %arg18[%parallel_loop3A_90] {strides = array<i32>} : memref<2000xf32, #tpu.memory_space<vmem>>, vector<16xf32>,
        %parallel_loop3A_92 = arith.index_cast %parallel_loop3A_56 : i32 to index
        %parallel_loop3A_93 = tpu.vector_load %arg15[%parallel_loop3A_92] {strides = array<i32>} : memref<2000xf32, #tpu.memory_space<vmem>>, vector<16xf32>,
        %parallel_loop3A_94 = arith.mulf %parallel_loop3A_93, %parallel_loop3A_76 : vector<16xf32>
        %parallel_loop3A_95 = arith.addf %parallel_loop3A_91, %parallel_loop3A_94 : vector<16xf32>
        %parallel_loop3A_96 = arith.subf %parallel_loop3A_95, %parallel_loop3A_68 : vector<16xf32>
        %parallel_loop3A_97 = arith.remf %parallel_loop3A_96, %add3A_9 : vector<16xf32>
        %parallel_loop3A_98 = arith.cmpf olt, %parallel_loop3A_97, %select_n3A : vector<16xf32>
        %parallel_loop3A_99 = arith.addf %parallel_loop3A_97, %add3A_9 : vector<16xf32>
        %parallel_loop3A_100 = arith.select %parallel_loop3A_98, %parallel_loop3A_99, %parallel_loop3A_97 : vector<16xi1>, vector<16xf32>
        %parallel_loop3A_101 = arith.index_cast %parallel_loop3A_56 : i32 to index
        %parallel_loop3A_102 = tpu.vector_load %arg22[%parallel_loop3A_101] {strides = array<i32>} : memref<2000xf32, #tpu.memory_space<vmem>>, vector<16xf32>,
        tpu.vector_store %arg22[%parallel_loop3A_101], %parallel_loop3A_100 {strides = array<i32>} : memref<2000xf32, #tpu.memory_space<vmem>>, vector<16xf32>,
        %parallel_loop3A_103 = arith.index_cast %parallel_loop3A_56 : i32 to index
        %parallel_loop3A_104 = tpu.vector_load %arg19[%parallel_loop3A_103] {strides = array<i32>} : memref<2000xf32, #tpu.memory_space<vmem>>, vector<16xf32>,
        %parallel_loop3A_105 = arith.index_cast %parallel_loop3A_56 : i32 to index
        %parallel_loop3A_106 = tpu.vector_load %arg16[%parallel_loop3A_105] {strides = array<i32>} : memref<2000xf32, #tpu.memory_space<vmem>>, vector<16xf32>,
        %parallel_loop3A_107 = arith.mulf %parallel_loop3A_106, %parallel_loop3A_76 : vector<16xf32>
        %parallel_loop3A_108 = arith.addf %parallel_loop3A_104, %parallel_loop3A_107 : vector<16xf32>
        %parallel_loop3A_109 = arith.subf %parallel_loop3A_108, %parallel_loop3A_72 : vector<16xf32>
        %parallel_loop3A_110 = arith.remf %parallel_loop3A_109, %add3A_9 : vector<16xf32>
        %parallel_loop3A_111 = arith.cmpf olt, %parallel_loop3A_110, %select_n3A : vector<16xf32>
        %parallel_loop3A_112 = arith.addf %parallel_loop3A_110, %add3A_9 : vector<16xf32>
        %parallel_loop3A_113 = arith.select %parallel_loop3A_111, %parallel_loop3A_112, %parallel_loop3A_110 : vector<16xi1>, vector<16xf32>
        %parallel_loop3A_114 = arith.index_cast %parallel_loop3A_56 : i32 to index
        %parallel_loop3A_115 = tpu.vector_load %arg23[%parallel_loop3A_114] {strides = array<i32>} : memref<2000xf32, #tpu.memory_space<vmem>>, vector<16xf32>,
        tpu.vector_store %arg23[%parallel_loop3A_114], %parallel_loop3A_113 {strides = array<i32>} : memref<2000xf32, #tpu.memory_space<vmem>>, vector<16xf32>,
      } {sc.loop_unroll_factor = 4 : i64, sc.parallel_access}
      "tpu.region"() ({
        %run_scoped3A = tpu.sem_alloc : memref<!tpu.dma_semaphore, #tpu.memory_space<semaphore_mem>>
        %dma_start3A_54 = tpu.memref_slice %arg10[%multiple_of3A_21] : memref<1600000xf32, #tpu.memory_space<hbm>> -> memref<2000xf32, #tpu.memory_space<hbm>>
        %dma_start3A_55 = tpu.memref_slice %arg10[%multiple_of3A_21] : memref<1600000xf32, #tpu.memory_space<hbm>> -> memref<2000xf32, #tpu.memory_space<hbm>>
        tpu.enqueue_dma source(%arg21 : memref<2000xf32, #tpu.memory_space<vmem>>) target(%dma_start3A_55 : memref<2000xf32, #tpu.memory_space<hbm>>) target_semaphore(%run_scoped3A : memref<!tpu.dma_semaphore, #tpu.memory_space<semaphore_mem>>)
        %dma_wait3A_56 = tpu.memref_slice %arg10[%multiple_of3A_21] : memref<1600000xf32, #tpu.memory_space<hbm>> -> memref<2000xf32, #tpu.memory_space<hbm>>
        %dma_wait3A_57 = tpu.memref_slice %arg10[%multiple_of3A_21] : memref<1600000xf32, #tpu.memory_space<hbm>> -> memref<2000xf32, #tpu.memory_space<hbm>>
        tpu.wait_dma2 semaphore(%run_scoped3A : memref<!tpu.dma_semaphore, #tpu.memory_space<semaphore_mem>>) src(%arg21 : memref<2000xf32, #tpu.memory_space<vmem>>) dst(%dma_wait3A_57 : memref<2000xf32, #tpu.memory_space<hbm>>)
        tpu.yield
      }) : () -> ()
      "tpu.region"() ({
        %run_scoped3A = tpu.sem_alloc : memref<!tpu.dma_semaphore, #tpu.memory_space<semaphore_mem>>
        %dma_start3A_54 = tpu.memref_slice %arg11[%multiple_of3A_21] : memref<1600000xf32, #tpu.memory_space<hbm>> -> memref<2000xf32, #tpu.memory_space<hbm>>
        %dma_start3A_55 = tpu.memref_slice %arg11[%multiple_of3A_21] : memref<1600000xf32, #tpu.memory_space<hbm>> -> memref<2000xf32, #tpu.memory_space<hbm>>
        tpu.enqueue_dma source(%arg22 : memref<2000xf32, #tpu.memory_space<vmem>>) target(%dma_start3A_55 : memref<2000xf32, #tpu.memory_space<hbm>>) target_semaphore(%run_scoped3A : memref<!tpu.dma_semaphore, #tpu.memory_space<semaphore_mem>>)
        %dma_wait3A_56 = tpu.memref_slice %arg11[%multiple_of3A_21] : memref<1600000xf32, #tpu.memory_space<hbm>> -> memref<2000xf32, #tpu.memory_space<hbm>>
        %dma_wait3A_57 = tpu.memref_slice %arg11[%multiple_of3A_21] : memref<1600000xf32, #tpu.memory_space<hbm>> -> memref<2000xf32, #tpu.memory_space<hbm>>
        tpu.wait_dma2 semaphore(%run_scoped3A : memref<!tpu.dma_semaphore, #tpu.memory_space<semaphore_mem>>) src(%arg22 : memref<2000xf32, #tpu.memory_space<vmem>>) dst(%dma_wait3A_57 : memref<2000xf32, #tpu.memory_space<hbm>>)
        tpu.yield
      }) : () -> ()
      "tpu.region"() ({
        %run_scoped3A = tpu.sem_alloc : memref<!tpu.dma_semaphore, #tpu.memory_space<semaphore_mem>>
        %dma_start3A_54 = tpu.memref_slice %arg12[%multiple_of3A_21] : memref<1600000xf32, #tpu.memory_space<hbm>> -> memref<2000xf32, #tpu.memory_space<hbm>>
        %dma_start3A_55 = tpu.memref_slice %arg12[%multiple_of3A_21] : memref<1600000xf32, #tpu.memory_space<hbm>> -> memref<2000xf32, #tpu.memory_space<hbm>>
        tpu.enqueue_dma source(%arg23 : memref<2000xf32, #tpu.memory_space<vmem>>) target(%dma_start3A_55 : memref<2000xf32, #tpu.memory_space<hbm>>) target_semaphore(%run_scoped3A : memref<!tpu.dma_semaphore, #tpu.memory_space<semaphore_mem>>)
        %dma_wait3A_56 = tpu.memref_slice %arg12[%multiple_of3A_21] : memref<1600000xf32, #tpu.memory_space<hbm>> -> memref<2000xf32, #tpu.memory_space<hbm>>
        %dma_wait3A_57 = tpu.memref_slice %arg12[%multiple_of3A_21] : memref<1600000xf32, #tpu.memory_space<hbm>> -> memref<2000xf32, #tpu.memory_space<hbm>>
        tpu.wait_dma2 semaphore(%run_scoped3A : memref<!tpu.dma_semaphore, #tpu.memory_space<semaphore_mem>>) src(%arg23 : memref<2000xf32, #tpu.memory_space<vmem>>) dst(%dma_wait3A_57 : memref<2000xf32, #tpu.memory_space<hbm>>)
        tpu.yield
      }) : () -> ()
      %scan3A_53 = arith.constant 0 : i32
      scf.yield %scan3A_53 : i32
    }
    %scan3A_15 = arith.constant 25 : i32
    return
  }
}

</mosaic_0001>

<sc_bundles>
// kernel: kernel.4.cloned.1.call-start
scs
__scs_entry_jumppad:
0x0: {  	(pc) =	sbr.rel $0x88, $3  }
0x1: {  	(tag) =	ssettag $0x0;
	lr =	simm.s32 $0x1  }
0x2: {  	[smem:$0x3F99] =	sst lr;
	_ =	strace $0xD0000000  }
0x3: {  	_ = 	snop  }
0x4: {  	_ = 	snop  }
0x5: {  	_ = 	snop  }
0x6: {  	_ = 	snop  }
0x7: {  	_ = 	snop  }
__scs_overlays_trampoline_lowered:
0x8: {  	[smem:$0x3FA8] =	sst s0  }
0x9: {  	[smem:$0x3FA9] =	sst s1  }
0xa: {  	[smem:$0x3FAA] =	sst s2  }
0xb: {  	[smem:$0x3FAB] =	sst s3  }
0xc: {  	[smem:$0x3FAC] =	sst s4  }
0xd: {  	[smem:$0x3FAD] =	sst s5  }
0xe: {  	[smem:$0x3FAE] =	sst s6  }
0xf: {  	[smem:$0x3FAF] =	sst s7  }
0x10: {  	[smem:$0x3FB0] =	sst s8  }
0x11: {  	[smem:$0x3FB1] =	sst s9;
	s0 =	simm.s32 @!p0 $0x0  }
0x12: {  	s1 =	sld [smem:$0x3F97];
	s0 =	simm.s32 @p0 $0x1  }
0x13: {  	[smem:$0x3FB2] =	sst s0;
	s0 =	simm.s32 @!p1 $0x0  }
0x14: {  	s2 =	sld [smem:$0x3F96];
	s0 =	simm.s32 @p1 $0x1  }
0x15: {  	[smem:$0x3FB3] =	sst s0;
	s0 =	simm.s32 @!p2 $0x0  }
0x16: {  	s3 =	sld [smem:$0x3FDB];
	s0 =	simm.s32 @p2 $0x1  }
0x17: {  	s4 =	simm.s32 $0x1BF5;
	[smem:$0x3FB5] =	sst s0  }
0x18: {  	s0 =	sld [smem:$0x3F98];
	_ =	swait.ge [sflag:s4], $0x0  }
0x19: {  	s7 =	sld [smem:$0x3F99]  }
0x1a: {  	s8 =	sadd.s32 $0xFFFFE003, lr  }
0x1b: {  	s9 =	sadd.s32 $0xFFFFFEF7, lr;
	s5 =	simm.s32 $0xFFFFFFFF;
	p2 =	slt.u32 s8, $0xFFFFF086  }
0x1c: {  	p1 =	slt.u32 s9, $0xF7A;
	s5 =	simm.s32 @!p2 $0x0  }
0x1d: {  	s5 =	simm.s32 @p1 $0x1;
	p0 =	seq.s32 s7, s2  }
0x1e: {  	s7 =	smul.u32 @!p0 $0xF7A, s2;
	p2 =	seq.s32 @!p0 s5, $0x0  }
0x1f: {  	s9 =	smul.u32 $0xF7A, s1;
	s8 =	simm.s32 @!p0 $0x1BF5;
	p2 =	por !p2, p0  }
0x20: {  	[sflag:s8] =	ssyncset.s32 @!p0 $0xFFFFF086;
	s6 =	sadd.s32 @!p0 s3, s7;
	s7 =	simm.s32 @!p0 $0x108  }
0x21: {  	s3 =	sadd.s32 s3, s9;
	s6 =	sadd.s32 @!p0 $0x88, s6;
	s7 =	simm.s32 @p2 $0x1082  }
0x22: {  	[simem:s7], [sflag:s8] =	dma.local @!p0 [hbm:s6], $0xF7A  }
0x23: {  	s9 =	sor.u32 $0xD0000000, s2;
	s6 =	simm.s32 $0x108;
	_ =	swait.ge @!p0 [sflag:s8], $0x0  }
0x24: {  	s3 =	sadd.s32 $0x88, s3;
	s6 =	simm.s32 @!p1 $0x1082;
	[sflag:s4] =	ssyncset.s32 $0xFFFFF086  }
0x25: {  	[simem:s6], [sflag:s4] =	dma.local [hbm:s3], $0xF7A  }
0x26: {  	[smem:$0x3F99] =	sst s1;
	(tag) =	ssettag s2;
	_ =	strace s9  }
0x27: {  	s1 =	sld [smem:$0x3FA9]  }
0x28: {  	s2 =	sld [smem:$0x3FAA]  }
0x29: {  	s4 =	sld [smem:$0x3FAC]  }
0x2a: {  	p0 =	seq.s32 s5, $0x0;
	s5 =	sld [smem:$0x3FAD]  }
0x2b: {  	s6 =	sld [smem:$0x3FAE]  }
0x2c: {  	s7 =	sld [smem:$0x3FAF]  }
0x2d: {  	s3 =	simm.s32 $0x108;
	s8 =	sld [smem:$0x3FB0]  }
0x2e: {  	s3 =	simm.s32 @!p0 $0x1082;
	s9 =	sld [smem:$0x3FB1]  }
0x2f: {  	lr =	sadd.s32 s0, s3;
	s0 =	sld [smem:$0x3FA8]  }
0x30: {  	s3 =	sld [smem:$0x3FAB]  }
0x31: {  	[smem:$0x3FB4] =	sst s10  }
0x32: {  	s10 =	sld [smem:$0x3FB2];
	_ =	sdelay $0x3  }
0x33: {  	p0 =	seq.s32 s10, $0x1;
	s10 =	sld [smem:$0x3FB4];
	_ =	sdelay $0x3  }
0x34: {  	[smem:$0x3FB4] =	sst s10  }
0x35: {  	s10 =	sld [smem:$0x3FB3];
	_ =	sdelay $0x3  }
0x36: {  	p1 =	seq.s32 s10, $0x1;
	s10 =	sld [smem:$0x3FB4];
	_ =	sdelay $0x3  }
0x37: {  	[smem:$0x3FB4] =	sst s10  }
0x38: {  	s10 =	sld [smem:$0x3FB5]  }
0x39: {  	_ = 	snop;
	(pc) =	sbr.ind lr, $3  }
0x3a: {  	_ = 	snop  }
0x3b: {  	_ = 	snop  }
0x3c: {  	p2 =	seq.s32 s10, $0x1;
	s10 =	sld [smem:$0x3FB4]  }
0x3d: {  	_ =	shalt  }
0x3e: {  	_ =	shalt  }
0x3f: {  	_ =	shalt  }
0x40: {  	_ =	shalt  }
0x41: {  	_ =	shalt  }
0x42: {  	_ =	shalt  }
0x43: {  	_ =	shalt  }
0x44: {  	_ =	shalt  }
0x45: {  	_ =	shalt  }
0x46: {  	_ =	shalt  }
0x47: {  	_ =	shalt  }
0x48: {  	_ =	shalt  }
0x49: {  	_ =	shalt  }
0x4a: {  	_ =	shalt  }
0x4b: {  	_ =	shalt  }
0x4c: {  	_ =	shalt  }
0x4d: {  	_ =	shalt  }
0x4e: {  	_ =	shalt  }
0x4f: {  	_ =	shalt  }
0x50: {  	_ =	shalt  }
0x51: {  	_ =	shalt  }
0x52: {  	_ =	shalt  }
0x53: {  	_ =	shalt  }
0x54: {  	_ =	shalt  }
0x55: {  	_ =	shalt  }
0x56: {  	_ =	shalt  }
0x57: {  	_ =	shalt  }
0x58: {  	_ =	shalt  }
0x59: {  	_ =	shalt  }
0x5a: {  	_ =	shalt  }
0x5b: {  	_ =	shalt  }
0x5c: {  	_ =	shalt  }
0x5d: {  	_ =	shalt  }
0x5e: {  	_ =	shalt  }
0x5f: {  	_ =	shalt  }
0x60: {  	_ =	shalt  }
0x61: {  	_ =	shalt  }
0x62: {  	_ =	shalt  }
0x63: {  	_ =	shalt  }
0x64: {  	_ =	shalt  }
0x65: {  	_ =	shalt  }
0x66: {  	_ =	shalt  }
0x67: {  	_ =	shalt  }
0x68: {  	_ =	shalt  }
0x69: {  	_ =	shalt  }
0x6a: {  	_ =	shalt  }
0x6b: {  	_ =	shalt  }
0x6c: {  	_ =	shalt  }
0x6d: {  	_ =	shalt  }
0x6e: {  	_ =	shalt  }
0x6f: {  	_ =	shalt  }
0x70: {  	_ =	shalt  }
0x71: {  	_ =	shalt  }
0x72: {  	_ =	shalt  }
0x73: {  	_ =	shalt  }
0x74: {  	_ =	shalt  }
0x75: {  	_ =	shalt  }
0x76: {  	_ =	shalt  }
0x77: {  	_ =	shalt  }
0x78: {  	_ =	shalt  }
0x79: {  	_ =	shalt  }
0x7a: {  	_ =	shalt  }
0x7b: {  	_ =	shalt  }
0x7c: {  	_ =	shalt  }
0x7d: {  	_ =	shalt  }
0x7e: {  	_ =	shalt  }
0x7f: {  	_ =	shalt  }
0x80: {  	_ =	shalt  }
0x81: {  	_ =	shalt  }
0x82: {  	_ =	shalt  }
0x83: {  	_ =	shalt  }
0x84: {  	_ =	shalt  }
0x85: {  	_ =	shalt  }
0x86: {  	_ =	shalt  }
0x87: {  	_ =	shalt  }
.Lfunc_end0:
.L_simem_size_0:
called_computation_lowered:
.L_overlay_start_0:
0x88: {  	s2 =	sld [smem:$0x3FD9]  }
0x89: {  	s3 =	sld [smem:$0x3FFE];
	_ =	sdelay $0x1  }
0x8a: {  	s1 =	srdreg.scid  }
0x8b: {  	s0 =	sand.u32 $0x1, s1  }
0x8c: {  	s14 =	sshll.u32 s0, $0xA;
	s2 =	sadd.s32 s3, s2  }
0x8d: {  	s2 =	sadd.s32 s2, s14  }
0x8e: {  	[smem:$0x3FC0] =	sst s2  }
0x8f: {  	_ = 	snop  }
0x90: {  	s2 =	sld [smem:$0x3FD0];
	_ =	sdelay $0x1  }
0x91: {  	s15 =	sld [smem:$0x3FC4]  }
0x92: {  	s5 =	simm.s32 $0xA;
	s6 =	simm.s32 $0x10;
	s4 =	sld [smem:$0x3FC3]  }
0x93: {  	[smem:s6], [sflag:s5] =	dma.local [hbm:s2], $0x1  }
0x94: {  	_ =	swait.eq [sflag:s5], $0x1  }
0x95: {  	[sflag:s5] =	ssyncset.done $0x0  }
0x96: {  	s16 =	sld [smem:$0x10];
	[sflag:s5] =	ssyncadd.s32 $0xFFFFFFFF  }
0x97: {  	s17 =	sld [smem:$0x11];
	(tm) =	ssettm $0x1  }
0x98: {  	s18 =	sld [smem:$0x3FFB];
	_ =	sdelay $0x3  }
0x99: {  	_ =	strace s18  }
0x9a: {  	s6 =	sld [smem:$0x3FFC];
	_ =	sdelay $0x3  }
0x9b: {  	_ =	strace s6  }
0x9c: {  	s6 =	sld [smem:$0x3FFD];
	_ =	sdelay $0x3  }
0x9d: {  	_ =	strace s6  }
0x9e: {  	_ =	strace $0x8FFFFFFF  }
0x9f: {  	s19 =	sld [smem:$0x3FDB];
	_ =	sdelay $0x1  }
0xa0: {  	s7 =	simm.s32 $_scs_section_size  }
0xa1: {  	s8 =	simm.s32 $_size__tile_overlayer_lowered;
	s9 =	simm.s32 $_tile_overlayer_lowered  }
0xa2: {  	s22 =	simm.s32 $0x1BFF;
	s21 =	sshll.u32 s9, $0x1;
	s6 =	sadd.s32 s7, s19  }
0xa3: {  	s10 =	simm.s32 $0x0;
	s20 =	sshll.u32 s8, $0x1;
	s8 =	sadd.s32 s21, s6  }
0xa4: {  	[timem:s10], [sflag:s22] =	dma.local [hbm:s8], s20  }
0xa5: {  	_ =	swait.ge [sflag:s22], s20  }
0xa6: {  	s7 =	ssub.s32 $0x0, s20;
	[sflag:s22] =	ssyncset.done $0x0  }
0xa7: {  	[sflag:s22] =	ssyncadd.s32 s7;
	_ =	sdelay $0x1  }
0xa8: {  	s23 =	simm.s32 $0x1B8B  }
0xa9: {  	_ =	swait.ge [sflag:s23], $0x1  }
0xaa: {  	[sflag:s23] =	ssyncset.done $0x0  }
0xab: {  	s25 =	simm.s32 $0x1B8E;
	s24 =	sld [smem:$0x3FFE];
	[sflag:s23] =	ssyncadd.s32 $0xFFFFFFFF  }
0xac: {  	s26 =	simm.s32 $execute0_lowered;
	[smem:$0x3FD2] =	sst s25  }
0xad: {  	s8 =	sshll.u32 s26, $0x1;
	_ =	strace $0x80000046;
	[dreg:$0x1] =	wrdreg $0xFFFFFFFF  }
0xae: {  	s28 =	simm.s32 $_size_execute0_lowered;
	s6 =	sadd.s32 s6, s8;
	[dreg:$0x0] =	wrdreg $0x0  }
0xaf: {  	s8 =	sshll.u32 s28, $0x1;
	[dreg:$0x2] =	wrdreg s6  }
0xb0: {  	[dreg:$0x3] =	wrdreg s8  }
0xb1: {  	[dreg:$0x4] =	wrdreg $0xC0  }
0xb2: {  	_ =	task [dreg:s10], $0x5FFFF  }
0xb3: {  	[dreg:$0x1] =	wrdreg $0xFFFFFFFF  }
0xb4: {  	[dreg:$0x0] =	wrdreg $0x60  }
0xb5: {  	[dreg:$0x2] =	wrdreg s24  }
0xb6: {  	[dreg:$0x3] =	wrdreg s16  }
0xb7: {  	[dreg:$0x4] =	wrdreg s4  }
0xb8: {  	[dreg:$0x5] =	wrdreg s15  }
0xb9: {  	[dreg:$0x6] =	wrdreg s17  }
0xba: {  	[dreg:$0x7] =	wrdreg $0x9  }
0xbb: {  	_ =	task.clear_ibuf [dreg:s10], $0x8FFFF;
	_ =	strace $0x90000046  }
0xbc: {  	s29 =	simm.s32 $0x9;
	_ =	strace $0x80000048  }
0xbd: {  	_ =	swait.ge [sflag:s29], $0x1  }
0xbe: {  	[sflag:s29] =	ssyncadd.s32 $0xFFFFFFFF  }
0xbf: {  	_ =	strace $0x90000048  }
0xc0: {  	_ =	sfence  }
0xc1: {  	s30 =	sld [smem:$0x0];
	_ =	sdelay $0x2  }
0xc2: {  	s31 =	sshll.u32 s1, $0xD;
	s1 =	sshrl.u32 s1, $0x2  }
0xc3: {  	s3 =	sand.u32 $0x4000, s31;
	s1 =	sadd.s32 s1, s30  }
0xc4: {  	s0 =	sor.u32 s3, s0;
	s1 =	sshll.u32 s1, $0x11  }
0xc5: {  	s0 =	sor.u32 s1, s0  }
0xc6: {  	s0 =	sadd.s32 $0x8F2B, s0  }
0xc7: {  	[sflag:s0] =	ssyncadd.remote.s32 $0x1  }
0xc8: {  	_ =	sfence.sel $0xFFFF  }
0xc9: {  	[dreg:$0x0] =	wrdreg $0xFFFFFFFF;
	(pc) =	sbr.abs _section_cstart, $3  }
0xca: {  	[dreg:$0x1] =	wrdreg $0xFFFFFFFF  }
0xcb: {  	_ =	task.clear_ibuf [dreg:s10], $0x2FFFF;
	_ =	strace $0x9FFFFFFF  }
0xcc: {  	(tm) =	ssettm $0x7FFFFFFF  }
0xcd: {  	_ =	shalt  }
tec
execute0_lowered:
.L_overlay_start_1:
0x0: {  	(tag) =	ssettag $0x1  }
0x1: {  	s0 =	srdreg.scid  }
0x2: {  	s2 =	stileid.u32;
	s1 =	rddreg [dreg:$0x0]  }
0x3: {  	s3 =	rddreg [dreg:$0x4];
	s10 =	simm.s32 $0x0;
	s17 =	simm.s32 $0x2  }
0x4: {  	s18 =	simm.s32 $0x40;
	s19 =	simm.s32 $0xC0;
	s28 =	simm.s32 $0x2040  }
0x5: {  	s29 =	simm.s32 $0x2680;
	s30 =	simm.s32 $0x8BF0;
	s0 =	sand.u32 $0x1, s0  }
0x6: {  	v8 =	vimm.s32 $0x7654321;
	s2 =	sshll.u32 s2, $0x1;
	[smem:$0x7FF] =	sst s10;
	s7 =	sadd.s32 $0x32C00, s1  }
0x7: {  	v2 =	vimm.f32 $0.0e+00;
	v3 =	vlaneseq.u32;
	v9 =	vimm.s32 $0x10765432;
	s8 =	sadd.s32 $0x1E00, s1;
	s9 =	sadd.s32 $0x73400, s1;
	s23 =	sadd.s32 $0x73600, s1  }
0x8: {  	vm0 =	vcmask $0x3F3C;
	vm1 =	vmmov $0x7fff;
	v11 =	vimm.s32 $0x21076543;
	s24 =	sadd.s32 $0x65400, s1;
	_ =	strace $0x80000047;
	[dreg:$0x7] =	wrdreg s9  }
0x9: {  	v16 =	vimm.s32 $0x32107654;
	v17 =	vimm.s32 $0x43210765;
	v18 =	vimm.s32 $0x54321076;
	s5 =	sor.u32 s0, s2;
	[dreg:$0x8] =	wrdreg s23;
	s0 =	ssub.s32 $0x2, s0  }
0xa: {  	v4 =	vor.u32 $0x620, v3;
	v5 =	vadd.s32 $0x621, v3;
	v6 =	vmul.u32 $0x4, v3;
	[dreg:$0x9] =	wrdreg s24;
	s23 =	simm.s32 $0x1;
	s2 =	smul.u32 $0x620, s5  }
0xb: {  	v63 =	vmul.u32 $0x9, v3;
	v10 =	vunpack.c.l.s4.s8 v8;
	v8 =	vand.u32 $0x7, v3;
	s24 =	simm.s32 $0xD80;
	s21 =	smul.u32 $0x6E4, s5;
	s25 =	sshrl.u32 s0, $0x1  }
0xc: {  	v12 =	vunpack.c.l.s4.s8 v9;
	v14 =	vunpack.c.l.s4.s8 v11;
	v16 =	vunpack.c.l.s4.s8 v16;
	[dreg:$0x6] =	wrdreg s5;
	s22 =	smul.u32 $0x310, s5;
	s0 =	ssub.s32 s0, s25  }
0xd: {  	v20 =	vunpack.c.l.s4.s8 v18;
	v18 =	vimm.s32 $0x65432107;
	s25 =	simm.s32 $0x13C0;
	s4 =	smin.u32 s2, $0xBD30;
	v0 =	vmov s2;
	s2 =	sshrl.u32 s2, $0x3  }
0xe: {  	v19 =	vunpack.c.l.s4.s8 v17;
	v22 =	vunpack.c.l.s4.s8 v18;
	v7 =	vadd.s32 $0x1, v63;
	s0 =	smax.u32 s0, $0x1;
	s4 =	sadd.s32 $0x620, s4;
	s6 =	sadd.s32 s2, s1  }
0xf: {  	v9 =	vunpack.c.0.s8.s32 v10;
	v10 =	vadd.s32 $0x2, v63;
	s31 =	sadd.s32 s3, s2;
	[dreg:$0xe] =	wrdreg s0;
	v1 =	vmov s4;
	s4 =	sadd.s32 s21, s1  }
0x10: {  	v62 =	vunpack.c.0.s8.s32 v12;
	v57 =	vadd.s32 $0x3, v63;
	v13 =	vunpack.c.0.s8.s32 v14;
	s1 =	sadd.s32 s22, s1;
	s26 =	sadd.s32 $0x63A00, s6;
	[dreg:$0xd] =	wrdreg s31  }
0x11: {  	v58 =	vadd.s32 $0x4, v63;
	v61 =	vunpack.c.0.s8.s32 v16;
	v56 =	vadd.s32 $0x6, v63;
	s21 =	simm.s32 $0x54D0;
	[dreg:$0xa] =	wrdreg s26;
	s4 =	sadd.s32 $0x65600, s4  }
0x12: {  	v59 =	vadd.s32 $0x5, v63;
	v11 =	vunpack.c.0.s8.s32 v19;
	v16 =	vunpack.c.0.s8.s32 v20;
	[tilespmem:$0x1FFE0] =	vst v56;
	s22 =	simm.s32 $0x2CC0;
	s1 =	sadd.s32 $0x73800, s1;
	[dreg:$0xb] =	wrdreg s4  }
0x13: {  	v60 =	vadd.s32 $0x7, v63;
	v14 =	vadd.s32 $0x8, v63;
	v21 =	vunpack.c.0.s8.s32 v22;
	[tilespmem:$0x1FFF0] =	vst v57;
	s26 =	simm.s32 $0x1A00;
	[dreg:$0xc] =	wrdreg s1;
	s1 =	simm.s32 $0x0  }
.LBB2_1:
0x14: {  	[dreg:$0xf] =	wrdreg s1  }
0x15: {  	s0 =	rddreg [dreg:$0x9]  }
0x16: {  	[tilespmem:s10], [sflag:$0x2] =	stream.linear.gather [hbm4b:s0+s10], $0x40, $0x38;
	[tilespmem:$0xAA90] =	vst v63  }
0x17: {  	_ =	swait.ge [sflag:s17], $0x40  }
0x18: {  	[sflag:s17] =	ssyncset.done $0x0  }
0x19: {  	s12 =	rddreg [dreg:$0x7];
	[sflag:s17] =	ssyncadd.s32 $0xFFFFFFC0  }
0x1a: {  	[tilespmem:s18], [sflag:$0x2] =	stream.linear.gather [hbm4b:s12+s10], $0x80, $0x38;
	[tilespmem:$0xAA90] =	vst v63  }
0x1b: {  	_ =	swait.ge [sflag:s17], $0x80  }
0x1c: {  	[sflag:s17] =	ssyncset.done $0x0  }
0x1d: {  	s13 =	rddreg [dreg:$0x8];
	[sflag:s17] =	ssyncadd.s32 $0xFFFFFF80  }
0x1e: {  	[tilespmem:s19], [sflag:$0x2] =	stream.linear.gather [hbm4b:s13+s10], $0x80, $0x38;
	[tilespmem:$0xAA90] =	vst v63  }
0x1f: {  	_ =	swait.ge [sflag:s17], $0x80  }
0x20: {  	[sflag:s17] =	ssyncset.done $0x0  }
0x21: {  	s15 =	simm.s32 $0x140;
	s14 =	rddreg [dreg:$0xa];
	[sflag:s17] =	ssyncadd.s32 $0xFFFFFF80  }
0x22: {  	[tilespmem:s15], [sflag:$0x2] =	stream.linear.gather [hbm4b:s14+s10], $0x620, $0x38;
	[tilespmem:$0xAA90] =	vst v63  }
0x23: {  	_ =	swait.ge [sflag:s17], $0x620  }
0x24: {  	[sflag:s17] =	ssyncset.done $0x0  }
0x25: {  	s16 =	rddreg [dreg:$0xb];
	[sflag:s17] =	ssyncadd.s32 $0xFFFFF9E0  }
0x26: {  	[tilespmem:s21], [sflag:$0x2] =	stream.linear.gather [hbm4b:s16+s10], $0x3720, $0x38;
	[tilespmem:$0xAA90] =	vst v63  }
0x27: {  	_ =	swait.ge [sflag:s17], $0x3720  }
0x28: {  	[sflag:s17] =	ssyncset.done $0x0  }
0x29: {  	s20 =	simm.s32 $0x160;
	[sflag:s17] =	ssyncadd.s32 $0xFFFFC8E0  }
0x2a: {  	v24 =	vld [tilespmem:s20+$0x10]  }
0x2b: {  	v25 =	vld [tilespmem:s20+$0xFFFFFFE0];
	_ =	sdelay $0x6  }
0x2c: {  	v26 =	vld.idx.msk [tilespmem:v24+s18+$0x0], $0xffff  }
0x2d: {  	v25 =	vld.idx.msk [tilespmem:v25+s18+$0x0], $0xffff;
	_ =	sdelay $0x2  }
0x2e: {  	s0 =	simm.s32 $0x780;
	s31 =	rddreg [dreg:$0x6];
	v27 =	vld [tilespmem:s20+$0xFFFFFFF0]  }
0x2f: {  	v24 =	vld [tilespmem:s31+$0x0];
	[tilespmem:s0+$0x10] =	vst v26  }
0x30: {  	s2 =	simm.s32 $0xDA0;
	v28 =	vld [tilespmem:s20+$0x0];
	[tilespmem:s0+$0xFFFFFFE0] =	vst v25  }
0x31: {  	[tilespmem:s2+$0x10] =	vst v2  }
0x32: {  	s3 =	simm.s32 $0x13E0;
	[tilespmem:s2+$0xFFFFFFE0] =	vst v2  }
0x33: {  	[tilespmem:s3+$0x10] =	vst v2  }
0x34: {  	s4 =	simm.s32 $0x1A20;
	[tilespmem:s3+$0xFFFFFFE0] =	vst v2  }
0x35: {  	[tilespmem:s4+$0x10] =	vst v2  }
0x36: {  	s6 =	simm.s32 $0x2060;
	v26 =	vld.idx.msk [tilespmem:v27+s18+$0x0], $0xffff;
	[tilespmem:s4+$0xFFFFFFE0] =	vst v2  }
0x37: {  	s9 =	simm.s32 $0x26A0;
	[tilespmem:s6+$0x10] =	vst v2  }
0x38: {  	s1 =	simm.s32 $0x1800;
	s11 =	simm.s32 $0x1A0;
	s10 =	simm.s32 $0x0;
	v25 =	vld.idx.msk [tilespmem:v28+s18+$0x0], $0xffff;
	[tilespmem:s9+$0x10] =	vst v2  }
.LBB2_2:
0x39: {  	v27 =	vld [tilespmem:s11+$0x10];
	[tilespmem:s6+$0xFFFFFFE0] =	vst v2  }
0x3a: {  	v28 =	vld [tilespmem:s11+$0xFFFFFFF0];
	[tilespmem:s9+$0xFFFFFFE0] =	vst v2  }
0x3b: {  	v29 =	vld [tilespmem:s11+$0x0];
	[tilespmem:s0+$0xFFFFFFF0] =	vst v26  }
0x3c: {  	v30 =	vld [tilespmem:s11+$0xFFFFFFE0];
	[tilespmem:s2+$0xFFFFFFF0] =	vst v2  }
0x3d: {  	[tilespmem:s3+$0xFFFFFFF0] =	vst v2  }
0x3e: {  	s10 =	sadd.s32 $0x4, s10;
	[tilespmem:s4+$0xFFFFFFF0] =	vst v2  }
0x3f: {  	p0 =	slt.u32 s10, $0x5C;
	[tilespmem:s6+$0xFFFFFFF0] =	vst v2  }
0x40: {  	[tilespmem:s9+$0xFFFFFFF0] =	vst v2  }
0x41: {  	v27 =	vld.idx.msk [tilespmem:v27+s18+$0x0], $0xffff;
	[tilespmem:s0+$0x0] =	vst v25  }
0x42: {  	v26 =	vld.idx.msk [tilespmem:v28+s18+$0x0], $0xffff;
	[tilespmem:s2+$0x0] =	vst v2  }
0x43: {  	v25 =	vld.idx.msk [tilespmem:v29+s18+$0x0], $0xffff;
	[tilespmem:s3+$0x0] =	vst v2  }
0x44: {  	v28 =	vld.idx.msk [tilespmem:v30+s18+$0x0], $0xffff;
	[tilespmem:s4+$0x0] =	vst v2  }
0x45: {  	[tilespmem:s6+$0x0] =	vst v2  }
0x46: {  	s0 =	sadd.s32 $0x40, s0;
	[tilespmem:s9+$0x0] =	vst v2  }
0x47: {  	s2 =	sadd.s32 $0x40, s2;
	[tilespmem:s0+$0x10] =	vst v27  }
0x48: {  	s3 =	sadd.s32 $0x40, s3;
	[tilespmem:s2+$0x10] =	vst v2  }
0x49: {  	s4 =	sadd.s32 $0x40, s4;
	[tilespmem:s3+$0x10] =	vst v2  }
0x4a: {  	s6 =	sadd.s32 $0x40, s6;
	[tilespmem:s4+$0x10] =	vst v2  }
0x4b: {  	s9 =	sadd.s32 $0x40, s9;
	[tilespmem:s6+$0x10] =	vst v2  }
.Ltmp0:
0x4c: {  	[tilespmem:s9+$0x10] =	vst v2;
	(pc) =	sbr.rel @p0 .LBB2_2-.Ltmp0, $4  }
0x4d: {  	[tilespmem:s0+$0xFFFFFFE0] =	vst v28  }
0x4e: {  	[tilespmem:s2+$0xFFFFFFE0] =	vst v2  }
0x4f: {  	[tilespmem:s3+$0xFFFFFFE0] =	vst v2  }
0x50: {  	s11 =	sadd.s32 $0x40, s11;
	[tilespmem:s4+$0xFFFFFFE0] =	vst v2  }
0x51: {  	[tilespmem:s6+$0xFFFFFFE0] =	vst v2  }
0x52: {  	[tilespmem:s0+$0xFFFFFFF0] =	vst v26  }
0x53: {  	[tilespmem:s0+$0x0] =	vst v25  }
0x54: {  	[tilespmem:s9+$0xFFFFFFE0] =	vst v2  }
0x55: {  	[tilespmem:s2+$0xFFFFFFF0] =	vst v2  }
0x56: {  	[tilespmem:s2+$0x0] =	vst v2  }
0x57: {  	[tilespmem:s3+$0xFFFFFFF0] =	vst v2  }
0x58: {  	[tilespmem:s3+$0x0] =	vst v2  }
0x59: {  	[tilespmem:s4+$0xFFFFFFF0] =	vst v2  }
0x5a: {  	[tilespmem:s4+$0x0] =	vst v2  }
0x5b: {  	[tilespmem:s6+$0xFFFFFFF0] =	vst v2  }
0x5c: {  	[tilespmem:s6+$0x0] =	vst v2  }
0x5d: {  	[tilespmem:s9+$0xFFFFFFF0] =	vst v2  }
0x5e: {  	[tilespmem:s9+$0x0] =	vst v2  }
.LBB2_4:
0x5f: {  	s0 =	sshra.s32 s1, $0x2  }
0x60: {  	v25 =	vld [tilespmem:s0+$0x140];
	_ =	sdelay $0x7  }
0x61: {  	p0 =	sne.s32 s1, $0x1840;
	v25 =	vld.idx.msk [tilespmem:v25+s18+$0x0], $0xffff;
	[tilespmem:s0+$0xD80] =	vst v2  }
.Ltmp1:
0x62: {  	[tilespmem:s0+$0x13C0] =	vst v2;
	(pc) =	sbr.rel @p0 .LBB2_4-.Ltmp1, $4  }
0x63: {  	[tilespmem:s0+$0x1A00] =	vst v2  }
0x64: {  	[tilespmem:s0+$0x2040] =	vst v2  }
0x65: {  	[tilespmem:s0+$0x2680] =	vst v2  }
0x66: {  	s1 =	sadd.s32 $0x40, s1;
	[tilespmem:s0+$0x760] =	vst v25  }
0x67: {  	(v2sf) =	vpush v24, $0x0  }
0x68: {  	(v2sf) =	vpush v24, $0x1;
	_ =	sdelay $0xd  }
0x69: {  	s0 =	spop (v2sf)  }
0x6a: {  	[tilespmem:$0x13A0] =	vst v2;
	s1 =	spop (v2sf);
	s0 =	sand.u32 $0xFFFFFFF0, s0  }
0x6b: {  	[tilespmem:$0x19E0] =	vst v2;
	s1 =	ssub.s32 s1, s0  }
0x6c: {  	[tilespmem:$0x2020] =	vst v2;
	s1 =	sadd.s32 $0x7FF, s1  }
0x6d: {  	[tilespmem:$0x2660] =	vst v2;
	s9 =	sshra.s32 s1, $0xB  }
0x6e: {  	[tilespmem:$0x2CA0] =	vst v2;
	p0 =	slt.s32 s9, $0x1  }
.Ltmp2:
0x6f: {  	[tilespmem:$0x13B0] =	vst v2;
	(pc) =	sbr.rel @p0 .LBB2_9-.Ltmp2, $4  }
0x70: {  	[tilespmem:$0x19F0] =	vst v2  }
0x71: {  	[tilespmem:$0x2030] =	vst v2  }
0x72: {  	[tilespmem:$0x2670] =	vst v2  }
0x73: {  	[tilespmem:$0x2CB0] =	vst v2;
	s10 =	simm.s32 $0x0;
	s11 =	simm.s32 $0x0  }
.LBB2_6:
0x74: {  	s1 =	sshll.u32 s11, $0xB  }
0x75: {  	s1 =	sadd.s32 s0, s1  }
0x76: {  	p0 =	slt.s32 s1, $0x186200;
	s2 =	smov.u32 s1  }
0x77: {  	s2 =	simm.s32 @!p0 $0x186200  }
0x78: {  	s4 =	rddreg [dreg:$0x3];
	s3 =	sshrl.u32 s2, $0x3  }
0x79: {  	s6 =	simm.s32 $0x34D0;
	s4 =	sadd.s32 s4, s3  }
0x7a: {  	[tilespmem:s6], [sflag:$0x1] =	stream.linear.gather [hbm4b:s4+s10], $0x800, $0x38;
	[tilespmem:$0xAA90] =	vst v63  }
0x7b: {  	s12 =	simm.s32 $0x3CD0;
	s13 =	sadd.s32 s7, s3  }
0x7c: {  	[tilespmem:s12], [sflag:$0x1] =	stream.linear.gather [hbm4b:s13+s10], $0x800, $0x38;
	[tilespmem:$0xAA90] =	vst v63  }
0x7d: {  	s15 =	rddreg [dreg:$0x1];
	s14 =	sadd.s32 s8, s3;
	s13 =	simm.s32 $0x44D0  }
0x7e: {  	[tilespmem:s13], [sflag:$0x1] =	stream.linear.gather [hbm4b:s14+s10], $0x800, $0x38;
	[tilespmem:$0xAA90] =	vst v63  }
0x7f: {  	s16 =	rddreg [dreg:$0x2];
	s4 =	sadd.s32 s15, s3;
	s14 =	simm.s32 $0x4CD0  }
0x80: {  	[tilespmem:s14], [sflag:$0x1] =	stream.linear.gather [hbm4b:s4+s10], $0x800, $0x38;
	[tilespmem:$0xAA90] =	vst v63  }
0x81: {  	s3 =	sadd.s32 s16, s3  }
0x82: {  	[tilespmem:s22], [sflag:$0x2] =	stream.linear.gather [hbm4b:s3+s10], $0x800, $0x38;
	[tilespmem:$0xAA90] =	vst v63  }
0x83: {  	_ =	swait.ge [sflag:s17], $0x800  }
0x84: {  	[sflag:s17] =	ssyncset.done $0x0  }
0x85: {  	[sflag:s17] =	ssyncadd.s32 $0xFFFFF800  }
0x86: {  	_ =	swait.ge [sflag:s23], $0x800  }
0x87: {  	[sflag:s23] =	ssyncset.done $0x0  }
0x88: {  	[sflag:s23] =	ssyncadd.s32 $0xFFFFF800  }
0x89: {  	_ =	swait.ge [sflag:s23], $0x800  }
0x8a: {  	[sflag:s23] =	ssyncset.done $0x0  }
0x8b: {  	[sflag:s23] =	ssyncadd.s32 $0xFFFFF800  }
0x8c: {  	_ =	swait.ge [sflag:s23], $0x800  }
0x8d: {  	[sflag:s23] =	ssyncset.done $0x0  }
0x8e: {  	[sflag:s23] =	ssyncadd.s32 $0xFFFFF800  }
0x8f: {  	_ =	swait.ge [sflag:s23], $0x800  }
0x90: {  	[sflag:s23] =	ssyncset.done $0x0  }
0x91: {  	s20 =	simm.s32 $0x2CC1;
	[sflag:s23] =	ssyncadd.s32 $0xFFFFF800  }
0x92: {  	v25 =	vld [tilespmem:s20+$0xFFFFFFFF];
	_ =	sdelay $0x2  }
0x93: {  	v26 =	vld [tilespmem:s12+$0x0]  }
0x94: {  	v28 =	vor.u32 s10, v3;
	s1 =	ssub.s32 s1, s2  }
0x95: {  	v24 =	vmov s1;
	vm2 =	vge.s32 v25, v0;
	vm3 =	vlt.s32 v25, v1  }
0x96: {  	v27 =	vld [tilespmem:s14+$0x0];
	vm3 =	vmand vm2, vm3;
	vm2 =	vge.s32 v28, v24  }
0x97: {  	vm4 =	vmand vm2, vm3  }
0x98: {  	v28 =	vld [tilespmem:s6+$0x0];
	v26 =	vnsel vm4, $0x0, v26  }
0x99: {  	v29 =	vld [tilespmem:s13+$0x0];
	(xrf2) =	vadd.scan.msk.f32 $0xffff, v26  }
0x9a: {  	v26 =	vld [tilespmem:s20+$0x0]  }
0x9b: {  	v27 =	vnsel vm4, $0x0, v27  }
0x9c: {  	(xrf2) =	vadd.scan.msk.f32 $0xffff, v27;
	_ =	sdelay $0x1  }
0x9d: {  	v29 =	vnsel vm4, $0x0, v29  }
0x9e: {  	vm2 =	vge.s32 v26, v0;
	vm5 =	vlt.s32 v26, v1;
	vm6 =	vne.s32 v26, v25  }
0x9f: {  	(xrf2) =	vadd.scan.msk.f32 $0xffff, v29;
	v25 =	vsub.s32 v25, v0;
	v28 =	vld.idx.msk [tilespmem:v28+s19+$0x0], $0xffff;
	vm5 =	vmand vm2, vm5;
	vm2 =	vmor vm6, vm0  }
0xa0: {  	v25 =	vsel vm3, v25, v4  }
0xa1: {  	v30 =	vsel vm4, $0x3F800000, v2  }
0xa2: {  	v27, _, _ =	vpop (xrf2);
	(xrf2) =	vadd.scan.msk.f32 $0xffff, v30;
	_ =	sdelay $0x1  }
0xa3: {  	v26 =	vsub.s32 v26, v0;
	vm3 =	vmand vm6, vm1;
	v28 =	vnsel vm4, $0x0, v28  }
0xa4: {  	v26 =	vsel vm5, v26, v5;
	v29 =	vsub.f32 $0.0e+00, v27;
	[tilespmem:v25+s24+$0x0] =	vst.idx.add.f32.msk vm2, v27;
	v27, _, _ =	vpop (xrf2);
	(xrf2) =	vadd.scan.msk.f32 $0xffff, v28;
	_ =	sdelay $0x2  }
0xa5: {  	s31 =	simm.s32 $0x3CE0;
	s2 =	simm.s32 $0x4CE0;
	s1 =	simm.s32 $0x4CF0  }
0xa6: {  	s15 =	simm.s32 $0x44E0;
	s16 =	simm.s32 $0x44E0;
	s4 =	simm.s32 $0x34F0;
	v30, _, _ =	vpop (xrf2)  }
0xa7: {  	s3 =	simm.s32 $0x10;
	s13 =	simm.s32 $0x2CD1;
	s14 =	simm.s32 $0x3CE0;
	[tilespmem:v26+s24+$0x0] =	vst.idx.add.f32.msk vm3, v29;
	v29 =	vsub.f32 $0.0e+00, v30  }
0xa8: {  	s12 =	simm.s32 $0x2CD1;
	s6 =	simm.s32 $0x34E0;
	s20 =	simm.s32 $0x20;
	v28 =	vsub.f32 $0.0e+00, v27;
	[tilespmem:v25+s25+$0x0] =	vst.idx.add.f32.msk vm2, v30  }
.LBB2_7:
0xa9: {  	s13 =	sadd.s32 $0x10, s13;
	s14 =	sadd.s32 $0x10, s14;
	s15 =	sadd.s32 $0x10, s15;
	[tilespmem:v26+s25+$0x0] =	vst.idx.add.f32.msk vm3, v29;
	v29, _, _ =	vpop (xrf2)  }
0xaa: {  	p0 =	sne.s32 s20, $0x7F0;
	s5 =	smov.u32 s20;
	s20 =	sadd.s32 $0x10, s20;
	[tilespmem:v25+s26+$0x0] =	vst.idx.add.f32.msk vm2, v27  }
0xab: {  	v27 =	vsub.f32 $0.0e+00, v29;
	[tilespmem:v26+s26+$0x0] =	vst.idx.add.f32.msk vm3, v28  }
0xac: {  	[tilespmem:v25+s28+$0x0] =	vst.idx.add.f32.msk vm2, v29;
	v28, _, _ =	vpop (xrf2)  }
0xad: {  	[tilespmem:v26+s28+$0x0] =	vst.idx.add.f32.msk vm3, v27;
	v27 =	vsub.f32 $0.0e+00, v28  }
0xae: {  	[tilespmem:v25+s29+$0x0] =	vst.idx.add.f32.msk vm2, v28  }
0xaf: {  	[tilespmem:v26+s29+$0x0] =	vst.idx.add.f32.msk vm3, v27  }
0xb0: {  	v25 =	vld [tilespmem:s12+$0xFFFFFFFF]  }
0xb1: {  	v26 =	vld [tilespmem:s2+$0x0];
	s2 =	smov.u32 s1  }
0xb2: {  	v27 =	vld [tilespmem:s16+$0x0];
	s16 =	smov.u32 s15  }
0xb3: {  	v28 =	vld [tilespmem:s31+$0x0];
	s31 =	smov.u32 s14;
	_ =	sdelay $0x1  }
0xb4: {  	v29 =	vor.u32 s3, v3;
	s3 =	smov.u32 s5;
	vm2 =	vge.s32 v25, v0;
	vm3 =	vlt.s32 v25, v1;
	v30 =	vld [tilespmem:s6+$0x0];
	s6 =	smov.u32 s4  }
0xb5: {  	vm3 =	vmand vm2, vm3;
	vm2 =	vge.s32 v29, v24  }
0xb6: {  	vm4 =	vmand vm2, vm3  }
0xb7: {  	v28 =	vnsel vm4, $0x0, v28;
	v27 =	vnsel vm4, $0x0, v27;
	v26 =	vnsel vm4, $0x0, v26  }
0xb8: {  	v29 =	vsel vm4, $0x3F800000, v2;
	(xrf2) =	vadd.scan.msk.f32 $0xffff, v28;
	_ =	sdelay $0x2  }
0xb9: {  	v28 =	vld [tilespmem:s12+$0x0];
	(xrf2) =	vadd.scan.msk.f32 $0xffff, v26;
	s12 =	smov.u32 s13  }
0xba: {  	v26 =	vld.idx.msk [tilespmem:v30+s19+$0x0], $0xffff;
	_ =	sdelay $0x1  }
0xbb: {  	(xrf2) =	vadd.scan.msk.f32 $0xffff, v27;
	_ =	sdelay $0x1  }
0xbc: {  	vm2 =	vge.s32 v28, v0;
	vm5 =	vlt.s32 v28, v1;
	vm6 =	vne.s32 v28, v25  }
0xbd: {  	v27 =	vsub.s32 v28, v0;
	vm5 =	vmand vm2, vm5;
	(xrf2) =	vadd.scan.msk.f32 $0xffff, v29  }
0xbe: {  	v25 =	vsub.s32 v25, v0;
	vm2 =	vmor vm6, vm0;
	v28 =	vnsel vm4, $0x0, v26;
	v29, _, _ =	vpop (xrf2)  }
0xbf: {  	v25 =	vsel vm3, v25, v4;
	vm3 =	vmand vm6, vm1  }
0xc0: {  	v26 =	vsel vm5, v27, v5;
	v30 =	vsub.f32 $0.0e+00, v29;
	(xrf2) =	vadd.scan.msk.f32 $0xffff, v28  }
0xc1: {  	v27, _, _ =	vpop (xrf2)  }
.Ltmp3:
0xc2: {  	v28 =	vsub.f32 $0.0e+00, v27;
	(pc) =	sbr.rel @p0 .LBB2_7-.Ltmp3, $4  }
0xc3: {  	_ = 	snop  }
0xc4: {  	[tilespmem:v25+s24+$0x0] =	vst.idx.add.f32.msk vm2, v29;
	v31, _, _ =	vpop (xrf2)  }
0xc5: {  	[tilespmem:v26+s24+$0x0] =	vst.idx.add.f32.msk vm3, v30;
	v29 =	vsub.f32 $0.0e+00, v31  }
0xc6: {  	s1 =	sadd.s32 $0x10, s1;
	s4 =	sadd.s32 $0x10, s4;
	[tilespmem:v25+s25+$0x0] =	vst.idx.add.f32.msk vm2, v31  }
0xc7: {  	_ =	sdelay $0x4  }
0xc8: {  	[tilespmem:v26+s25+$0x0] =	vst.idx.add.f32.msk vm3, v29  }
0xc9: {  	v37, _, _ =	vpop (xrf2);
	[tilespmem:v25+s26+$0x0] =	vst.idx.add.f32.msk vm2, v27  }
0xca: {  	v38 =	vsub.f32 $0.0e+00, v37;
	[tilespmem:v26+s26+$0x0] =	vst.idx.add.f32.msk vm3, v28  }
0xcb: {  	[tilespmem:v25+s28+$0x0] =	vst.idx.add.f32.msk vm2, v37;
	v39, _, _ =	vpop (xrf2)  }
0xcc: {  	[tilespmem:v26+s28+$0x0] =	vst.idx.add.f32.msk vm3, v38;
	v40 =	vsub.f32 $0.0e+00, v39  }
0xcd: {  	[tilespmem:v25+s29+$0x0] =	vst.idx.add.f32.msk vm2, v39  }
0xce: {  	[tilespmem:v26+s29+$0x0] =	vst.idx.add.f32.msk vm3, v40  }
0xcf: {  	v25 =	vld [tilespmem:s12+$0xFFFFFFFF];
	_ =	sdelay $0x1  }
0xd0: {  	v26 =	vld [tilespmem:s31+$0x0]  }
0xd1: {  	v27 =	vld [tilespmem:s6+$0x0]  }
0xd2: {  	v28 =	vld [tilespmem:s2+$0x0]  }
0xd3: {  	v30 =	vor.u32 s3, v3;
	v29 =	vld [tilespmem:s16+$0x0];
	vm2 =	vge.s32 v25, v0;
	vm3 =	vlt.s32 v25, v1  }
0xd4: {  	vm2 =	vmand vm2, vm3;
	vm3 =	vge.s32 v30, v24  }
0xd5: {  	vm3 =	vmand vm3, vm2  }
0xd6: {  	v42 =	vld [tilespmem:s12+$0x0];
	v41 =	vnsel vm3, $0x0, v26  }
0xd7: {  	v28 =	vnsel vm3, $0x0, v28;
	(xrf2) =	vadd.scan.msk.f32 $0xffff, v41  }
0xd8: {  	v43 =	vnsel vm3, $0x0, v29;
	(xrf2) =	vadd.scan.msk.f32 $0xffff, v28  }
0xd9: {  	v27 =	vld.idx.msk [tilespmem:v27+s19+$0x0], $0xffff;
	(xrf2) =	vadd.scan.msk.f32 $0xffff, v43;
	_ =	sdelay $0x1  }
0xda: {  	vm4 =	vge.s32 v42, v0;
	vm5 =	vlt.s32 v42, v1  }
0xdb: {  	vm6 =	vne.s32 v42, v25;
	v45 =	vsub.s32 v25, v0;
	v44 =	vsel vm3, $0x3F800000, v2  }
0xdc: {  	vm4 =	vmand vm4, vm5;
	vm15 =	vmor vm6, vm0;
	v24 =	vsel vm2, v45, v4;
	(xrf2) =	vadd.scan.msk.f32 $0xffff, v44  }
0xdd: {  	vm2 =	vmand vm6, vm1;
	v26 =	vsub.s32 v42, v0;
	v46 =	vnsel vm3, $0x0, v27  }
0xde: {  	v26 =	vsel vm4, v26, v5;
	(xrf2) =	vadd.scan.msk.f32 $0xffff, v46;
	_ =	sdelay $0x1  }
0xdf: {  	v47, _, _ =	vpop (xrf2)  }
0xe0: {  	v48 =	vsub.f32 $0.0e+00, v47;
	v28, _, _ =	vpop (xrf2)  }
0xe1: {  	[tilespmem:v24+s24+$0x0] =	vst.idx.add.f32.msk vm15, v47;
	v49, _, _ =	vpop (xrf2)  }
0xe2: {  	[tilespmem:v26+s24+$0x0] =	vst.idx.add.f32.msk vm2, v48;
	v50 =	vsub.f32 $0.0e+00, v49  }
0xe3: {  	[tilespmem:v24+s25+$0x0] =	vst.idx.add.f32.msk vm15, v49  }
0xe4: {  	s11 =	sadd.s32 $0x1, s11;
	v51 =	vsub.f32 $0.0e+00, v28;
	[tilespmem:v26+s25+$0x0] =	vst.idx.add.f32.msk vm2, v50  }
0xe5: {  	p0 =	sne.s32 s11, s9;
	v52, _, _ =	vpop (xrf2);
	[tilespmem:v24+s26+$0x0] =	vst.idx.add.f32.msk vm15, v28  }
.Ltmp4:
0xe6: {  	v53 =	vsub.f32 $0.0e+00, v52;
	[tilespmem:v26+s26+$0x0] =	vst.idx.add.f32.msk vm2, v51;
	(pc) =	sbr.rel @p0 .LBB2_6-.Ltmp4, $4  }
0xe7: {  	v54, _, _ =	vpop (xrf2);
	[tilespmem:v24+s28+$0x0] =	vst.idx.add.f32.msk vm15, v52  }
0xe8: {  	v55 =	vsub.f32 $0.0e+00, v54;
	[tilespmem:v26+s28+$0x0] =	vst.idx.add.f32.msk vm2, v53  }
0xe9: {  	[tilespmem:v24+s29+$0x0] =	vst.idx.add.f32.msk vm15, v54  }
0xea: {  	[tilespmem:v26+s29+$0x0] =	vst.idx.add.f32.msk vm2, v55  }
.LBB2_9:
0xeb: {  	s0 =	simm.s32 $0x2050  }
0xec: {  	v24 =	vld [tilespmem:s0+$0x0];
	_ =	sdelay $0x4  }
0xed: {  	v24 =	vmax.f32 v24, $1.000000000e+00  }
0xee: {  	(erf) = vrcp.f32 v24;
	_ =	sdelay $0x3  }
0xef: {  	s1 =	simm.s32 $0x770  }
0xf0: {  	v25 =	vld [tilespmem:s1+$0x0]  }
0xf1: {  	s2 =	simm.s32 $0xD90;
	s12 =	simm.s32 $0x10;
	v24 =	vld [tilespmem:s0+$0xFFFFFFF0]  }
0xf2: {  	v26 =	vmov s12;
	v27 =	vld [tilespmem:s2+$0x0]  }
0xf3: {  	v26 =	vshll.u32 v26, $0x2  }
0xf4: {  	v26 =	vor.u32 v6, v26;
	v28 =	vpop (erf)  }
0xf5: {  	v28 =	vmul.f32 v28, v25  }
0xf6: {  	v24 =	vmax.f32 v24, $1.000000000e+00  }
0xf7: {  	(erf) = vrcp.f32 v24;
	v24 =	vmul.f32 v28, v27;
	_ =	sdelay $0x1  }
0xf8: {  	s3 =	simm.s32 $0x13D0;
	[tilespmem:v26+s30+$0x0] =	vst.idx.msk $0xffff, v24  }
0xf9: {  	v27 =	vld [tilespmem:s3+$0x0];
	_ =	sdelay $0x1  }
0xfa: {  	v29 =	vor.u32 $0x1, v26;
	_ =	sdelay $0x2  }
0xfb: {  	v24 =	vld [tilespmem:s1+$0xFFFFFFF0];
	v27 =	vmul.f32 v27, v28  }
0xfc: {  	s13 =	simm.s32 $0x0  }
0xfd: {  	s14 =	simm.s32 $0x1A10;
	v30 =	vld [tilespmem:s2+$0xFFFFFFF0];
	v31 =	vmov s13;
	[tilespmem:v29+s30+$0x0] =	vst.idx.msk $0xffff, v27  }
0xfe: {  	v31 =	vshll.u32 v31, $0x2;
	v29 =	vld [tilespmem:s14+$0x0]  }
0xff: {  	s15 =	simm.s32 $0x90;
	v32 =	vpop (erf);
	v27 =	vor.u32 v6, v31  }
0x100: {  	v33 =	vor.u32 $0x2, v26;
	v32 =	vmul.f32 v32, v24;
	v31 =	vadd.s32 s15, v57  }
0x101: {  	s4 =	simm.s32 $0x2070;
	v26 =	vor.u32 $0x3, v26;
	v31 =	vand.u32 $0xFFF8, v31  }
0x102: {  	v37 =	vld [tilespmem:s4+$0x0];
	v30 =	vmul.f32 v32, v30;
	v31 =	vor.u32 v13, v31  }
0x103: {  	v34 =	vadd.s32 s15, v58;
	v36 =	vadd.s32 s15, v60;
	v28 =	vmul.f32 v29, v28  }
0x104: {  	v35 =	vadd.s32 s15, v59;
	v51 =	vadd.s32 s15, v14;
	v50 =	vand.u32 $0xFFF8, v36;
	[tilespmem:v27+s30+$0x0] =	vst.idx.msk $0xffff, v30  }
0x105: {  	s20 =	simm.s32 $0x790;
	v34 =	vand.u32 $0xFFF8, v34;
	v53 =	vand.u32 $0xFFF8, v51;
	v52 =	vor.u32 v21, v50;
	[tilespmem:v33+s30+$0x0] =	vst.idx.msk $0xffff, v28  }
0x106: {  	v44 =	vld [tilespmem:s20+$0x0];
	v30 =	vand.u32 $0xFFF8, v35;
	v29 =	vor.u32 v61, v34;
	v28 =	vadd.s32 s15, v56;
	[tilespmem:v26+s30+$0x0] =	vst.idx.msk $0xffff, v25  }
0x107: {  	v30 =	vor.u32 v11, v30;
	v25 =	vand.u32 $0xFFF8, v28;
	v28 =	vld.idx.msk [tilespmem:v31+s21+$0x0], $0xffff;
	v31 =	vmax.f32 v37, $1.000000000e+00  }
0x108: {  	v46 =	vld [tilespmem:s4+$0xFFFFFFF0];
	v26 =	vor.u32 v8, v53;
	(erf) = vrcp.f32 v31  }
0x109: {  	v49 =	vld [tilespmem:s3+$0xFFFFFFF0];
	v25 =	vor.u32 v16, v25  }
0x10a: {  	v40 =	vadd.s32 s15, v63;
	v33 =	vld.idx.msk [tilespmem:v52+s21+$0x0], $0xffff  }
0x10b: {  	s16 =	simm.s32 $0x0;
	v42 =	vadd.s32 s15, v7;
	v40 =	vand.u32 $0xFFF8, v40;
	v29 =	vld.idx.msk [tilespmem:v29+s21+$0x0], $0xffff  }
0x10c: {  	v54 =	vadd.s32 s16, v57;
	v42 =	vand.u32 $0xFFF8, v42;
	v40 =	vor.u32 v8, v40;
	v30 =	vld.idx.msk [tilespmem:v30+s21+$0x0], $0xffff  }
0x10d: {  	v55 =	vadd.s32 s16, v58;
	v45 =	vadd.s32 s15, v10;
	v42 =	vor.u32 v9, v42;
	v26 =	vld.idx.msk [tilespmem:v26+s21+$0x0], $0xffff  }
0x10e: {  	s6 =	simm.s32 $0x30;
	s9 =	simm.s32 $0xDB0;
	v39 =	vadd.s32 s16, v56;
	v41 =	vadd.s32 s16, v60;
	v45 =	vand.u32 $0xFFF8, v45;
	v25 =	vld.idx.msk [tilespmem:v25+s21+$0x0], $0xffff  }
0x10f: {  	v47 =	vmov s6;
	v48 =	vld [tilespmem:s9+$0x0];
	v45 =	vor.u32 v62, v45;
	v35 =	vor.u32 $0x1, v27  }
0x110: {  	v36 =	vor.u32 $0x3, v27;
	v31 =	vor.u32 $0x2, v27;
	v27 =	vmul.f32 v49, v32  }
0x111: {  	v47 =	vshll.u32 v47, $0x2;
	v40 =	vld.idx.msk [tilespmem:v40+s21+$0x0], $0xffff;
	v51 =	vmul.f32 v33, v30;
	v33 =	vmul.f32 v33, v28;
	v50 =	vpop (erf)  }
0x112: {  	v47 =	vor.u32 v6, v47;
	v42 =	vld.idx.msk [tilespmem:v42+s21+$0x0], $0xffff;
	v49 =	vmul.f32 v26, v29;
	v50 =	vmul.f32 v50, v44  }
0x113: {  	v46 =	vmax.f32 v46, $1.000000000e+00;
	v26 =	vmul.f32 v26, v28;
	v30 =	vmul.f32 v25, v30  }
0x114: {  	[tilespmem:v35+s30+$0x0] =	vst.idx.msk $0xffff, v27;
	v25 =	vmul.f32 v25, v29;
	v27 =	vmul.f32 v50, v48;
	v48 =	vld.idx.msk [tilespmem:v45+s21+$0x0], $0xffff  }
0x115: {  	(erf) = vrcp.f32 v46;
	v49 =	vsub.f32 v49, v51;
	v26 =	vsub.f32 v26, v30  }
0x116: {  	v43 =	vadd.s32 s16, v14;
	v39 =	vand.u32 $0xFFF8, v39;
	v33 =	vsub.f32 v33, v25  }
0x117: {  	s5 =	simm.s32 $0x13F0;
	v41 =	vand.u32 $0xFFF8, v41;
	v40 =	vmul.f32 v49, v40;
	v26 =	vmul.f32 v26, v42;
	[tilespmem:v47+s30+$0x0] =	vst.idx.msk $0xffff, v27  }
0x118: {  	s11 =	simm.s32 $0x2690;
	v43 =	vand.u32 $0xFFF8, v43;
	v34 =	vand.u32 $0xFFF8, v54;
	v37 =	vand.u32 $0xFFF8, v55;
	v52 =	vld [tilespmem:s5+$0x0]  }
0x119: {  	v35 =	vor.u32 v61, v37;
	v37 =	vld [tilespmem:s11+$0x0];
	v26 =	vsub.f32 v40, v26;
	v33 =	vmul.f32 v33, v48  }
0x11a: {  	v54 =	vadd.s32 s16, v63;
	v53 =	vor.u32 $0x1, v47;
	v55 =	vadd.s32 s16, v7;
	v25 =	vld [tilespmem:s20+$0xFFFFFFF0]  }
0x11b: {  	s10 =	simm.s32 $0x20;
	s13 =	simm.s32 $0x1B0;
	v34 =	vor.u32 v13, v34;
	v46 =	vand.u32 $0xFFF8, v55;
	v51 =	vld [tilespmem:s14+$0xFFFFFFF0];
	v33 =	vadd.f32 v26, v33  }
0x11c: {  	v55 =	vadd.s32 s13, v58;
	v29 =	vor.u32 v16, v39;
	v42 =	vld [tilespmem:s9+$0xFFFFFFF0];
	v27 =	vmov s10  }
0x11d: {  	v27 =	vshll.u32 v27, $0x2;
	v39 =	vmul.f32 v52, v50;
	(erf) = vrcp.f32 v33  }
0x11e: {  	v37 =	vmul.f32 $1.660539980e+00, v37;
	v30 =	vor.u32 v8, v43;
	v43 =	vor.u32 v6, v27;
	v52 =	vpop (erf)  }
0x11f: {  	s12 =	simm.s32 $0x1A30;
	v28 =	vor.u32 v21, v41;
	v45 =	vand.u32 $0xFFF8, v54;
	v33 =	vmul.f32 v52, v25;
	[tilespmem:v53+s30+$0x0] =	vst.idx.msk $0xffff, v39  }
0x120: {  	v54 =	vadd.s32 s13, v57;
	v41 =	vor.u32 v8, v45;
	v45 =	vor.u32 v9, v46;
	v46 =	vld [tilespmem:s12+$0x0]  }
0x121: {  	v49 =	vor.u32 $0x2, v47;
	v32 =	vmul.f32 v51, v32;
	v42 =	vmul.f32 v33, v42  }
0x122: {  	v40 =	vor.u32 $0x1, v43;
	v27 =	vor.u32 $0x2, v43;
	v52 =	vand.u32 $0xFFF8, v54  }
0x123: {  	v54 =	vand.u32 $0xFFF8, v55;
	v55 =	vadd.s32 s13, v60;
	[tilespmem:v43+s30+$0x0] =	vst.idx.msk $0xffff, v42;
	v42 =	vor.u32 $0x3, v47  }
0x124: {  	[tilespmem:v31+s30+$0x0] =	vst.idx.msk $0xffff, v32;
	v26 =	vor.u32 $0x3, v43;
	v53 =	vadd.s32 s16, v10;
	v32 =	vor.u32 v13, v52  }
0x125: {  	[tilespmem:v36+s30+$0x0] =	vst.idx.msk $0xffff, v24;
	v39 =	vand.u32 $0xFFF8, v53;
	v53 =	vadd.s32 s13, v59;
	v24 =	vmul.f32 v46, v50  }
0x126: {  	s14 =	simm.s32 $0x2090;
	v34 =	vld.idx.msk [tilespmem:v34+s21+$0x0], $0xffff;
	v36 =	vor.u32 v61, v54;
	v52 =	vand.u32 $0xFFF8, v53;
	v53 =	vand.u32 $0xFFF8, v55;
	v55 =	vpop (erf)  }
0x127: {  	v54 =	vadd.s32 s13, v14;
	v43 =	vor.u32 v11, v52;
	[tilespmem:v49+s30+$0x0] =	vst.idx.msk $0xffff, v24;
	v49 =	vld [tilespmem:s14+$0x0];
	v15 =	vmul.f32 v55, v37  }
0x128: {  	v35 =	vld.idx.msk [tilespmem:v35+s21+$0x0], $0xffff;
	v47 =	vand.u32 $0xFFF8, v54;
	v46 =	vor.u32 v21, v53;
	v24 =	vadd.s32 s13, v56;
	[tilespmem:v42+s30+$0x0] =	vst.idx.msk $0xffff, v44  }
0x129: {  	v31 =	vld [tilespmem:s5+$0xFFFFFFF0];
	v24 =	vand.u32 $0xFFF8, v24;
	v42 =	vor.u32 v8, v47;
	[tilespmem:$0x1FFD0] =	vst v15  }
0x12a: {  	s15 =	simm.s32 $0x120;
	v24 =	vor.u32 v16, v24;
	v32 =	vld.idx.msk [tilespmem:v32+s21+$0x0], $0xffff  }
0x12b: {  	v38 =	vadd.s32 s16, v59;
	v44 =	vadd.s32 s15, v57;
	v57 =	vadd.s32 s13, v63;
	v36 =	vld.idx.msk [tilespmem:v36+s21+$0x0], $0xffff  }
0x12c: {  	v37 =	vadd.s32 s13, v7;
	v48 =	vand.u32 $0xFFF8, v57;
	v43 =	vld.idx.msk [tilespmem:v43+s21+$0x0], $0xffff;
	v49 =	vmax.f32 v49, $1.000000000e+00  }
0x12d: {  	v51 =	vand.u32 $0xFFF8, v37;
	v48 =	vor.u32 v8, v48;
	v46 =	vld.idx.msk [tilespmem:v46+s21+$0x0], $0xffff;
	(erf) = vrcp.f32 v49  }
0x12e: {  	v38 =	vand.u32 $0xFFF8, v38;
	v53 =	vadd.s32 s13, v10;
	v51 =	vor.u32 v9, v51;
	v42 =	vld.idx.msk [tilespmem:v42+s21+$0x0], $0xffff  }
0x12f: {  	v38 =	vor.u32 v11, v38;
	v53 =	vand.u32 $0xFFF8, v53;
	v24 =	vld.idx.msk [tilespmem:v24+s21+$0x0], $0xffff  }
0x130: {  	s16 =	simm.s32 $0x7B0;
	v52 =	vadd.s32 s15, v56;
	v54 =	vadd.s32 s15, v60;
	v53 =	vor.u32 v62, v53;
	v55 =	vld [tilespmem:s14+$0xFFFFFFF0]  }
0x131: {  	v17 =	vmovc v58;
	v54 =	vand.u32 $0xFFF8, v54;
	v47 =	vadd.s32 s15, v58;
	v57 =	vadd.s32 s15, v14;
	v58 =	vld [tilespmem:s16+$0x0]  }
0x132: {  	s20 =	simm.s32 $0x50;
	v31 =	vmul.f32 v31, v33;
	v49 =	vand.u32 $0xFFF8, v57;
	v48 =	vld.idx.msk [tilespmem:v48+s21+$0x0], $0xffff;
	v57 =	vmul.f32 v46, v43  }
0x133: {  	s5 =	simm.s32 $0xDD0;
	v37 =	vmov s20;
	v51 =	vld.idx.msk [tilespmem:v51+s21+$0x0], $0xffff;
	v56 =	vmul.f32 v42, v36;
	v42 =	vmul.f32 v42, v32  }
0x134: {  	v50 =	vadd.s32 s15, v59;
	v32 =	vmul.f32 v46, v32;
	v46 =	vld [tilespmem:s5+$0x0];
	v43 =	vmul.f32 v24, v43  }
0x135: {  	v50 =	vand.u32 $0xFFF8, v50;
	[tilespmem:v40+s30+$0x0] =	vst.idx.msk $0xffff, v31;
	v31 =	vld.idx.msk [tilespmem:v53+s21+$0x0], $0xffff;
	v53 =	vshll.u32 v37, $0x2;
	v57 =	vsub.f32 v56, v57  }
0x136: {  	v38 =	vld.idx.msk [tilespmem:v38+s21+$0x0], $0xffff;
	v42 =	vsub.f32 v42, v43;
	v43 =	vor.u32 v11, v50;
	v50 =	vor.u32 v6, v53;
	v37 =	vpop (erf)  }
0x137: {  	v19 =	vmovc v59;
	v59 =	vld [tilespmem:s12+$0xFFFFFFF0];
	v40 =	vmax.f32 v55, $1.000000000e+00;
	v24 =	vmul.f32 v24, v36;
	v53 =	vmul.f32 v37, v58  }
0x138: {  	(erf) = vrcp.f32 v40;
	v40 =	vld.idx.msk [tilespmem:v29+s21+$0x0], $0xffff;
	v29 =	vor.u32 v21, v54;
	v48 =	vmul.f32 v57, v48  }
0x139: {  	v54 =	vld.idx.msk [tilespmem:v30+s21+$0x0], $0xffff;
	v24 =	vsub.f32 v32, v24;
	v42 =	vmul.f32 v42, v51;
	v56 =	vmul.f32 v53, v46  }
0x13a: {  	v51 =	vld.idx.msk [tilespmem:v28+s21+$0x0], $0xffff  }
0x13b: {  	s6 =	simm.s32 $0x40;
	s9 =	simm.s32 $0x1410;
	v47 =	vand.u32 $0xFFF8, v47;
	v24 =	vmul.f32 v24, v31;
	v55 =	vsub.f32 v48, v42;
	[tilespmem:v50+s30+$0x0] =	vst.idx.msk $0xffff, v56  }
0x13c: {  	v18 =	vmovc v61;
	v47 =	vor.u32 v61, v47;
	v61 =	vor.u32 $0x1, v50;
	v28 =	vmov s6;
	v42 =	vld [tilespmem:s9+$0x0]  }
0x13d: {  	v48 =	vmul.f32 v59, v33;
	v59 =	vadd.s32 s15, v7;
	v24 =	vadd.f32 v55, v24  }
0x13e: {  	v55 =	vand.u32 $0xFFF8, v59;
	v59 =	vmul.f32 v54, v35;
	v54 =	vmul.f32 v54, v34  }
0x13f: {  	v23 =	vmovc v60;
	v41 =	vld.idx.msk [tilespmem:v41+s21+$0x0], $0xffff;
	v28 =	vshll.u32 v28, $0x2;
	v60 =	vmul.f32 v51, v38;
	v38 =	vmul.f32 v40, v38  }
0x140: {  	s10 =	simm.s32 $0x26B0;
	v39 =	vor.u32 v62, v39;
	v57 =	vadd.s32 s15, v63;
	v46 =	vor.u32 v6, v28;
	v28 =	vld [tilespmem:s16+$0xFFFFFFF0]  }
0x141: {  	v15 =	vmovc v62;
	v62 =	vld [tilespmem:s10+$0x0];
	v33 =	vand.u32 $0xFFF8, v57;
	v38 =	vsub.f32 v54, v38;
	v54 =	vmul.f32 v42, v53  }
0x142: {  	v52 =	vand.u32 $0xFFF8, v52;
	(erf) = vrcp.f32 v24;
	v24 =	vld [tilespmem:s5+$0xFFFFFFF0];
	v59 =	vsub.f32 v59, v60  }
0x143: {  	v52 =	vor.u32 v16, v52;
	s13 =	simm.s32 $0x1A50;
	v44 =	vand.u32 $0xFFF8, v44;
	v45 =	vld.idx.msk [tilespmem:v45+s21+$0x0], $0xffff;
	[tilespmem:v61+s30+$0x0] =	vst.idx.msk $0xffff, v54  }
0x144: {  	v44 =	vor.u32 v13, v44;
	v36 =	vor.u32 v8, v33;
	v33 =	vpop (erf);
	v41 =	vmul.f32 v59, v41;
	v59 =	vld [tilespmem:s13+$0x0]  }
0x145: {  	v39 =	vld.idx.msk [tilespmem:v39+s21+$0x0], $0xffff;
	v30 =	vor.u32 v8, v49;
	v35 =	vmul.f32 v40, v35;
	v33 =	vmul.f32 v33, v28  }
0x146: {  	v57 =	vld [tilespmem:s11+$0xFFFFFFF0];
	[tilespmem:v27+s30+$0x0] =	vst.idx.msk $0xffff, v48;
	v34 =	vmul.f32 v51, v34;
	v60 =	vmul.f32 $1.660539980e+00, v62;
	v62 =	vor.u32 $0x2, v50  }
0x147: {  	v20 =	vmovc v11;
	v49 =	vor.u32 $0x1, v46;
	v32 =	vor.u32 $0x2, v46;
	v51 =	vmul.f32 v33, v24;
	v11 =	vld [tilespmem:$0x1FFF0]  }
0x148: {  	s14 =	simm.s32 $0x2D0;
	v31 =	vor.u32 $0x3, v46;
	v56 =	vadd.s32 s15, v10;
	v35 =	vsub.f32 v34, v35  }
0x149: {  	s15 =	simm.s32 $0x20B0;
	v34 =	vadd.s32 s14, v17;
	v38 =	vmul.f32 v38, v45;
	[tilespmem:v46+s30+$0x0] =	vst.idx.msk $0xffff, v51;
	v45 =	vmul.f32 v59, v53  }
0x14a: {  	v42 =	vor.u32 v9, v55;
	v55 =	vor.u32 $0x3, v50;
	v50 =	vld [tilespmem:s15+$0x0];
	v24 =	vand.u32 $0xFFF8, v56;
	[tilespmem:v26+s30+$0x0] =	vst.idx.msk $0xffff, v25  }
0x14b: {  	v35 =	vmul.f32 v35, v39;
	v40 =	vor.u32 v15, v24;
	v24 =	vmul.f32 $1.660539980e+00, v57;
	v54 =	vld [tilespmem:s9+$0xFFFFFFF0];
	[tilespmem:v62+s30+$0x0] =	vst.idx.msk $0xffff, v45  }
0x14c: {  	v57 =	vadd.s32 s14, v23;
	v46 =	vand.u32 $0xFFF8, v34;
	v61 =	vpop (erf);
	v27 =	vadd.s32 s14, v11;
	v11 =	vld [tilespmem:$0x1FFE0]  }
0x14d: {  	v25 =	vld.idx.msk [tilespmem:v44+s21+$0x0], $0xffff;
	v46 =	vor.u32 v18, v46;
	v39 =	vmul.f32 v61, v60;
	v26 =	vand.u32 $0xFFF8, v27  }
0x14e: {  	v60 =	vadd.s32 s14, v14;
	v59 =	vand.u32 $0xFFF8, v57;
	v56 =	vor.u32 v13, v26;
	v26 =	vld.idx.msk [tilespmem:v47+s21+$0x0], $0xffff  }
0x14f: {  	v47 =	vld.idx.msk [tilespmem:v43+s21+$0x0], $0xffff;
	v43 =	vor.u32 v21, v59;
	v62 =	vand.u32 $0xFFF8, v60  }
0x150: {  	v51 =	vld.idx.msk [tilespmem:v52+s21+$0x0], $0xffff;
	v27 =	vadd.s32 s14, v19;
	[tilespmem:v55+s30+$0x0] =	vst.idx.msk $0xffff, v58;
	v45 =	vor.u32 v8, v62  }
0x151: {  	v27 =	vand.u32 $0xFFF8, v27;
	v61 =	vadd.s32 s14, v11;
	v11 =	vld [tilespmem:$0x1FFF0]  }
0x152: {  	v37 =	vsub.f32 v41, v38;
	v50 =	vmax.f32 v50, $1.000000000e+00;
	v27 =	vor.u32 v20, v27;
	v46 =	vld.idx.msk [tilespmem:v46+s21+$0x0], $0xffff  }
0x153: {  	(erf) = vrcp.f32 v50;
	v60 =	vadd.s32 s14, v63;
	v44 =	vld.idx.msk [tilespmem:v56+s21+$0x0], $0xffff;
	v41 =	vand.u32 $0xFFF8, v61  }
0x154: {  	v55 =	vand.u32 $0xFFF8, v60;
	v62 =	vadd.s32 s14, v10;
	v43 =	vld.idx.msk [tilespmem:v43+s21+$0x0], $0xffff;
	v41 =	vor.u32 v16, v41  }
0x155: {  	s16 =	simm.s32 $0x240;
	v38 =	vmul.f32 v54, v33;
	v55 =	vor.u32 v8, v55;
	v59 =	vand.u32 $0xFFF8, v62;
	v45 =	vld.idx.msk [tilespmem:v45+s21+$0x0], $0xffff  }
0x156: {  	v50 =	vor.u32 v15, v59;
	v61 =	vadd.s32 s14, v7;
	v48 =	vadd.s32 s16, v11;
	v11 =	vld [tilespmem:$0x1FFE0]  }
0x157: {  	v27 =	vld.idx.msk [tilespmem:v27+s21+$0x0], $0xffff;
	v57 =	vand.u32 $0xFFF8, v61  }
0x158: {  	v34 =	vadd.s32 s16, v17;
	v57 =	vor.u32 v9, v57;
	[tilespmem:v49+s30+$0x0] =	vst.idx.msk $0xffff, v38;
	v49 =	vld [tilespmem:s15+$0xFFFFFFF0]  }
0x159: {  	v34 =	vand.u32 $0xFFF8, v34;
	v53 =	vadd.s32 s16, v19;
	v58 =	vadd.s32 s16, v14;
	v60 =	vld.idx.msk [tilespmem:v41+s21+$0x0], $0xffff  }
0x15a: {  	s20 =	simm.s32 $0x70;
	v56 =	vadd.s32 s16, v23;
	v55 =	vld.idx.msk [tilespmem:v55+s21+$0x0], $0xffff;
	v61 =	vand.u32 $0xFFF8, v53;
	v38 =	vor.u32 v18, v34  }
0x15b: {  	s11 =	simm.s32 $0x7D0;
	v50 =	vld.idx.msk [tilespmem:v50+s21+$0x0], $0xffff;
	v59 =	vmul.f32 v45, v46;
	v34 =	vmov s20;
	v54 =	vadd.s32 s16, v11  }
0x15c: {  	v45 =	vmul.f32 v45, v44;
	v41 =	vld [tilespmem:s11+$0x0];
	v62 =	vand.u32 $0xFFF8, v54;
	v54 =	vand.u32 $0xFFF8, v56  }
0x15d: {  	v57 =	vld.idx.msk [tilespmem:v57+s21+$0x0], $0xffff;
	v56 =	vand.u32 $0xFFF8, v58;
	v58 =	vor.u32 v20, v61;
	v61 =	vmul.f32 v43, v27  }
0x15e: {  	s12 =	simm.s32 $0xDF0;
	v52 =	vld [tilespmem:s13+$0xFFFFFFF0];
	v49 =	vmax.f32 v49, $1.000000000e+00;
	v43 =	vmul.f32 v43, v44;
	v27 =	vmul.f32 v60, v27  }
0x15f: {  	v44 =	vld [tilespmem:s12+$0x0];
	(erf) = vrcp.f32 v49;
	v53 =	vor.u32 v16, v62;
	v62 =	vshll.u32 v34, $0x2  }
0x160: {  	v34 =	vmul.f32 v60, v46;
	v46 =	vld.idx.msk [tilespmem:v29+s21+$0x0], $0xffff;
	v29 =	vpop (erf);
	v59 =	vsub.f32 v59, v61;
	v27 =	vsub.f32 v45, v27  }
0x161: {  	v60 =	vor.u32 v6, v62;
	v45 =	vor.u32 v8, v56;
	v56 =	vmul.f32 v29, v41  }
0x162: {  	v49 =	vld.idx.msk [tilespmem:v30+s21+$0x0], $0xffff;
	v43 =	vsub.f32 v43, v34;
	v30 =	vmul.f32 v59, v55;
	v27 =	vmul.f32 v27, v57  }
0x163: {  	v48 =	vand.u32 $0xFFF8, v48;
	v62 =	vmul.f32 v52, v33  }
0x164: {  	s13 =	simm.s32 $0x60;
	v44 =	vmul.f32 v56, v44;
	v27 =	vsub.f32 v30, v27;
	v30 =	vmul.f32 v43, v50  }
0x165: {  	v36 =	vld.idx.msk [tilespmem:v36+s21+$0x0], $0xffff;
	v48 =	vor.u32 v13, v48;
	v61 =	vmov s13;
	[tilespmem:v32+s30+$0x0] =	vst.idx.msk $0xffff, v62  }
0x166: {  	s14 =	simm.s32 $0x1430;
	v29 =	vshll.u32 v61, $0x2;
	v34 =	vadd.s32 s16, v63;
	[tilespmem:v60+s30+$0x0] =	vst.idx.msk $0xffff, v44;
	v27 =	vadd.f32 v27, v30;
	v30 =	vld [tilespmem:s11+$0xFFFFFFF0]  }
0x167: {  	v61 =	vadd.s32 s16, v7;
	v62 =	vand.u32 $0xFFF8, v34;
	[tilespmem:v31+s30+$0x0] =	vst.idx.msk $0xffff, v28;
	v28 =	vadd.s32 s16, v10;
	v44 =	vld [tilespmem:s14+$0x0]  }
0x168: {  	v55 =	vld [tilespmem:s12+$0xFFFFFFF0];
	v59 =	vor.u32 v8, v62;
	v32 =	vmul.f32 v49, v26;
	v62 =	vor.u32 $0x1, v60  }
0x169: {  	v22 =	vmovc v63;
	v57 =	vld.idx.msk [tilespmem:v42+s21+$0x0], $0xffff;
	v49 =	vmul.f32 v49, v25;
	v63 =	vand.u32 $0xFFF8, v28;
	(erf) = vrcp.f32 v27  }
0x16a: {  	v50 =	vor.u32 v6, v29;
	v28 =	vpop (erf);
	v27 =	vld.idx.msk [tilespmem:v48+s21+$0x0], $0xffff;
	v48 =	vmul.f32 v46, v47;
	v47 =	vmul.f32 v51, v47  }
0x16b: {  	v40 =	vld.idx.msk [tilespmem:v40+s21+$0x0], $0xffff;
	v34 =	vand.u32 $0xFFF8, v61;
	v42 =	vmul.f32 v28, v30  }
0x16c: {  	s0 =	simm.s32 $0x26D0;
	v52 =	vld [tilespmem:s10+$0xFFFFFFF0];
	v32 =	vsub.f32 v32, v48;
	v49 =	vsub.f32 v49, v47;
	v44 =	vmul.f32 v44, v56  }
0x16d: {  	v61 =	vor.u32 v9, v34;
	v34 =	vld [tilespmem:s0+$0x0];
	v47 =	vmul.f32 v42, v55  }
0x16e: {  	v32 =	vmul.f32 v32, v36;
	v36 =	vmul.f32 v49, v57;
	v57 =	vld [tilespmem:$0x1FFF0];
	[tilespmem:v62+s30+$0x0] =	vst.idx.msk $0xffff, v44  }
0x16f: {  	v31 =	vld.idx.msk [tilespmem:v38+s21+$0x0], $0xffff;
	[tilespmem:v50+s30+$0x0] =	vst.idx.msk $0xffff, v47  }
0x170: {  	s15 =	simm.s32 $0x1A70;
	v11 =	vmov v7;
	v54 =	vor.u32 v21, v54;
	v7 =	vld [tilespmem:$0x1FFD0]  }
0x171: {  	v35 =	vadd.f32 v37, v35;
	v25 =	vmul.f32 v46, v25;
	v51 =	vmul.f32 v51, v26;
	v48 =	vld [tilespmem:s15+$0x0]  }
0x172: {  	v43 =	vor.u32 $0x1, v50;
	v29 =	vor.u32 $0x2, v50;
	v38 =	vld.idx.msk [tilespmem:v45+s21+$0x0], $0xffff  }
0x173: {  	s31 =	simm.s32 $0xA4A0;
	v33 =	vor.u32 $0x3, v50;
	v26 =	vld.idx.msk [tilespmem:v53+s21+$0x0], $0xffff;
	(erf) = vrcp.f32 v35;
	v53 =	vsub.f32 v25, v51  }
0x174: {  	s20 =	simm.s32 $0xA480;
	s16 =	simm.s32 $0x3F0;
	v25 =	vmul.f32 $1.660539980e+00, v52;
	v51 =	vor.u32 $0x2, v60;
	v28 =	vld.idx.msk [tilespmem:v58+s21+$0x0], $0xffff;
	v49 =	vor.u32 v15, v63;
	[tilespmem:s31+$0x0] =	vst v39  }
0x175: {  	v35 =	vmul.f32 v53, v40;
	v40 =	vadd.s32 s16, v17;
	v55 =	vmul.f32 $1.660539980e+00, v34;
	v34 =	vld.idx.msk [tilespmem:v54+s21+$0x0], $0xffff;
	[tilespmem:s20+$0x0] =	vst v7  }
0x176: {  	v12 =	vmovc v9;
	v9 =	vmovc v6;
	v44 =	vor.u32 $0x3, v60;
	v37 =	vadd.s32 s16, v57;
	v53 =	vmul.f32 v48, v56;
	v56 =	vld [tilespmem:$0x1FFE0]  }
0x177: {  	v32 =	vsub.f32 v32, v36;
	v36 =	vld.idx.msk [tilespmem:v59+s21+$0x0], $0xffff;
	v47 =	vadd.s32 s16, v19;
	v54 =	vpop (erf);
	v37 =	vand.u32 $0xFFF8, v37  }
0x178: {  	v58 =	vmovc v17;
	v62 =	vmovc v15;
	v45 =	vld [tilespmem:s14+$0xFFFFFFF0];
	v52 =	vmul.f32 v54, v55;
	v46 =	vor.u32 v13, v37;
	v37 =	vand.u32 $0xFFF8, v40  }
0x179: {  	s9 =	simm.s32 $0xA4C0;
	v63 =	vmovc v22;
	v60 =	vmovc v23;
	v50 =	vadd.s32 s16, v23;
	v55 =	vand.u32 $0xFFF8, v47;
	v40 =	vld.idx.msk [tilespmem:v61+s21+$0x0], $0xffff;
	v48 =	vor.u32 v18, v37  }
0x17a: {  	s2 =	simm.s32 $0x20D0;
	v59 =	vmovc v19;
	v47 =	vor.u32 v20, v55;
	v37 =	vld.idx.msk [tilespmem:v49+s21+$0x0], $0xffff;
	v49 =	vand.u32 $0xFFF8, v50;
	[tilespmem:s9+$0x0] =	vst v52;
	v52 =	vadd.s32 s16, v14  }
0x17b: {  	s3 =	simm.s32 $0x360;
	s6 =	simm.s32 $0x6;
	s10 =	simm.s32 $0xA4C0;
	v39 =	vld [tilespmem:s0+$0xFFFFFFF0];
	v61 =	vmovc v18;
	v49 =	vor.u32 v21, v49;
	[tilespmem:v51+s30+$0x0] =	vst.idx.msk $0xffff, v53;
	v51 =	vand.u32 $0xFFF8, v52;
	v50 =	vadd.s32 s16, v56  }
.LBB2_10:
0x17c: {  	v52 =	vld [tilespmem:s2+$0x0];
	[tilespmem:v44+s30+$0x0] =	vst.idx.msk $0xffff, v41;
	v41 =	vand.u32 $0xFFF8, v50;
	v50 =	vor.u32 v8, v51  }
0x17d: {  	v51 =	vadd.s32 s3, v57;
	v53 =	vadd.s32 s3, v58;
	v46 =	vld.idx.msk [tilespmem:v46+s21+$0x0], $0xffff;
	v41 =	vor.u32 v16, v41  }
0x17e: {  	v54 =	vadd.s32 s16, v63;
	v55 =	vadd.s32 s3, v60;
	v63 =	vadd.s32 s16, v11;
	v48 =	vld.idx.msk [tilespmem:v48+s21+$0x0], $0xffff  }
0x17f: {  	v57 =	vadd.s32 s3, v14;
	v60 =	vadd.s32 s16, v10;
	v47 =	vld.idx.msk [tilespmem:v47+s21+$0x0], $0xffff;
	v45 =	vmul.f32 v45, v42  }
0x180: {  	v32 =	vadd.f32 v32, v35;
	v54 =	vand.u32 $0xFFF8, v54;
	v49 =	vld.idx.msk [tilespmem:v49+s21+$0x0], $0xffff;
	v58 =	vand.u32 $0xFFF8, v60  }
0x181: {  	v54 =	vor.u32 v8, v54;
	[tilespmem:v43+s30+$0x0] =	vst.idx.msk $0xffff, v45;
	v45 =	vadd.s32 s3, v56;
	v56 =	vand.u32 $0xFFF8, v63;
	v50 =	vld.idx.msk [tilespmem:v50+s21+$0x0], $0xffff  }
0x182: {  	v43 =	vadd.s32 s3, v59;
	v52 =	vmax.f32 v52, $1.000000000e+00;
	v56 =	vor.u32 v12, v56;
	v59 =	vld.idx.msk [tilespmem:v41+s21+$0x0], $0xffff  }
0x183: {  	s13 =	sadd.s32 $0x20, s13;
	v44 =	vpop (erf);
	v60 =	vld [tilespmem:s2+$0xFFFFFFF0];
	(erf) = vrcp.f32 v52;
	v63 =	vand.u32 $0xFFF8, v43;
	v43 =	vor.u32 v62, v58  }
0x184: {  	s11 =	sadd.s32 $0x20, s11;
	v51 =	vand.u32 $0xFFF8, v51;
	v53 =	vand.u32 $0xFFF8, v53;
	v55 =	vand.u32 $0xFFF8, v55;
	s1 =	sadd.s32 $0x10, s13;
	v52 =	vld [tilespmem:s15+$0xFFFFFFF0]  }
0x185: {  	v57 =	vand.u32 $0xFFF8, v57;
	v51 =	vor.u32 v13, v51;
	v6 =	vmov s1;
	v41 =	vld [tilespmem:s11+$0x0]  }
0x186: {  	v53 =	vor.u32 v61, v53;
	v55 =	vor.u32 v21, v55;
	v6 =	vshll.u32 v6, $0x2;
	v54 =	vld.idx.msk [tilespmem:v54+s21+$0x0], $0xffff  }
0x187: {  	v57 =	vor.u32 v8, v57;
	v61 =	vmov s13;
	v6 =	vor.u32 v9, v6;
	v56 =	vld.idx.msk [tilespmem:v56+s21+$0x0], $0xffff  }
0x188: {  	v58 =	vor.u32 v20, v63;
	v63 =	vmul.f32 v49, v47;
	v62 =	vmul.f32 v50, v48;
	v7 =	vld.idx.msk [tilespmem:v43+s21+$0x0], $0xffff  }
0x189: {  	s12 =	sadd.s32 $0x20, s12;
	v43 =	vmul.f32 v50, v46;
	v47 =	vmul.f32 v59, v47;
	v50 =	vmax.f32 v60, $1.000000000e+00;
	v60 =	vld [tilespmem:s11+$0xFFFFFFF0]  }
0x18a: {  	v45 =	vand.u32 $0xFFF8, v45;
	v46 =	vmul.f32 v49, v46;
	v49 =	vld [tilespmem:s12+$0x0];
	v52 =	vmul.f32 v52, v42  }
0x18b: {  	v45 =	vor.u32 v16, v45;
	v43 =	vsub.f32 v43, v47;
	v47 =	vmul.f32 v59, v48  }
0x18c: {  	v62 =	vsub.f32 v62, v63;
	(erf) = vrcp.f32 v50;
	v48 =	vshll.u32 v61, $0x2;
	v59 =	vld [tilespmem:s12+$0xFFFFFFF0];
	[tilespmem:v29+s30+$0x0] =	vst.idx.msk $0xffff, v52;
	v50 =	vpop (erf)  }
0x18d: {  	v46 =	vsub.f32 v46, v47;
	v47 =	vor.u32 v9, v48;
	v48 =	vmul.f32 v50, v41  }
0x18e: {  	v54 =	vmul.f32 v62, v54;
	[tilespmem:v33+s30+$0x0] =	vst.idx.msk $0xffff, v30;
	v33 =	vadd.s32 s3, v22;
	v56 =	vmul.f32 v43, v56  }
0x18f: {  	v30 =	vmovc v60;
	v60 =	vadd.s32 s3, v10;
	v50 =	vld.idx.msk [tilespmem:v53+s21+$0x0], $0xffff;
	v53 =	vmul.f32 v38, v31;
	v49 =	vmul.f32 v48, v49  }
0x190: {  	v38 =	vmul.f32 v38, v27;
	v7 =	vmul.f32 v46, v7;
	v56 =	vsub.f32 v54, v56  }
0x191: {  	s14 =	sadd.s32 $0x20, s14;
	v51 =	vld.idx.msk [tilespmem:v51+s21+$0x0], $0xffff;
	v27 =	vmul.f32 v34, v27;
	v46 =	vor.u32 $0x3, v47;
	v54 =	vadd.s32 s3, v11;
	[tilespmem:v6+s30+$0x0] =	vst.idx.msk $0xffff, v49  }
0x192: {  	v42 =	vand.u32 $0xFFF8, v54;
	v7 =	vadd.f32 v56, v7;
	v56 =	vand.u32 $0xFFF8, v33;
	v33 =	vmovc v46;
	v46 =	vld [tilespmem:s14+$0x0]  }
0x193: {  	v54 =	vmul.f32 v34, v28;
	v34 =	vld.idx.msk [tilespmem:v55+s21+$0x0], $0xffff;
	v49 =	vor.u32 v8, v56;
	v56 =	vor.u32 $0x1, v6  }
0x194: {  	s0 =	sadd.s32 $0x20, s0;
	(erf) = vrcp.f32 v7;
	v7 =	vand.u32 $0xFFF8, v60;
	v60 =	vmul.f32 v26, v28;
	v28 =	vld.idx.msk [tilespmem:v58+s21+$0x0], $0xffff  }
0x195: {  	v39 =	vmul.f32 $1.660539980e+00, v39;
	v31 =	vmul.f32 v26, v31;
	v52 =	vor.u32 v12, v42;
	v42 =	vpop (erf);
	v58 =	vld [tilespmem:s0+$0x0]  }
0x196: {  	v53 =	vsub.f32 v53, v54;
	v42 =	vmul.f32 v42, v30;
	v54 =	vsub.f32 v38, v60;
	v38 =	vld.idx.msk [tilespmem:v57+s21+$0x0], $0xffff  }
0x197: {  	v43 =	vor.u32 $0x1, v47;
	v7 =	vor.u32 v15, v7;
	v57 =	vld [tilespmem:$0x1FFF0];
	v46 =	vmul.f32 v46, v48  }
0x198: {  	v26 =	vld.idx.msk [tilespmem:v45+s21+$0x0], $0xffff;
	v35 =	vmul.f32 v53, v36;
	v53 =	vsub.f32 v27, v31;
	v45 =	vmul.f32 v42, v59  }
0x199: {  	s15 =	sadd.s32 $0x20, s15;
	v29 =	vor.u32 $0x2, v47;
	(erf) = vrcp.f32 v32;
	v40 =	vmul.f32 v54, v40;
	v36 =	vld.idx.msk [tilespmem:v49+s21+$0x0], $0xffff;
	[tilespmem:v56+s30+$0x0] =	vst.idx.msk $0xffff, v46  }
0x19a: {  	v27 =	vmovc v51;
	v31 =	vmov v50;
	v50 =	vmul.f32 v44, v24;
	v51 =	vor.u32 $0x2, v6;
	[tilespmem:v47+s30+$0x0] =	vst.idx.msk $0xffff, v45;
	v47 =	vld [tilespmem:s15+$0x0]  }
0x19b: {  	s6 =	sadd.s32 $0x2, s6;
	s16 =	sadd.s32 $0x120, s16;
	v44 =	vor.u32 $0x3, v6;
	v56 =	vld [tilespmem:$0x1FFE0];
	v46 =	vmul.f32 $1.660539980e+00, v58;
	v32 =	vsub.f32 v35, v40  }
0x19c: {  	p0 =	slt.u32 s6, $0x60;
	v63 =	vmovc v22;
	v61 =	vmovc v18;
	v35 =	vmul.f32 v53, v37;
	v53 =	vadd.s32 s16, v17;
	v40 =	vld.idx.msk [tilespmem:v52+s21+$0x0], $0xffff;
	v37 =	vadd.s32 s16, v57  }
.Ltmp5:
0x19d: {  	v52 =	vadd.s32 s16, v19;
	v6 =	vand.u32 $0xFFF8, v37;
	v37 =	vld.idx.msk [tilespmem:v7+s21+$0x0], $0xffff;
	v7 =	vadd.s32 s16, v23;
	v49 =	vpop (erf);
	(pc) =	sbr.rel @p0 .LBB2_10-.Ltmp5, $4  }
0x19e: {  	v62 =	vmovc v15;
	v24 =	vmovc v25;
	v49 =	vmul.f32 v49, v46;
	v46 =	vor.u32 v13, v6;
	v6 =	vand.u32 $0xFFF8, v53  }
0x19f: {  	s9 =	sadd.s32 $0x20, s9;
	v25 =	vmovc v39;
	v45 =	vld [tilespmem:s14+$0xFFFFFFF0];
	[tilespmem:s20+$0xFFFFFFF0] =	vst v50;
	v55 =	vmul.f32 v47, v48;
	v48 =	vor.u32 v18, v6;
	v6 =	vand.u32 $0xFFF8, v52  }
0x1a0: {  	s2 =	sadd.s32 $0x20, s2;
	s3 =	sadd.s32 $0xFFFFFF70, s16;
	v59 =	vmovc v19;
	v60 =	vmovc v23;
	[tilespmem:s9+$0x0] =	vst v49;
	v47 =	vor.u32 v20, v6;
	v6 =	vand.u32 $0xFFF8, v7;
	v7 =	vadd.s32 s16, v14  }
0x1a1: {  	v58 =	vmovc v17;
	s20 =	smov.u32 s31;
	s31 =	smov.u32 s10;
	s10 =	smov.u32 s9;
	v39 =	vld [tilespmem:s0+$0xFFFFFFF0];
	v50 =	vadd.s32 s16, v56;
	[tilespmem:v51+s30+$0x0] =	vst.idx.msk $0xffff, v55;
	v49 =	vor.u32 v21, v6;
	v51 =	vand.u32 $0xFFF8, v7  }
0x1a2: {  	_ =	sdelay $0x3  }
0x1a3: {  	[tilespmem:v44+s30+$0x0] =	vst.idx.msk $0xffff, v41;
	v7 =	vand.u32 $0xFFF8, v50;
	v6 =	vmul.f32 v45, v42  }
0x1a4: {  	v41 =	vor.u32 v8, v51;
	v44 =	vadd.s32 s3, v57;
	v55 =	vadd.s32 s16, v63;
	v46 =	vld.idx.msk [tilespmem:v46+s21+$0x0], $0xffff  }
0x1a5: {  	v50 =	vadd.s32 s3, v56;
	v51 =	vadd.s32 s16, v11;
	v7 =	vor.u32 v16, v7;
	v48 =	vld.idx.msk [tilespmem:v48+s21+$0x0], $0xffff;
	[tilespmem:v43+s30+$0x0] =	vst.idx.msk $0xffff, v6  }
0x1a6: {  	v53 =	vadd.s32 s16, v10;
	v54 =	vadd.s32 s3, v60;
	v51 =	vand.u32 $0xFFF8, v51;
	v52 =	vld [tilespmem:s15+$0xFFFFFFF0]  }
0x1a7: {  	v47 =	vld.idx.msk [tilespmem:v47+s21+$0x0], $0xffff;
	v53 =	vand.u32 $0xFFF8, v53;
	v44 =	vand.u32 $0xFFF8, v44;
	v51 =	vor.u32 v12, v51  }
0x1a8: {  	v49 =	vld.idx.msk [tilespmem:v49+s21+$0x0], $0xffff;
	v50 =	vand.u32 $0xFFF8, v50;
	v53 =	vor.u32 v62, v53;
	v43 =	vand.u32 $0xFFF8, v55  }
0x1a9: {  	v45 =	vadd.s32 s3, v58;
	v44 =	vor.u32 v13, v44;
	v43 =	vor.u32 v8, v43;
	v41 =	vld.idx.msk [tilespmem:v41+s21+$0x0], $0xffff  }
0x1aa: {  	v45 =	vand.u32 $0xFFF8, v45;
	v6 =	vadd.s32 s3, v59;
	v55 =	vadd.s32 s3, v14;
	v7 =	vld.idx.msk [tilespmem:v7+s21+$0x0], $0xffff  }
0x1ab: {  	v45 =	vor.u32 v61, v45;
	v6 =	vand.u32 $0xFFF8, v6;
	v42 =	vmul.f32 v52, v42  }
0x1ac: {  	v6 =	vor.u32 v20, v6;
	v51 =	vld.idx.msk [tilespmem:v51+s21+$0x0], $0xffff;
	v52 =	vand.u32 $0xFFF8, v54;
	v54 =	vand.u32 $0xFFF8, v55  }
0x1ad: {  	v53 =	vld.idx.msk [tilespmem:v53+s21+$0x0], $0xffff;
	v52 =	vor.u32 v21, v52;
	v54 =	vor.u32 v8, v54;
	[tilespmem:v29+s30+$0x0] =	vst.idx.msk $0xffff, v42  }
0x1ae: {  	v43 =	vld.idx.msk [tilespmem:v43+s21+$0x0], $0xffff;
	v29 =	vmul.f32 v41, v48;
	v42 =	vmul.f32 v49, v47;
	[tilespmem:v33+s30+$0x0] =	vst.idx.msk $0xffff, v30  }
0x1af: {  	v30 =	vor.u32 v16, v50;
	v33 =	vmul.f32 v41, v46;
	v50 =	vmul.f32 v7, v47;
	v44 =	vld.idx.msk [tilespmem:v44+s21+$0x0], $0xffff  }
0x1b0: {  	v55 =	vadd.s32 s3, v63;
	v46 =	vmul.f32 v49, v46;
	v7 =	vmul.f32 v7, v48;
	v45 =	vld.idx.msk [tilespmem:v45+s21+$0x0], $0xffff  }
0x1b1: {  	v49 =	vadd.s32 s3, v11;
	v29 =	vsub.f32 v29, v42;
	v42 =	vand.u32 $0xFFF8, v55;
	v6 =	vld.idx.msk [tilespmem:v6+s21+$0x0], $0xffff  }
0x1b2: {  	v33 =	vsub.f32 v33, v50;
	v50 =	vand.u32 $0xFFF8, v49;
	v42 =	vor.u32 v8, v42;
	v47 =	vld.idx.msk [tilespmem:v52+s21+$0x0], $0xffff  }
0x1b3: {  	v55 =	vadd.s32 s3, v10;
	v7 =	vsub.f32 v46, v7;
	v41 =	vor.u32 v12, v50;
	v48 =	vld.idx.msk [tilespmem:v54+s21+$0x0], $0xffff  }
0x1b4: {  	v29 =	vmul.f32 v29, v43;
	v50 =	vand.u32 $0xFFF8, v55;
	v52 =	vmul.f32 v38, v31;
	v30 =	vld.idx.msk [tilespmem:v30+s21+$0x0], $0xffff  }
0x1b5: {  	v54 =	vmul.f32 v38, v27;
	v55 =	vmul.f32 v26, v28;
	v43 =	vor.u32 v62, v50  }
0x1b6: {  	v33 =	vmul.f32 v33, v51;
	v7 =	vmul.f32 v7, v53  }
0x1b7: {  	v53 =	vmul.f32 v34, v28;
	v28 =	vsub.f32 v54, v55;
	v54 =	vmul.f32 v26, v31;
	v38 =	vld.idx.msk [tilespmem:v42+s21+$0x0], $0xffff  }
0x1b8: {  	v41 =	vld.idx.msk [tilespmem:v41+s21+$0x0], $0xffff;
	v46 =	vmul.f32 v48, v45;
	v49 =	vmul.f32 v47, v6  }
0x1b9: {  	v42 =	vsub.f32 v52, v53;
	v52 =	vmul.f32 v48, v44;
	v6 =	vmul.f32 v30, v6  }
0x1ba: {  	v29 =	vsub.f32 v29, v33;
	v53 =	vmul.f32 v34, v27;
	v44 =	vmul.f32 v47, v44;
	v55 =	vld.idx.msk [tilespmem:v43+s21+$0x0], $0xffff  }
0x1bb: {  	v43 =	vsub.f32 v46, v49;
	v30 =	vmul.f32 v30, v45;
	v6 =	vsub.f32 v52, v6  }
0x1bc: {  	v28 =	vmul.f32 v28, v40;
	v36 =	vmul.f32 v42, v36;
	v26 =	vsub.f32 v53, v54  }
0x1bd: {  	v46 =	vmul.f32 v43, v38;
	v30 =	vsub.f32 v44, v30;
	v6 =	vmul.f32 v6, v41  }
0x1be: {  	v7 =	vadd.f32 v29, v7;
	v28 =	vsub.f32 v36, v28;
	v26 =	vmul.f32 v26, v37  }
0x1bf: {  	v47 =	vadd.f32 v32, v35;
	v48 =	vmul.f32 v30, v55;
	v6 =	vsub.f32 v46, v6  }
0x1c0: {  	(erf) = vrcp.f32 v7;
	v7 =	vadd.f32 v28, v26  }
0x1c1: {  	(erf) = vrcp.f32 v47;
	v6 =	vadd.f32 v6, v48  }
0x1c2: {  	s0 =	sadd.s32 $0x20, s0;
	(erf) = vrcp.f32 v7  }
0x1c3: {  	v7 =	vld [tilespmem:s0+$0x0];
	(erf) = vrcp.f32 v6;
	_ =	sdelay $0x2  }
0x1c4: {  	v6 =	vld [tilespmem:s0+$0xFFFFFFF0];
	_ =	sdelay $0x1  }
0x1c5: {  	v49 =	vpop (erf);
	v7 =	vmul.f32 $1.660539980e+00, v7  }
0x1c6: {  	v24 =	vmul.f32 v49, v24;
	v50 =	vpop (erf)  }
0x1c7: {  	v52 =	vmul.f32 $1.660539980e+00, v39;
	v51 =	vpop (erf);
	v7 =	vmul.f32 v50, v7  }
0x1c8: {  	s15 =	sadd.s32 $0x20, s9;
	[tilespmem:s20+$0xFFFFFFF0] =	vst v24;
	v53 =	vmul.f32 v51, v25;
	v54 =	vpop (erf);
	v6 =	vmul.f32 $1.660539980e+00, v6  }
0x1c9: {  	[tilespmem:s15+$0x0] =	vst v7;
	v7 =	vmul.f32 v54, v52;
	v55 =	vpop (erf)  }
0x1ca: {  	[tilespmem:s31+$0xFFFFFFF0] =	vst v53;
	v6 =	vmul.f32 v55, v6  }
0x1cb: {  	[tilespmem:s10+$0xFFFFFFF0] =	vst v7  }
0x1cc: {  	[tilespmem:s15+$0xFFFFFFF0] =	vst v6  }
0x1cd: {  	s10 =	simm.s32 $0x0;
	s0 =	rddreg [dreg:$0xc]  }
0x1ce: {  	[hbm4b:s0+s10] =	stream.linear.scatter [tilespmem:s30], [sflag:$0x2], $0x1880, $0x38;
	[tilespmem:$0xAA90] =	vst v63  }
0x1cf: {  	_ =	swait.ge [sflag:s17], $0x1880  }
0x1d0: {  	[sflag:s17] =	ssyncset.done $0x0  }
0x1d1: {  	s1 =	simm.s32 $0xA470;
	s16 =	rddreg [dreg:$0xd];
	[sflag:s17] =	ssyncadd.s32 $0xFFFFE780  }
0x1d2: {  	[hbm4b:s16+s10] =	stream.linear.scatter [tilespmem:s1], [sflag:$0x2], $0x620, $0x38;
	[tilespmem:$0xAA90] =	vst v63  }
0x1d3: {  	_ =	swait.ge [sflag:s17], $0x620  }
0x1d4: {  	s20 =	rddreg [dreg:$0xf]  }
0x1d5: {  	s31 =	rddreg [dreg:$0xe];
	s1 =	sadd.s32 $0x1, s20  }
0x1d6: {  	p0 =	sne.s32 s1, s31  }
.Ltmp6:
0x1d7: {  	_ = 	snop;
	(pc) =	sbr.rel @p0 .LBB2_1-.Ltmp6, $3  }
0x1d8: {  	_ =	sdelay $0x1  }
0x1d9: {  	[sflag:s17] =	ssyncset.done $0x0  }
0x1da: {  	v7 =	vmovc v11;
	v11 =	vmov v20;
	v6 =	vmov v9;
	v9 =	vmov v12;
	[sflag:s17] =	ssyncadd.s32 $0xFFFFF9E0  }
0x1db: {  	_ =	sfence.sel $0x180000  }
0x1dc: {  	[bflag:$0x0] =	sbarrier.arrive $0xFFFF  }
0x1dd: {  	_ =	strace $0x90000047  }
0x1de: {  	s0 =	stileid.u32;
	[bflag:$0x2] =	sbarrier.arrive $0xFFFF  }
0x1df: {  	p0 =	sne.s32 s0, $0x0;
	s0 =	rddreg [dreg:$0x5]  }
0x1e0: {  	s0 =	sadd.s32 @!p0 $0x100000, s0  }
0x1e1: {  	[sflag:s0] =	ssyncadd.tile.s32 @!p0 $0x1;
	_ =	shalt  }
.Lfunc_end2:
_tile_overlayer_lowered:
.L_overlay_start_2:
0x1e2: {  	(tag) =	ssettag $0x2  }
0x1e3: {  	s0 =	rddreg [dreg:$0x0];
	s2 =	stileid.u32  }
0x1e4: {  	s1 =	rddreg [dreg:$0x1];
	p0 =	sne.s32 s2, $0x0  }
0x1e5: {  	s3 =	rddreg [dreg:$0x2];
	[bflag:$0x3] =	sbarrier.arrive $0xFFFF;
	s2 =	simm.s32 @!p0 $0x1C02  }
0x1e6: {  	[timem:s3], [sflag:s2] =	dma.local @!p0 [hbm:s0], s1  }
0x1e7: {  	s0 =	simm.s32 @!p0 $0x2  }
0x1e8: {  	_ =	swait.ge @!p0 [sflag:s0], s1  }
0x1e9: {  	s1 =	ssub.s32 @!p0 $0x0, s1;
	[sflag:s0] =	ssyncset.done @!p0 $0x0  }
0x1ea: {  	[sflag:s0] =	ssyncadd.s32 @!p0 s1  }
0x1eb: {  	[bflag:$0x3] =	sbarrier.arrive $0xFFFF  }
0x1ec: {  	_ =	shalt  }

// kernel: kernel.7.cloned.1.call-start
scs
__scs_entry_jumppad:
0x0: {  	(pc) =	sbr.rel $0x88, $3  }
0x1: {  	(tag) =	ssettag $0x0;
	lr =	simm.s32 $0x1  }
0x2: {  	[smem:$0x3F99] =	sst lr;
	_ =	strace $0xD0000000  }
0x3: {  	_ = 	snop  }
0x4: {  	_ = 	snop  }
0x5: {  	_ = 	snop  }
0x6: {  	_ = 	snop  }
0x7: {  	_ = 	snop  }
__scs_overlays_trampoline_lowered:
0x8: {  	[smem:$0x3FA8] =	sst s0  }
0x9: {  	[smem:$0x3FA9] =	sst s1  }
0xa: {  	[smem:$0x3FAA] =	sst s2  }
0xb: {  	[smem:$0x3FAB] =	sst s3  }
0xc: {  	[smem:$0x3FAC] =	sst s4  }
0xd: {  	[smem:$0x3FAD] =	sst s5  }
0xe: {  	[smem:$0x3FAE] =	sst s6  }
0xf: {  	[smem:$0x3FAF] =	sst s7  }
0x10: {  	[smem:$0x3FB0] =	sst s8  }
0x11: {  	[smem:$0x3FB1] =	sst s9;
	s0 =	simm.s32 @!p0 $0x0  }
0x12: {  	s1 =	sld [smem:$0x3F97];
	s0 =	simm.s32 @p0 $0x1  }
0x13: {  	[smem:$0x3FB2] =	sst s0;
	s0 =	simm.s32 @!p1 $0x0  }
0x14: {  	s2 =	sld [smem:$0x3F96];
	s0 =	simm.s32 @p1 $0x1  }
0x15: {  	[smem:$0x3FB3] =	sst s0;
	s0 =	simm.s32 @!p2 $0x0  }
0x16: {  	s3 =	sld [smem:$0x3FDB];
	s0 =	simm.s32 @p2 $0x1  }
0x17: {  	s4 =	simm.s32 $0x1BF5;
	[smem:$0x3FB5] =	sst s0  }
0x18: {  	s0 =	sld [smem:$0x3F98];
	_ =	swait.ge [sflag:s4], $0x0  }
0x19: {  	s7 =	sld [smem:$0x3F99]  }
0x1a: {  	s8 =	sadd.s32 $0xFFFFE003, lr  }
0x1b: {  	s9 =	sadd.s32 $0xFFFFFEF7, lr;
	s5 =	simm.s32 $0xFFFFFFFF;
	p2 =	slt.u32 s8, $0xFFFFF086  }
0x1c: {  	p1 =	slt.u32 s9, $0xF7A;
	s5 =	simm.s32 @!p2 $0x0  }
0x1d: {  	s5 =	simm.s32 @p1 $0x1;
	p0 =	seq.s32 s7, s2  }
0x1e: {  	s7 =	smul.u32 @!p0 $0xF7A, s2;
	p2 =	seq.s32 @!p0 s5, $0x0  }
0x1f: {  	s9 =	smul.u32 $0xF7A, s1;
	s8 =	simm.s32 @!p0 $0x1BF5;
	p2 =	por !p2, p0  }
0x20: {  	[sflag:s8] =	ssyncset.s32 @!p0 $0xFFFFF086;
	s6 =	sadd.s32 @!p0 s3, s7;
	s7 =	simm.s32 @!p0 $0x108  }
0x21: {  	s3 =	sadd.s32 s3, s9;
	s6 =	sadd.s32 @!p0 $0x88, s6;
	s7 =	simm.s32 @p2 $0x1082  }
0x22: {  	[simem:s7], [sflag:s8] =	dma.local @!p0 [hbm:s6], $0xF7A  }
0x23: {  	s9 =	sor.u32 $0xD0000000, s2;
	s6 =	simm.s32 $0x108;
	_ =	swait.ge @!p0 [sflag:s8], $0x0  }
0x24: {  	s3 =	sadd.s32 $0x88, s3;
	s6 =	simm.s32 @!p1 $0x1082;
	[sflag:s4] =	ssyncset.s32 $0xFFFFF086  }
0x25: {  	[simem:s6], [sflag:s4] =	dma.local [hbm:s3], $0xF7A  }
0x26: {  	[smem:$0x3F99] =	sst s1;
	(tag) =	ssettag s2;
	_ =	strace s9  }
0x27: {  	s1 =	sld [smem:$0x3FA9]  }
0x28: {  	s2 =	sld [smem:$0x3FAA]  }
0x29: {  	s4 =	sld [smem:$0x3FAC]  }
0x2a: {  	p0 =	seq.s32 s5, $0x0;
	s5 =	sld [smem:$0x3FAD]  }
0x2b: {  	s6 =	sld [smem:$0x3FAE]  }
0x2c: {  	s7 =	sld [smem:$0x3FAF]  }
0x2d: {  	s3 =	simm.s32 $0x108;
	s8 =	sld [smem:$0x3FB0]  }
0x2e: {  	s3 =	simm.s32 @!p0 $0x1082;
	s9 =	sld [smem:$0x3FB1]  }
0x2f: {  	lr =	sadd.s32 s0, s3;
	s0 =	sld [smem:$0x3FA8]  }
0x30: {  	s3 =	sld [smem:$0x3FAB]  }
0x31: {  	[smem:$0x3FB4] =	sst s10  }
0x32: {  	s10 =	sld [smem:$0x3FB2];
	_ =	sdelay $0x3  }
0x33: {  	p0 =	seq.s32 s10, $0x1;
	s10 =	sld [smem:$0x3FB4];
	_ =	sdelay $0x3  }
0x34: {  	[smem:$0x3FB4] =	sst s10  }
0x35: {  	s10 =	sld [smem:$0x3FB3];
	_ =	sdelay $0x3  }
0x36: {  	p1 =	seq.s32 s10, $0x1;
	s10 =	sld [smem:$0x3FB4];
	_ =	sdelay $0x3  }
0x37: {  	[smem:$0x3FB4] =	sst s10  }
0x38: {  	s10 =	sld [smem:$0x3FB5]  }
0x39: {  	_ = 	snop;
	(pc) =	sbr.ind lr, $3  }
0x3a: {  	_ = 	snop  }
0x3b: {  	_ = 	snop  }
0x3c: {  	p2 =	seq.s32 s10, $0x1;
	s10 =	sld [smem:$0x3FB4]  }
0x3d: {  	_ =	shalt  }
0x3e: {  	_ =	shalt  }
0x3f: {  	_ =	shalt  }
0x40: {  	_ =	shalt  }
0x41: {  	_ =	shalt  }
0x42: {  	_ =	shalt  }
0x43: {  	_ =	shalt  }
0x44: {  	_ =	shalt  }
0x45: {  	_ =	shalt  }
0x46: {  	_ =	shalt  }
0x47: {  	_ =	shalt  }
0x48: {  	_ =	shalt  }
0x49: {  	_ =	shalt  }
0x4a: {  	_ =	shalt  }
0x4b: {  	_ =	shalt  }
0x4c: {  	_ =	shalt  }
0x4d: {  	_ =	shalt  }
0x4e: {  	_ =	shalt  }
0x4f: {  	_ =	shalt  }
0x50: {  	_ =	shalt  }
0x51: {  	_ =	shalt  }
0x52: {  	_ =	shalt  }
0x53: {  	_ =	shalt  }
0x54: {  	_ =	shalt  }
0x55: {  	_ =	shalt  }
0x56: {  	_ =	shalt  }
0x57: {  	_ =	shalt  }
0x58: {  	_ =	shalt  }
0x59: {  	_ =	shalt  }
0x5a: {  	_ =	shalt  }
0x5b: {  	_ =	shalt  }
0x5c: {  	_ =	shalt  }
0x5d: {  	_ =	shalt  }
0x5e: {  	_ =	shalt  }
0x5f: {  	_ =	shalt  }
0x60: {  	_ =	shalt  }
0x61: {  	_ =	shalt  }
0x62: {  	_ =	shalt  }
0x63: {  	_ =	shalt  }
0x64: {  	_ =	shalt  }
0x65: {  	_ =	shalt  }
0x66: {  	_ =	shalt  }
0x67: {  	_ =	shalt  }
0x68: {  	_ =	shalt  }
0x69: {  	_ =	shalt  }
0x6a: {  	_ =	shalt  }
0x6b: {  	_ =	shalt  }
0x6c: {  	_ =	shalt  }
0x6d: {  	_ =	shalt  }
0x6e: {  	_ =	shalt  }
0x6f: {  	_ =	shalt  }
0x70: {  	_ =	shalt  }
0x71: {  	_ =	shalt  }
0x72: {  	_ =	shalt  }
0x73: {  	_ =	shalt  }
0x74: {  	_ =	shalt  }
0x75: {  	_ =	shalt  }
0x76: {  	_ =	shalt  }
0x77: {  	_ =	shalt  }
0x78: {  	_ =	shalt  }
0x79: {  	_ =	shalt  }
0x7a: {  	_ =	shalt  }
0x7b: {  	_ =	shalt  }
0x7c: {  	_ =	shalt  }
0x7d: {  	_ =	shalt  }
0x7e: {  	_ =	shalt  }
0x7f: {  	_ =	shalt  }
0x80: {  	_ =	shalt  }
0x81: {  	_ =	shalt  }
0x82: {  	_ =	shalt  }
0x83: {  	_ =	shalt  }
0x84: {  	_ =	shalt  }
0x85: {  	_ =	shalt  }
0x86: {  	_ =	shalt  }
0x87: {  	_ =	shalt  }
.Lfunc_end0:
.L_simem_size_0:
called_computation.1_lowered:
.L_overlay_start_0:
0x88: {  	s2 =	sld [smem:$0x3FD9]  }
0x89: {  	s3 =	sld [smem:$0x3FFE];
	_ =	sdelay $0x1  }
0x8a: {  	s1 =	srdreg.scid  }
0x8b: {  	s0 =	sand.u32 $0x1, s1  }
0x8c: {  	s14 =	sshll.u32 s0, $0xA;
	s2 =	sadd.s32 s3, s2  }
0x8d: {  	s2 =	sadd.s32 s2, s14  }
0x8e: {  	[smem:$0x3FC0] =	sst s2  }
0x8f: {  	_ = 	snop  }
0x90: {  	s2 =	sld [smem:$0x3FD0];
	_ =	sdelay $0x2  }
0x91: {  	s4 =	simm.s32 $0xA;
	s5 =	simm.s32 $0x10;
	s15 =	sld [smem:$0x3FC3]  }
0x92: {  	[smem:s5], [sflag:s4] =	dma.local [hbm:s2], $0x1  }
0x93: {  	_ =	swait.eq [sflag:s4], $0x1  }
0x94: {  	[sflag:s4] =	ssyncset.done $0x0  }
0x95: {  	[sflag:s4] =	ssyncadd.s32 $0xFFFFFFFF  }
0x96: {  	s16 =	sld [smem:$0x10];
	(tm) =	ssettm $0x1  }
0x97: {  	s17 =	sld [smem:$0x3FFB];
	_ =	sdelay $0x3  }
0x98: {  	_ =	strace s17  }
0x99: {  	s4 =	sld [smem:$0x3FFC];
	_ =	sdelay $0x3  }
0x9a: {  	_ =	strace s4  }
0x9b: {  	s4 =	sld [smem:$0x3FFD];
	_ =	sdelay $0x3  }
0x9c: {  	_ =	strace s4  }
0x9d: {  	_ =	strace $0x8FFFFFFF  }
0x9e: {  	s18 =	sld [smem:$0x3FDB];
	_ =	sdelay $0x1  }
0x9f: {  	s19 =	simm.s32 $_scs_section_size  }
0xa0: {  	s6 =	simm.s32 $_size__tile_overlayer_lowered;
	s7 =	simm.s32 $_tile_overlayer_lowered  }
0xa1: {  	s22 =	simm.s32 $0x1BFF;
	s21 =	sshll.u32 s7, $0x1;
	s4 =	sadd.s32 s19, s18  }
0xa2: {  	s8 =	simm.s32 $0x0;
	s20 =	sshll.u32 s6, $0x1;
	s6 =	sadd.s32 s21, s4  }
0xa3: {  	[timem:s8], [sflag:s22] =	dma.local [hbm:s6], s20  }
0xa4: {  	_ =	swait.ge [sflag:s22], s20  }
0xa5: {  	s5 =	ssub.s32 $0x0, s20;
	[sflag:s22] =	ssyncset.done $0x0  }
0xa6: {  	[sflag:s22] =	ssyncadd.s32 s5;
	_ =	sdelay $0x1  }
0xa7: {  	s23 =	simm.s32 $0x1B8B  }
0xa8: {  	_ =	swait.ge [sflag:s23], $0x1  }
0xa9: {  	[sflag:s23] =	ssyncset.done $0x0  }
0xaa: {  	s25 =	simm.s32 $0x1B8E;
	s24 =	sld [smem:$0x3FFE];
	[sflag:s23] =	ssyncadd.s32 $0xFFFFFFFF  }
0xab: {  	s26 =	simm.s32 $execute0_lowered;
	[smem:$0x3FD2] =	sst s25  }
0xac: {  	s6 =	sshll.u32 s26, $0x1;
	_ =	strace $0x80000049;
	[dreg:$0x1] =	wrdreg $0xFFFFFFFF  }
0xad: {  	s28 =	simm.s32 $_size_execute0_lowered;
	s4 =	sadd.s32 s4, s6;
	[dreg:$0x0] =	wrdreg $0x0  }
0xae: {  	s6 =	sshll.u32 s28, $0x1;
	[dreg:$0x2] =	wrdreg s4  }
0xaf: {  	[dreg:$0x3] =	wrdreg s6  }
0xb0: {  	[dreg:$0x4] =	wrdreg $0xC0  }
0xb1: {  	_ =	task [dreg:s8], $0x5FFFF  }
0xb2: {  	[dreg:$0x1] =	wrdreg $0xFFFFFFFF  }
0xb3: {  	[dreg:$0x0] =	wrdreg $0x60  }
0xb4: {  	[dreg:$0x2] =	wrdreg s24  }
0xb5: {  	[dreg:$0x3] =	wrdreg s16  }
0xb6: {  	[dreg:$0x4] =	wrdreg s15  }
0xb7: {  	[dreg:$0x5] =	wrdreg $0x9  }
0xb8: {  	_ =	task.clear_ibuf [dreg:s8], $0x6FFFF;
	_ =	strace $0x90000049  }
0xb9: {  	s29 =	simm.s32 $0x9;
	_ =	strace $0x8000004B  }
0xba: {  	_ =	swait.ge [sflag:s29], $0x1  }
0xbb: {  	[sflag:s29] =	ssyncadd.s32 $0xFFFFFFFF  }
0xbc: {  	_ =	strace $0x9000004B  }
0xbd: {  	_ =	sfence  }
0xbe: {  	s30 =	sld [smem:$0x0];
	_ =	sdelay $0x2  }
0xbf: {  	s31 =	sshll.u32 s1, $0xD;
	s1 =	sshrl.u32 s1, $0x2  }
0xc0: {  	s3 =	sand.u32 $0x4000, s31;
	s1 =	sadd.s32 s1, s30  }
0xc1: {  	s0 =	sor.u32 s3, s0;
	s1 =	sshll.u32 s1, $0x11  }
0xc2: {  	s0 =	sor.u32 s1, s0  }
0xc3: {  	s0 =	sadd.s32 $0x8F2B, s0  }
0xc4: {  	[sflag:s0] =	ssyncadd.remote.s32 $0x1  }
0xc5: {  	_ =	sfence.sel $0xFFFF  }
0xc6: {  	[dreg:$0x0] =	wrdreg $0xFFFFFFFF;
	(pc) =	sbr.abs _section_cstart, $3  }
0xc7: {  	[dreg:$0x1] =	wrdreg $0xFFFFFFFF  }
0xc8: {  	_ =	task.clear_ibuf [dreg:s8], $0x2FFFF;
	_ =	strace $0x9FFFFFFF  }
0xc9: {  	(tm) =	ssettm $0x7FFFFFFF  }
tec
execute0_lowered:
.L_overlay_start_1:
0x0: {  	(tag) =	ssettag $0x1  }
0x1: {  	s3 =	simm.s32 $0x0  }
0x2: {  	[smem:$0x7FF] =	sst s3  }
0x3: {  	s0 =	rddreg [dreg:$0x0];
	v0 =	vimm.f32 $1.000000000e+00;
	_ =	strace $0x8000004A  }
0x4: {  	(erf) = vrcp.f32 v0  }
0x5: {  	s1 =	srdreg.scid;
	s13 =	stileid.u32;
	s22 =	simm.s32 $0x2  }
0x6: {  	s23 =	simm.s32 $0x36B0;
	s24 =	simm.s32 $0x1;
	s25 =	simm.s32 $0x56B0  }
0x7: {  	s26 =	simm.s32 $0x5E80;
	s28 =	simm.s32 $0x6650;
	s4 =	sadd.s32 $0x32C00, s0  }
0x8: {  	s5 =	sadd.s32 $0x1E00, s0;
	s6 =	sadd.s32 $0xDB600, s0;
	s1 =	sand.u32 $0x1, s1  }
0x9: {  	s7 =	sadd.s32 $0xAA800, s0;
	s9 =	sadd.s32 $0x79A00, s0;
	s2 =	ssub.s32 $0x2, s1  }
0xa: {  	s10 =	sadd.s32 $0x73800, s0;
	s11 =	sadd.s32 $0x10C400, s0;
	s8 =	sshrl.u32 s2, $0x1  }
0xb: {  	s12 =	sadd.s32 $0x13D200, s0;
	s14 =	sshll.u32 s13, $0x1;
	s31 =	ssub.s32 s2, s8  }
0xc: {  	s13 =	sadd.s32 $0x16E000, s0;
	s1 =	sor.u32 s1, s14;
	s0 =	smax.u32 s31, $0x1  }
0xd: {  	s14 =	smul.u32 $0xC350, s1;
	s1 =	simm.s32 $0x0;
	[dreg:$0x4] =	wrdreg s0;
	v0 =	vpop (erf)  }
.LBB2_1:
0xe: {  	[dreg:$0x5] =	wrdreg s1;
	s30 =	simm.s32 $0x0  }
.LBB2_2:
0xf: {  	s0 =	smul.u32 $0x7D0, s30;
	_ =	sdelay $0x1  }
0x10: {  	s0 =	sadd.s32 s14, s0  }
0x11: {  	s31 =	sshrl.u32 s0, $0x3  }
0x12: {  	s1 =	simm.s32 $0x7D0;
	s0 =	sadd.s32 s4, s31  }
0x13: {  	[tilespmem:s1], [sflag:$0x1] =	stream.linear.gather [hbm4b:s0+s3], $0x7D0, $0x38;
	[tilespmem:$0x6E20] =	vst v63  }
0x14: {  	s21 =	simm.s32 $0xFA0;
	s2 =	rddreg [dreg:$0x1];
	s20 =	sadd.s32 s5, s31  }
0x15: {  	[tilespmem:s21], [sflag:$0x1] =	stream.linear.gather [hbm4b:s20+s3], $0x7D0, $0x38;
	[tilespmem:$0x6E20] =	vst v63  }
0x16: {  	s8 =	simm.s32 $0x1770;
	s0 =	sadd.s32 s2, s31  }
0x17: {  	[tilespmem:s8], [sflag:$0x1] =	stream.linear.gather [hbm4b:s0+s3], $0x7D0, $0x38;
	[tilespmem:$0x6E20] =	vst v63  }
0x18: {  	s16 =	simm.s32 $0x1F40;
	s15 =	sadd.s32 s6, s31  }
0x19: {  	[tilespmem:s16], [sflag:$0x1] =	stream.linear.gather [hbm4b:s15+s3], $0x7D0, $0x38;
	[tilespmem:$0x6E20] =	vst v63  }
0x1a: {  	s18 =	simm.s32 $0x2710;
	s17 =	sadd.s32 s7, s31  }
0x1b: {  	[tilespmem:s18], [sflag:$0x1] =	stream.linear.gather [hbm4b:s17+s3], $0x7D0, $0x38;
	[tilespmem:$0x6E20] =	vst v63  }
0x1c: {  	s19 =	sadd.s32 s9, s31;
	s20 =	simm.s32 $0x2EE0;
	s21 =	rddreg [dreg:$0x2]  }
0x1d: {  	[tilespmem:s20], [sflag:$0x1] =	stream.linear.gather [hbm4b:s19+s3], $0x7D0, $0x38;
	[tilespmem:$0x6E20] =	vst v63  }
0x1e: {  	s0 =	sadd.s32 s21, s31  }
0x1f: {  	[tilespmem:s3], [sflag:$0x2] =	stream.linear.gather [hbm4b:s0+s3], $0x7D0, $0x38;
	[tilespmem:$0x6E20] =	vst v63  }
0x20: {  	_ =	swait.ge [sflag:s22], $0x7D0  }
0x21: {  	[sflag:s22] =	ssyncset.done $0x0  }
0x22: {  	[sflag:s22] =	ssyncadd.s32 $0xFFFFF830  }
0x23: {  	v1 =	vld [tilespmem:$0x0];
	_ =	sdelay $0x4  }
0x24: {  	(v2sf) =	vpush v1, $0x0;
	_ =	sdelay $0xe  }
0x25: {  	s1 =	spop (v2sf)  }
0x26: {  	s0 =	sand.u32 $0xFFFFFFE0, s1  }
0x27: {  	p0 =	slt.s32 s0, $0xBC00  }
0x28: {  	s0 =	simm.s32 @!p0 $0xBC00  }
0x29: {  	s2 =	sshrl.u32 s0, $0x1  }
0x2a: {  	s1 =	sand.u32 $0x1FFFFFF0, s2  }
0x2b: {  	s1 =	sadd.s32 s10, s1  }
0x2c: {  	[tilespmem:s23], [sflag:$0x2] =	stream.linear.gather [hbm4b:s1+s3], $0x2000, $0x38;
	[tilespmem:$0x6E20] =	vst v63  }
0x2d: {  	_ =	swait.ge [sflag:s22], $0x2000  }
0x2e: {  	[sflag:s22] =	ssyncset.done $0x0  }
0x2f: {  	[sflag:s22] =	ssyncadd.s32 $0xFFFFE000  }
0x30: {  	_ =	swait.ge [sflag:s24], $0x7D0  }
0x31: {  	[sflag:s24] =	ssyncset.done $0x0  }
0x32: {  	[sflag:s24] =	ssyncadd.s32 $0xFFFFF830  }
0x33: {  	_ =	swait.ge [sflag:s24], $0x7D0  }
0x34: {  	[sflag:s24] =	ssyncset.done $0x0  }
0x35: {  	[sflag:s24] =	ssyncadd.s32 $0xFFFFF830  }
0x36: {  	_ =	swait.ge [sflag:s24], $0x7D0  }
0x37: {  	[sflag:s24] =	ssyncset.done $0x0  }
0x38: {  	[sflag:s24] =	ssyncadd.s32 $0xFFFFF830  }
0x39: {  	_ =	swait.ge [sflag:s24], $0x7D0  }
0x3a: {  	[sflag:s24] =	ssyncset.done $0x0  }
0x3b: {  	[sflag:s24] =	ssyncadd.s32 $0xFFFFF830  }
0x3c: {  	_ =	swait.ge [sflag:s24], $0x7D0  }
0x3d: {  	[sflag:s24] =	ssyncset.done $0x0  }
0x3e: {  	[sflag:s24] =	ssyncadd.s32 $0xFFFFF830  }
0x3f: {  	_ =	swait.ge [sflag:s24], $0x7D0  }
0x40: {  	[sflag:s24] =	ssyncset.done $0x0  }
0x41: {  	s8 =	simm.s32 $0x20;
	[sflag:s24] =	ssyncadd.s32 $0xFFFFF830  }
0x42: {  	v2 =	vld [tilespmem:s8+$0x10];
	_ =	sdelay $0x3  }
0x43: {  	v1 =	vmov s0  }
0x44: {  	v4 =	vld [tilespmem:s8+$0xFFFFFFF0];
	v2 =	vsub.s32 v2, v1  }
0x45: {  	v6 =	vld [tilespmem:s8+$0xFFFFFFE0];
	v3 =	vshll.u32 v2, $0x2  }
0x46: {  	v5 =	vld [tilespmem:s8+$0x0];
	v2 =	vor.u32 $0x3, v3;
	_ =	sdelay $0x2  }
0x47: {  	s15 =	simm.s32 $0x7F0  }
0x48: {  	v7 =	vld [tilespmem:s15+$0x10];
	v6 =	vsub.s32 v6, v1  }
0x49: {  	v4 =	vsub.s32 v4, v1;
	v5 =	vsub.s32 v5, v1;
	v6 =	vshll.u32 v6, $0x2;
	v2 =	vld.idx.msk [tilespmem:v2+s23+$0x0], $0xffff  }
0x4a: {  	s16 =	simm.s32 $0x1F60;
	v4 =	vshll.u32 v4, $0x2;
	v11 =	vshll.u32 v5, $0x2;
	v5 =	vor.u32 $0x3, v6  }
0x4b: {  	v8 =	vld [tilespmem:s16+$0x10];
	v9 =	vor.u32 $0x3, v4  }
0x4c: {  	v12 =	vor.u32 $0x3, v11  }
0x4d: {  	v10 =	vld.idx.msk [tilespmem:v3+s23+$0x0], $0xffff  }
0x4e: {  	v7 =	vmul.f32 v7, v2  }
0x4f: {  	v5 =	vld.idx.msk [tilespmem:v5+s23+$0x0], $0xffff  }
0x50: {  	v8 =	vadd.f32 v7, v8;
	v7 =	vld.idx.msk [tilespmem:v9+s23+$0x0], $0xffff  }
0x51: {  	v9 =	vld.idx.msk [tilespmem:v12+s23+$0x0], $0xffff  }
0x52: {  	v12 =	vld [tilespmem:s15+$0xFFFFFFE0];
	v8 =	vsub.f32 v8, v10;
	_ =	sdelay $0x1  }
0x53: {  	v16 =	vld [tilespmem:s16+$0xFFFFFFE0];
	v10 =	vand.u32 $0x7FFFFFFF, v8  }
0x54: {  	v13 =	vmul.f32 v10, v0  }
0x55: {  	v19 =	vld.idx.msk [tilespmem:v6+s23+$0x0], $0xffff  }
0x56: {  	v14 =	vld [tilespmem:s15+$0xFFFFFFF0];
	v12 =	vmul.f32 v12, v5;
	v13 =	vfloor.f32 v13  }
0x57: {  	v15 =	vld [tilespmem:s15+$0x0];
	v10 =	vsub.f32 v10, v13  }
0x58: {  	v12 =	vadd.f32 v12, v16;
	v13 =	vld [tilespmem:s16+$0xFFFFFFF0]  }
0x59: {  	v17 =	vld [tilespmem:s16+$0x0];
	v18 =	vor.u32 $0x1, v3;
	vm0 =	veq.f32 v10, $1.000000000e+00  }
0x5a: {  	v3 =	vor.u32 $0x2, v3;
	v20 =	vld.idx.msk [tilespmem:v4+s23+$0x0], $0xffff;
	v12 =	vsub.f32 v12, v19;
	v10 =	vsel vm0, $0x0, v10  }
0x5b: {  	v21 =	vld.idx.msk [tilespmem:v11+s23+$0x0], $0xffff;
	v8 =	vand.u32 $0x80000000, v8;
	v14 =	vmul.f32 v14, v7;
	v10 =	vand.u32 $0x7FFFFFFF, v10  }
0x5c: {  	v16 =	vand.u32 $0x7FFFFFFF, v12;
	v8 =	vor.u32 v8, v10;
	v10 =	vmul.f32 v15, v9  }
0x5d: {  	v19 =	vmul.f32 v16, v0;
	v13 =	vadd.f32 v14, v13;
	v15 =	vadd.f32 $1.000000000e+00, v8  }
0x5e: {  	v12 =	vand.u32 $0x80000000, v12;
	vm14 =	vlt.f32 v8, $0.0e+00;
	v10 =	vadd.f32 v10, v17  }
0x5f: {  	s17 =	simm.s32 $0x56D0;
	v3 =	vld.idx.msk [tilespmem:v3+s23+$0x0], $0xffff;
	v19 =	vfloor.f32 v19;
	v13 =	vsub.f32 v13, v20;
	v8 =	vsel vm14, v15, v8  }
0x60: {  	s18 =	simm.s32 $0xFC0;
	v14 =	vld.idx.msk [tilespmem:v18+s23+$0x0], $0xffff;
	v20 =	vor.u32 $0x1, v11;
	v11 =	vor.u32 $0x2, v11;
	[tilespmem:s17+$0x10] =	vst v8;
	v10 =	vsub.f32 v10, v21  }
0x61: {  	v16 =	vsub.f32 v16, v19;
	v15 =	vor.u32 $0x1, v6;
	v18 =	vand.u32 $0x7FFFFFFF, v13;
	v17 =	vld [tilespmem:s18+$0x10]  }
0x62: {  	s2 =	simm.s32 $0x2730;
	v6 =	vor.u32 $0x2, v6;
	v22 =	vmul.f32 v18, v0;
	v21 =	vand.u32 $0x7FFFFFFF, v10  }
0x63: {  	v8 =	vor.u32 $0x1, v4;
	v4 =	vor.u32 $0x2, v4;
	v23 =	vld [tilespmem:s2+$0x10];
	v24 =	vmul.f32 v21, v0  }
0x64: {  	v13 =	vand.u32 $0x80000000, v13;
	vm15 =	veq.f32 v16, $1.000000000e+00;
	v22 =	vfloor.f32 v22  }
0x65: {  	v16 =	vsel vm15, $0x0, v16;
	v18 =	vsub.f32 v18, v22;
	v19 =	vfloor.f32 v24  }
0x66: {  	v16 =	vand.u32 $0x7FFFFFFF, v16;
	v17 =	vmul.f32 v17, v2;
	v19 =	vsub.f32 v21, v19  }
0x67: {  	v10 =	vand.u32 $0x80000000, v10;
	v16 =	vor.u32 v12, v16;
	vm1 =	veq.f32 v18, $1.000000000e+00  }
0x68: {  	v20 =	vld.idx.msk [tilespmem:v20+s23+$0x0], $0xffff;
	v18 =	vsel vm1, $0x0, v18;
	v17 =	vadd.f32 v17, v23;
	vm4 =	veq.f32 v19, $1.000000000e+00  }
0x69: {  	v11 =	vld.idx.msk [tilespmem:v11+s23+$0x0], $0xffff;
	vm5 =	vlt.f32 v16, $0.0e+00;
	v12 =	vand.u32 $0x7FFFFFFF, v18;
	v19 =	vsel vm4, $0x0, v19  }
0x6a: {  	v15 =	vld.idx.msk [tilespmem:v15+s23+$0x0], $0xffff;
	v18 =	vor.u32 v13, v12;
	v13 =	vadd.f32 $1.000000000e+00, v16;
	v14 =	vsub.f32 v17, v14  }
0x6b: {  	v8 =	vld.idx.msk [tilespmem:v8+s23+$0x0], $0xffff;
	v17 =	vand.u32 $0x7FFFFFFF, v19;
	v21 =	vadd.f32 $1.000000000e+00, v18;
	vm6 =	vlt.f32 v18, $0.0e+00  }
0x6c: {  	v12 =	vld.idx.msk [tilespmem:v6+s23+$0x0], $0xffff;
	v6 =	vor.u32 v10, v17;
	v10 =	vsel vm5, v13, v16;
	v19 =	vand.u32 $0x7FFFFFFF, v14  }
0x6d: {  	v13 =	vld.idx.msk [tilespmem:v4+s23+$0x0], $0xffff;
	v4 =	vadd.f32 $1.000000000e+00, v6;
	v16 =	vsel vm6, v21, v18;
	[tilespmem:s17+$0xFFFFFFE0] =	vst v10;
	v22 =	vmul.f32 v19, v0  }
0x6e: {  	vm7 =	vlt.f32 v6, $0.0e+00;
	v17 =	vld [tilespmem:s18+$0xFFFFFFE0];
	[tilespmem:s17+$0xFFFFFFF0] =	vst v16  }
0x6f: {  	v4 =	vsel vm7, v4, v6;
	v6 =	vld [tilespmem:s18+$0xFFFFFFF0];
	v10 =	vfloor.f32 v22  }
0x70: {  	[tilespmem:s17+$0x0] =	vst v4;
	v4 =	vld [tilespmem:s2+$0xFFFFFFE0];
	v10 =	vsub.f32 v19, v10  }
0x71: {  	v18 =	vld [tilespmem:s2+$0xFFFFFFF0]  }
0x72: {  	vm8 =	veq.f32 v10, $1.000000000e+00  }
0x73: {  	v16 =	vld [tilespmem:s18+$0x0];
	v17 =	vmul.f32 v17, v5;
	v10 =	vsel vm8, $0x0, v10  }
0x74: {  	v14 =	vand.u32 $0x80000000, v14;
	v6 =	vmul.f32 v6, v7;
	v10 =	vand.u32 $0x7FFFFFFF, v10  }
0x75: {  	s19 =	simm.s32 $0x60;
	v19 =	vld [tilespmem:s2+$0x0];
	v4 =	vadd.f32 v17, v4;
	v10 =	vor.u32 v14, v10  }
0x76: {  	v17 =	vld [tilespmem:s19+$0x10];
	v6 =	vadd.f32 v6, v18;
	v14 =	vadd.f32 $1.000000000e+00, v10  }
0x77: {  	vm9 =	vlt.f32 v10, $0.0e+00;
	v4 =	vsub.f32 v4, v15  }
0x78: {  	s17 =	simm.s32 $0x5EA0;
	v16 =	vmul.f32 v16, v9;
	v6 =	vsub.f32 v6, v8;
	v10 =	vsel vm9, v14, v10  }
0x79: {  	s20 =	simm.s32 $0x1790;
	v22 =	vld [tilespmem:s19+$0x0];
	v8 =	vand.u32 $0x7FFFFFFF, v4;
	[tilespmem:s17+$0x10] =	vst v10  }
0x7a: {  	v10 =	vadd.f32 v16, v19;
	v16 =	vand.u32 $0x80000000, v4;
	v19 =	vand.u32 $0x7FFFFFFF, v6;
	v14 =	vld [tilespmem:s20+$0x10]  }
0x7b: {  	s21 =	simm.s32 $0x2F00;
	v15 =	vld [tilespmem:s19+$0xFFFFFFF0];
	v17 =	vsub.s32 v17, v1;
	v21 =	vand.u32 $0x80000000, v6;
	v6 =	vmul.f32 v19, v0  }
0x7c: {  	v18 =	vmul.f32 v8, v0;
	v17 =	vshll.u32 v17, $0x2;
	v4 =	vsub.f32 v10, v20;
	v10 =	vld [tilespmem:s21+$0x10]  }
0x7d: {  	v20 =	vld [tilespmem:s19+$0xFFFFFFE0];
	v23 =	vor.u32 $0x3, v17;
	v6 =	vfloor.f32 v6  }
0x7e: {  	v24 =	vand.u32 $0x7FFFFFFF, v4;
	v25 =	vand.u32 $0x80000000, v4;
	v4 =	vfloor.f32 v18  }
0x7f: {  	v18 =	vmul.f32 v24, v0;
	v4 =	vsub.f32 v8, v4;
	v2 =	vmul.f32 v14, v2  }
0x80: {  	s0 =	simm.s32 $0x830;
	v14 =	vsub.s32 v15, v1;
	v15 =	vsub.f32 v19, v6;
	v19 =	vsub.s32 v22, v1  }
0x81: {  	v22 =	vld [tilespmem:s0+$0x10];
	v8 =	vshll.u32 v14, $0x2;
	v19 =	vshll.u32 v19, $0x2;
	vm10 =	veq.f32 v4, $1.000000000e+00  }
0x82: {  	v6 =	vld.idx.msk [tilespmem:v23+s23+$0x0], $0xffff;
	v2 =	vadd.f32 v2, v10;
	v10 =	vsub.s32 v20, v1;
	v14 =	vor.u32 $0x3, v8  }
0x83: {  	vm11 =	veq.f32 v15, $1.000000000e+00;
	v4 =	vsel vm10, $0x0, v4;
	v10 =	vshll.u32 v10, $0x2  }
0x84: {  	s8 =	simm.s32 $0x1FA0;
	v32 =	vor.u32 $0x1, v8;
	v20 =	vsub.f32 v2, v3;
	v3 =	vor.u32 $0x3, v10  }
0x85: {  	v26 =	vld [tilespmem:s8+$0x10];
	v15 =	vsel vm11, $0x0, v15;
	v2 =	vfloor.f32 v18;
	v18 =	vor.u32 $0x3, v19  }
0x86: {  	v29 =	vld [tilespmem:s8+$0xFFFFFFE0];
	v59 =	vor.u32 $0x2, v19;
	v15 =	vand.u32 $0x7FFFFFFF, v15;
	v23 =	vsub.f32 v24, v2  }
0x87: {  	v28 =	vld.idx.msk [tilespmem:v17+s23+$0x0], $0xffff;
	v15 =	vor.u32 v21, v15;
	v24 =	vand.u32 $0x7FFFFFFF, v20;
	v22 =	vmul.f32 v22, v6  }
0x88: {  	v20 =	vand.u32 $0x80000000, v20;
	v27 =	vmul.f32 v24, v0;
	v2 =	vld.idx.msk [tilespmem:v14+s23+$0x0], $0xffff;
	vm12 =	veq.f32 v23, $1.000000000e+00  }
0x89: {  	vm15 =	vlt.f32 v15, $0.0e+00;
	v14 =	vand.u32 $0x7FFFFFFF, v4;
	v23 =	vsel vm12, $0x0, v23;
	v4 =	vld.idx.msk [tilespmem:v3+s23+$0x0], $0xffff  }
0x8a: {  	v14 =	vor.u32 v16, v14;
	v22 =	vadd.f32 v22, v26;
	v27 =	vfloor.f32 v27;
	v3 =	vld.idx.msk [tilespmem:v18+s23+$0x0], $0xffff  }
0x8b: {  	v23 =	vand.u32 $0x7FFFFFFF, v23;
	v18 =	vor.u32 $0x1, v10;
	v16 =	vsub.f32 v24, v27;
	v27 =	vld [tilespmem:s0+$0xFFFFFFE0]  }
0x8c: {  	v21 =	vadd.f32 $1.000000000e+00, v14;
	v23 =	vor.u32 v25, v23;
	v25 =	vld [tilespmem:s0+$0x0];
	v22 =	vsub.f32 v22, v28  }
0x8d: {  	v26 =	vld [tilespmem:s0+$0xFFFFFFF0];
	vm14 =	vlt.f32 v14, $0.0e+00;
	v28 =	vadd.f32 $1.000000000e+00, v15;
	vm13 =	veq.f32 v16, $1.000000000e+00  }
0x8e: {  	v14 =	vsel vm14, v21, v14;
	v21 =	vld [tilespmem:s8+$0x0];
	v30 =	vand.u32 $0x7FFFFFFF, v22;
	v16 =	vsel vm13, $0x0, v16  }
0x8f: {  	v24 =	vor.u32 $0x2, v10;
	v10 =	vld.idx.msk [tilespmem:v10+s23+$0x0], $0xffff;
	v31 =	vmul.f32 v30, v0;
	v16 =	vand.u32 $0x7FFFFFFF, v16  }
0x90: {  	v15 =	vsel vm15, v28, v15;
	v16 =	vor.u32 v20, v16;
	v20 =	vld [tilespmem:s8+$0xFFFFFFF0];
	v27 =	vmul.f32 v27, v4  }
0x91: {  	v28 =	vor.u32 $0x1, v19;
	v19 =	vld.idx.msk [tilespmem:v19+s23+$0x0], $0xffff;
	v31 =	vfloor.f32 v31;
	v25 =	vmul.f32 v25, v3  }
0x92: {  	vm5 =	vlt.f32 v23, $0.0e+00;
	v30 =	vsub.f32 v30, v31;
	v27 =	vadd.f32 v27, v29;
	v29 =	vld.idx.msk [tilespmem:v8+s23+$0x0], $0xffff  }
0x93: {  	v22 =	vand.u32 $0x80000000, v22;
	v26 =	vmul.f32 v26, v2;
	v21 =	vadd.f32 v25, v21  }
0x94: {  	v25 =	vor.u32 $0x1, v17;
	v17 =	vor.u32 $0x2, v17;
	vm4 =	veq.f32 v30, $1.000000000e+00  }
0x95: {  	[tilespmem:s17+$0xFFFFFFE0] =	vst v14;
	v30 =	vsel vm4, $0x0, v30;
	v14 =	vsub.f32 v27, v10;
	v20 =	vadd.f32 v26, v20  }
0x96: {  	v19 =	vsub.f32 v21, v19;
	v26 =	vadd.f32 $1.000000000e+00, v23;
	v10 =	vand.u32 $0x7FFFFFFF, v30  }
0x97: {  	[tilespmem:s17+$0xFFFFFFF0] =	vst v15;
	v61 =	vld [tilespmem:s21+$0xFFFFFFE0];
	v10 =	vor.u32 v22, v10;
	v21 =	vand.u32 $0x7FFFFFFF, v14;
	v15 =	vsub.f32 v20, v29  }
0x98: {  	v60 =	vand.u32 $0x7FFFFFFF, v19;
	v23 =	vsel vm5, v26, v23;
	v20 =	vld [tilespmem:s20+$0xFFFFFFE0];
	v22 =	vadd.f32 $1.000000000e+00, v10  }
0x99: {  	v26 =	vld [tilespmem:s20+$0xFFFFFFF0];
	vm6 =	vlt.f32 v10, $0.0e+00;
	v29 =	vmul.f32 v21, v0;
	v27 =	vand.u32 $0x7FFFFFFF, v15  }
0x9a: {  	s15 =	simm.s32 $0x5710;
	v22 =	vsel vm6, v22, v10;
	v10 =	vld.idx.msk [tilespmem:v17+s23+$0x0], $0xffff;
	v17 =	vor.u32 $0x2, v8;
	v8 =	vmul.f32 v60, v0  }
0x9b: {  	s29 =	simm.s32 $0x1000;
	v14 =	vand.u32 $0x80000000, v14;
	v25 =	vld.idx.msk [tilespmem:v25+s23+$0x0], $0xffff;
	v33 =	vmul.f32 v27, v0;
	[tilespmem:s15+$0x10] =	vst v22;
	v22 =	vfloor.f32 v29  }
0x9c: {  	v19 =	vand.u32 $0x80000000, v19;
	v21 =	vsub.f32 v21, v22;
	v22 =	vld [tilespmem:s29+$0x10];
	v8 =	vfloor.f32 v8  }
0x9d: {  	s16 =	simm.s32 $0x2770;
	v15 =	vand.u32 $0x80000000, v15;
	v29 =	vfloor.f32 v33;
	v8 =	vsub.f32 v60, v8  }
0x9e: {  	v20 =	vmul.f32 v20, v5;
	v27 =	vsub.f32 v27, v29;
	v29 =	vld [tilespmem:s16+$0x10];
	vm7 =	veq.f32 v21, $1.000000000e+00  }
0x9f: {  	v62 =	vld.idx.msk [tilespmem:v18+s23+$0x0], $0xffff;
	v26 =	vmul.f32 v26, v7;
	v7 =	vsel vm7, $0x0, v21;
	vm9 =	veq.f32 v8, $1.000000000e+00  }
0xa0: {  	v28 =	vld.idx.msk [tilespmem:v28+s23+$0x0], $0xffff;
	v20 =	vadd.f32 v20, v61;
	vm8 =	veq.f32 v27, $1.000000000e+00;
	v7 =	vand.u32 $0x7FFFFFFF, v7  }
0xa1: {  	[tilespmem:s17+$0x0] =	vst v23;
	v23 =	vld.idx.msk [tilespmem:v32+s23+$0x0], $0xffff;
	v8 =	vsel vm9, $0x0, v8;
	v21 =	vsel vm8, $0x0, v27;
	v22 =	vmul.f32 v22, v6  }
0xa2: {  	v5 =	vld.idx.msk [tilespmem:v59+s23+$0x0], $0xffff;
	v7 =	vor.u32 v14, v7;
	v8 =	vand.u32 $0x7FFFFFFF, v8;
	v14 =	vand.u32 $0x7FFFFFFF, v21  }
0xa3: {  	v27 =	vld [tilespmem:s20+$0x0];
	v14 =	vor.u32 v15, v14;
	v15 =	vor.u32 v19, v8;
	v8 =	vadd.f32 v22, v29  }
0xa4: {  	v20 =	vsub.f32 v20, v12;
	v21 =	vld [tilespmem:s21+$0xFFFFFFF0];
	v22 =	vadd.f32 $1.000000000e+00, v7  }
0xa5: {  	vm10 =	vlt.f32 v7, $0.0e+00;
	v19 =	vld [tilespmem:s21+$0x0];
	v18 =	vadd.f32 $1.000000000e+00, v15;
	v25 =	vsub.f32 v8, v25  }
0xa6: {  	v29 =	vadd.f32 $1.000000000e+00, v14;
	vm12 =	vlt.f32 v15, $0.0e+00;
	v8 =	vld.idx.msk [tilespmem:v24+s23+$0x0], $0xffff;
	v22 =	vsel vm10, v22, v7  }
0xa7: {  	vm11 =	vlt.f32 v14, $0.0e+00;
	v7 =	vld.idx.msk [tilespmem:v17+s23+$0x0], $0xffff;
	[tilespmem:s15+$0xFFFFFFE0] =	vst v22;
	v15 =	vsel vm12, v18, v15;
	v17 =	vand.u32 $0x7FFFFFFF, v25  }
0xa8: {  	v14 =	vsel vm11, v29, v14;
	v9 =	vmul.f32 v27, v9;
	v18 =	vld [tilespmem:s29+$0xFFFFFFE0];
	[tilespmem:s15+$0x0] =	vst v15;
	v15 =	vmul.f32 v17, v0  }
0xa9: {  	vm13 =	vlt.f32 v16, $0.0e+00;
	v22 =	vadd.f32 $1.000000000e+00, v16;
	v21 =	vadd.f32 v26, v21;
	[tilespmem:s15+$0xFFFFFFF0] =	vst v14;
	v14 =	vld [tilespmem:s29+$0x0]  }
0xaa: {  	v27 =	vand.u32 $0x7FFFFFFF, v20;
	v9 =	vadd.f32 v9, v19;
	v19 =	vld [tilespmem:s29+$0xFFFFFFF0];
	v15 =	vfloor.f32 v15  }
0xab: {  	v24 =	vsel vm13, v22, v16;
	v16 =	vld [tilespmem:s16+$0xFFFFFFE0];
	v12 =	vsub.f32 v21, v13;
	v17 =	vsub.f32 v17, v15  }
0xac: {  	v25 =	vand.u32 $0x80000000, v25;
	v22 =	vmul.f32 v27, v0;
	v21 =	vld [tilespmem:s16+$0xFFFFFFF0];
	v9 =	vsub.f32 v9, v11  }
0xad: {  	v11 =	vand.u32 $0x80000000, v20;
	v20 =	vld [tilespmem:s16+$0x0];
	v15 =	vand.u32 $0x7FFFFFFF, v12;
	vm14 =	veq.f32 v17, $1.000000000e+00  }
0xae: {  	v18 =	vmul.f32 v18, v4;
	v13 =	vand.u32 $0x7FFFFFFF, v9;
	v17 =	vsel vm14, $0x0, v17  }
0xaf: {  	v29 =	vmul.f32 v15, v0;
	v19 =	vmul.f32 v19, v2;
	v17 =	vand.u32 $0x7FFFFFFF, v17  }
0xb0: {  	v14 =	vmul.f32 v14, v3;
	v16 =	vadd.f32 v18, v16;
	v17 =	vor.u32 v25, v17  }
0xb1: {  	v18 =	vmul.f32 v13, v0;
	v19 =	vadd.f32 v19, v21;
	v21 =	vadd.f32 $1.000000000e+00, v17  }
0xb2: {  	v14 =	vadd.f32 v14, v20;
	v16 =	vsub.f32 v16, v62;
	vm15 =	vlt.f32 v17, $0.0e+00  }
0xb3: {  	s18 =	simm.s32 $0x5EE0;
	v25 =	vfloor.f32 v22;
	v20 =	vsub.f32 v19, v23;
	v17 =	vsel vm15, v21, v17  }
0xb4: {  	s19 =	simm.s32 $0x17D0;
	v14 =	vsub.f32 v14, v28;
	v63 =	vand.u32 $0x7FFFFFFF, v16;
	v19 =	vand.u32 $0x80000000, v16;
	[tilespmem:s18+$0x10] =	vst v17  }
0xb5: {  	v26 =	vmul.f32 v63, v0;
	v22 =	vand.u32 $0x7FFFFFFF, v20;
	v16 =	vand.u32 $0x80000000, v20;
	v23 =	vld [tilespmem:s19+$0x10]  }
0xb6: {  	s2 =	simm.s32 $0x6670;
	s17 =	simm.s32 $0x2F40;
	v21 =	vand.u32 $0x7FFFFFFF, v14;
	v20 =	vmul.f32 v22, v0;
	v17 =	vand.u32 $0x80000000, v14  }
0xb7: {  	[tilespmem:s2+$0x10] =	vst v24;
	v14 =	vsub.f32 v27, v25;
	v28 =	vfloor.f32 v26;
	v26 =	vmul.f32 v21, v0;
	v24 =	vld [tilespmem:s17+$0x10]  }
0xb8: {  	s1 =	simm.s32 $0x6670;
	s20 =	simm.s32 $0x4;
	s21 =	simm.s32 $0xA0;
	v25 =	vsub.f32 v63, v28;
	v27 =	vfloor.f32 v20;
	v20 =	vfloor.f32 v29  }
.LBB2_3:
0xb9: {  	v28 =	vld [tilespmem:s21+$0x10];
	s20 =	sadd.s32 $0x4, s20;
	v22 =	vsub.f32 v22, v27;
	v26 =	vfloor.f32 v26;
	v27 =	vfloor.f32 v18  }
0xba: {  	v18 =	vld [tilespmem:s21+$0xFFFFFFF0];
	p0 =	slt.u32 s20, $0x78;
	vm0 =	veq.f32 v25, $1.000000000e+00;
	v21 =	vsub.f32 v21, v26;
	v6 =	vmul.f32 v23, v6  }
0xbb: {  	v20 =	vsub.f32 v15, v20;
	v23 =	vld [tilespmem:s21+$0x0];
	v25 =	vsel vm0, $0x0, v25;
	vm0 =	veq.f32 v22, $1.000000000e+00  }
0xbc: {  	v15 =	vld [tilespmem:s21+$0xFFFFFFE0];
	v22 =	vsel vm0, $0x0, v22;
	vm0 =	veq.f32 v21, $1.000000000e+00;
	v6 =	vadd.f32 v6, v24  }
0xbd: {  	v24 =	vand.u32 $0x7FFFFFFF, v25;
	v22 =	vand.u32 $0x7FFFFFFF, v22;
	v21 =	vsel vm0, $0x0, v21  }
0xbe: {  	v25 =	vsub.s32 v28, v1;
	v21 =	vand.u32 $0x7FFFFFFF, v21;
	v26 =	vsub.f32 v6, v10  }
0xbf: {  	v24 =	vor.u32 v19, v24;
	v6 =	vsub.s32 v18, v1;
	v10 =	vshll.u32 v25, $0x2  }
0xc0: {  	v18 =	vsub.s32 v23, v1;
	v19 =	vor.u32 $0x3, v10;
	v23 =	vand.u32 $0x7FFFFFFF, v26  }
0xc1: {  	v25 =	vshll.u32 v6, $0x2;
	v15 =	vsub.s32 v15, v1;
	v6 =	vmul.f32 v23, v0  }
0xc2: {  	v29 =	vshll.u32 v18, $0x2;
	v28 =	vshll.u32 v15, $0x2;
	v15 =	vor.u32 $0x3, v25  }
0xc3: {  	v31 =	vor.u32 $0x3, v29;
	v30 =	vor.u32 $0x3, v28;
	v6 =	vfloor.f32 v6  }
0xc4: {  	v32 =	vor.u32 $0x1, v28;
	v33 =	vor.u32 $0x2, v28;
	v23 =	vsub.f32 v23, v6  }
0xc5: {  	s0 =	sadd.s32 $0x40, s0;
	v34 =	vor.u32 $0x1, v25;
	v35 =	vor.u32 $0x2, v25;
	v36 =	vor.u32 $0x1, v29;
	v6 =	vld.idx.msk [tilespmem:v19+s23+$0x0], $0xffff  }
0xc6: {  	v16 =	vor.u32 v16, v22;
	v37 =	vor.u32 $0x2, v29;
	v38 =	vld [tilespmem:s0+$0x10];
	vm0 =	veq.f32 v23, $1.000000000e+00  }
0xc7: {  	s8 =	sadd.s32 $0x40, s8;
	v22 =	vadd.f32 $1.000000000e+00, v24;
	v17 =	vor.u32 v17, v21;
	v18 =	vld.idx.msk [tilespmem:v15+s23+$0x0], $0xffff;
	v15 =	vsel vm0, $0x0, v23  }
0xc8: {  	v19 =	vand.u32 $0x80000000, v26;
	v23 =	vadd.f32 $1.000000000e+00, v16;
	v21 =	vld [tilespmem:s8+$0x10];
	v15 =	vand.u32 $0x7FFFFFFF, v15  }
0xc9: {  	v39 =	vadd.f32 $1.000000000e+00, v17;
	vm0 =	vlt.f32 v24, $0.0e+00;
	v26 =	vld.idx.msk [tilespmem:v10+s23+$0x0], $0xffff;
	v40 =	vor.u32 v19, v15  }
0xca: {  	vm1 =	vlt.f32 v16, $0.0e+00;
	vm2 =	vlt.f32 v17, $0.0e+00;
	v19 =	vld.idx.msk [tilespmem:v30+s23+$0x0], $0xffff;
	v30 =	vadd.f32 $1.000000000e+00, v40  }
0xcb: {  	v22 =	vsel vm0, v22, v24;
	vm0 =	vlt.f32 v40, $0.0e+00;
	v15 =	vld.idx.msk [tilespmem:v31+s23+$0x0], $0xffff;
	v31 =	vmul.f32 v38, v6  }
0xcc: {  	s2 =	sadd.s32 $0x40, s2;
	v17 =	vsel vm2, v39, v17;
	v16 =	vsel vm1, v23, v16;
	v24 =	vld [tilespmem:s0+$0xFFFFFFE0];
	[tilespmem:s18+$0xFFFFFFE0] =	vst v22;
	v22 =	vsel vm0, v30, v40  }
0xcd: {  	v13 =	vsub.f32 v13, v27;
	vm0 =	veq.f32 v14, $1.000000000e+00;
	v23 =	vld [tilespmem:s0+$0xFFFFFFF0];
	v21 =	vadd.f32 v31, v21;
	[tilespmem:s2+$0x10] =	vst v22  }
0xce: {  	v12 =	vand.u32 $0x80000000, v12;
	v14 =	vsel vm0, $0x0, v14;
	vm0 =	veq.f32 v20, $1.000000000e+00;
	v22 =	vld [tilespmem:s0+$0x0];
	[tilespmem:s18+$0xFFFFFFF0] =	vst v16  }
0xcf: {  	v16 =	vld [tilespmem:s8+$0xFFFFFFE0];
	v21 =	vsub.f32 v21, v26;
	[tilespmem:s18+$0x0] =	vst v17;
	v17 =	vsel vm0, $0x0, v20;
	vm0 =	veq.f32 v13, $1.000000000e+00  }
0xd0: {  	v14 =	vand.u32 $0x7FFFFFFF, v14;
	v20 =	vld [tilespmem:s8+$0xFFFFFFF0];
	v17 =	vand.u32 $0x7FFFFFFF, v17;
	v13 =	vsel vm0, $0x0, v13  }
0xd1: {  	v24 =	vmul.f32 v24, v19;
	v26 =	vld [tilespmem:s8+$0x0];
	v27 =	vand.u32 $0x7FFFFFFF, v21;
	v13 =	vand.u32 $0x7FFFFFFF, v13  }
0xd2: {  	v31 =	vand.u32 $0x80000000, v9;
	v28 =	vld.idx.msk [tilespmem:v28+s23+$0x0], $0xffff;
	v23 =	vmul.f32 v23, v18;
	v30 =	vmul.f32 v27, v0  }
0xd3: {  	v38 =	vor.u32 v11, v14;
	v9 =	vor.u32 v12, v17;
	v25 =	vld.idx.msk [tilespmem:v25+s23+$0x0], $0xffff;
	v22 =	vmul.f32 v22, v15  }
0xd4: {  	v13 =	vor.u32 v31, v13;
	v12 =	vadd.f32 v24, v16;
	v24 =	vld.idx.msk [tilespmem:v29+s23+$0x0], $0xffff;
	v11 =	vfloor.f32 v30  }
0xd5: {  	vm1 =	vlt.f32 v38, $0.0e+00;
	v20 =	vadd.f32 v23, v20;
	v14 =	vld.idx.msk [tilespmem:v36+s23+$0x0], $0xffff;
	v17 =	vsub.f32 v27, v11  }
0xd6: {  	vm0 =	vlt.f32 v9, $0.0e+00;
	v23 =	vadd.f32 $1.000000000e+00, v38;
	v11 =	vld.idx.msk [tilespmem:v37+s23+$0x0], $0xffff;
	v22 =	vadd.f32 v22, v26  }
0xd7: {  	v27 =	vadd.f32 $1.000000000e+00, v13;
	v26 =	vadd.f32 $1.000000000e+00, v9;
	v16 =	vld.idx.msk [tilespmem:v34+s23+$0x0], $0xffff;
	vm2 =	veq.f32 v17, $1.000000000e+00  }
0xd8: {  	v29 =	vor.u32 $0x1, v10;
	v12 =	vsub.f32 v12, v28;
	v28 =	vld.idx.msk [tilespmem:v35+s23+$0x0], $0xffff;
	v30 =	vsel vm2, $0x0, v17  }
0xd9: {  	v21 =	vand.u32 $0x80000000, v21;
	v10 =	vor.u32 $0x2, v10;
	v17 =	vld.idx.msk [tilespmem:v32+s23+$0x0], $0xffff;
	v30 =	vand.u32 $0x7FFFFFFF, v30  }
0xda: {  	v20 =	vsub.f32 v20, v25;
	v22 =	vsub.f32 v22, v24;
	v31 =	vld.idx.msk [tilespmem:v33+s23+$0x0], $0xffff;
	v21 =	vor.u32 v21, v30  }
0xdb: {  	v24 =	vand.u32 $0x7FFFFFFF, v12;
	v12 =	vand.u32 $0x80000000, v12;
	v25 =	vadd.f32 $1.000000000e+00, v21;
	v30 =	vld [tilespmem:s19+$0xFFFFFFE0]  }
0xdc: {  	v32 =	vand.u32 $0x7FFFFFFF, v20;
	v33 =	vand.u32 $0x7FFFFFFF, v22;
	vm2 =	vlt.f32 v21, $0.0e+00;
	v34 =	vld [tilespmem:s19+$0xFFFFFFF0]  }
0xdd: {  	s15 =	sadd.s32 $0x40, s15;
	v35 =	vmul.f32 v24, v0;
	v36 =	vmul.f32 v32, v0;
	v29 =	vld.idx.msk [tilespmem:v29+s23+$0x0], $0xffff;
	v21 =	vsel vm2, v25, v21  }
0xde: {  	s29 =	sadd.s32 $0x40, s29;
	v20 =	vand.u32 $0x80000000, v20;
	v22 =	vand.u32 $0x80000000, v22;
	v25 =	vmul.f32 v33, v0;
	v10 =	vld.idx.msk [tilespmem:v10+s23+$0x0], $0xffff;
	[tilespmem:s15+$0x10] =	vst v21  }
0xdf: {  	vm2 =	vlt.f32 v13, $0.0e+00;
	v21 =	vfloor.f32 v35;
	v35 =	vfloor.f32 v36;
	v36 =	vld [tilespmem:s29+$0x10]  }
0xe0: {  	s16 =	sadd.s32 $0x40, s16;
	v21 =	vsub.f32 v24, v21;
	v24 =	vsub.f32 v32, v35;
	v25 =	vfloor.f32 v25;
	v32 =	vld [tilespmem:s19+$0x0]  }
0xe1: {  	v25 =	vsub.f32 v33, v25;
	v30 =	vmul.f32 v30, v4;
	v33 =	vld [tilespmem:s16+$0x10];
	v34 =	vmul.f32 v34, v2;
	v2 =	vmovc v18  }
0xe2: {  	v23 =	vsel vm1, v23, v38;
	v4 =	vmovc v19;
	vm3 =	veq.f32 v21, $1.000000000e+00;
	vm4 =	veq.f32 v24, $1.000000000e+00;
	v18 =	vld [tilespmem:s17+$0xFFFFFFE0]  }
0xe3: {  	v19 =	vsel vm3, $0x0, v21;
	v21 =	vsel vm4, $0x0, v24;
	vm1 =	veq.f32 v25, $1.000000000e+00;
	v24 =	vld [tilespmem:s17+$0xFFFFFFF0];
	[tilespmem:s1+$0xFFFFFFE0] =	vst v23  }
0xe4: {  	v19 =	vand.u32 $0x7FFFFFFF, v19;
	v23 =	vsel vm1, $0x0, v25;
	v25 =	vmul.f32 v36, v6;
	v35 =	vld [tilespmem:s17+$0x0]  }
0xe5: {  	v12 =	vor.u32 v12, v19;
	v19 =	vand.u32 $0x7FFFFFFF, v21;
	v21 =	vand.u32 $0x7FFFFFFF, v23  }
0xe6: {  	v19 =	vor.u32 v20, v19;
	v20 =	vor.u32 v22, v21;
	v21 =	vadd.f32 v25, v33  }
0xe7: {  	vm1 =	vlt.f32 v12, $0.0e+00;
	v22 =	vadd.f32 $1.000000000e+00, v12;
	v23 =	vadd.f32 $1.000000000e+00, v19  }
0xe8: {  	vm3 =	vlt.f32 v19, $0.0e+00;
	v25 =	vadd.f32 $1.000000000e+00, v20;
	v21 =	vsub.f32 v21, v29  }
0xe9: {  	v12 =	vsel vm1, v22, v12;
	vm1 =	vlt.f32 v20, $0.0e+00;
	v19 =	vsel vm3, v23, v19  }
0xea: {  	v22 =	vmul.f32 v32, v3;
	v3 =	vmovc v15;
	[tilespmem:s15+$0xFFFFFFE0] =	vst v12;
	v12 =	vsel vm1, v25, v20;
	v20 =	vand.u32 $0x7FFFFFFF, v21  }
0xeb: {  	v15 =	vadd.f32 v30, v18;
	v18 =	vadd.f32 v34, v24;
	v23 =	vld [tilespmem:s29+$0xFFFFFFE0];
	[tilespmem:s15+$0x0] =	vst v12;
	v12 =	vmul.f32 v20, v0  }
0xec: {  	v9 =	vsel vm0, v26, v9;
	v13 =	vsel vm2, v27, v13;
	v22 =	vadd.f32 v22, v35;
	[tilespmem:s15+$0xFFFFFFF0] =	vst v19;
	v19 =	vld [tilespmem:s29+$0x0]  }
0xed: {  	v15 =	vsub.f32 v15, v8;
	v24 =	vld [tilespmem:s29+$0xFFFFFFF0];
	v25 =	vfloor.f32 v12;
	v12 =	vsub.f32 v18, v7;
	[tilespmem:s1+$0xFFFFFFF0] =	vst v9;
	v7 =	vmovc v28  }
0xee: {  	v8 =	vmovc v31;
	v9 =	vsub.f32 v22, v5;
	v5 =	vmov v11;
	v18 =	vld [tilespmem:s16+$0xFFFFFFE0];
	v20 =	vsub.f32 v20, v25;
	[tilespmem:s1+$0x0] =	vst v13;
	s1 =	smov.u32 s2  }
0xef: {  	v11 =	vand.u32 $0x80000000, v15;
	v25 =	vand.u32 $0x7FFFFFFF, v15;
	v22 =	vld [tilespmem:s16+$0xFFFFFFF0];
	v15 =	vand.u32 $0x7FFFFFFF, v12  }
0xf0: {  	v13 =	vand.u32 $0x7FFFFFFF, v9;
	v23 =	vmul.f32 v23, v4;
	v26 =	vld [tilespmem:s16+$0x0];
	vm0 =	veq.f32 v20, $1.000000000e+00  }
0xf1: {  	v27 =	vmul.f32 v25, v0;
	v19 =	vmul.f32 v19, v3;
	v20 =	vsel vm0, $0x0, v20  }
0xf2: {  	v21 =	vand.u32 $0x80000000, v21;
	v24 =	vmul.f32 v24, v2;
	v20 =	vand.u32 $0x7FFFFFFF, v20  }
0xf3: {  	v28 =	vmul.f32 v15, v0;
	v23 =	vadd.f32 v23, v18;
	v20 =	vor.u32 v21, v20  }
0xf4: {  	v18 =	vmul.f32 v13, v0;
	v21 =	vadd.f32 v24, v22;
	v22 =	vadd.f32 $1.000000000e+00, v20  }
0xf5: {  	vm0 =	vlt.f32 v20, $0.0e+00;
	v17 =	vsub.f32 v23, v17;
	v23 =	vadd.f32 v19, v26  }
0xf6: {  	s18 =	sadd.s32 $0x40, s18;
	v27 =	vfloor.f32 v27;
	v16 =	vsub.f32 v21, v16;
	v20 =	vsel vm0, v22, v20  }
.Ltmp0:
0xf7: {  	s19 =	sadd.s32 $0x40, s19;
	v29 =	vand.u32 $0x7FFFFFFF, v17;
	v19 =	vand.u32 $0x80000000, v17;
	v14 =	vsub.f32 v23, v14;
	[tilespmem:s18+$0x10] =	vst v20;
	(pc) =	sbr.rel @p0 .LBB2_3-.Ltmp0, $4  }
0xf8: {  	v20 =	vmul.f32 v29, v0;
	v22 =	vand.u32 $0x7FFFFFFF, v16;
	v16 =	vand.u32 $0x80000000, v16;
	v23 =	vld [tilespmem:s19+$0x10]  }
0xf9: {  	s17 =	sadd.s32 $0x40, s17;
	v30 =	vmul.f32 v22, v0;
	v21 =	vand.u32 $0x7FFFFFFF, v14;
	v17 =	vand.u32 $0x80000000, v14  }
0xfa: {  	v14 =	vsub.f32 v25, v27;
	v20 =	vfloor.f32 v20;
	v26 =	vmul.f32 v21, v0;
	v24 =	vld [tilespmem:s17+$0x10]  }
0xfb: {  	s21 =	sadd.s32 $0x40, s21;
	v25 =	vsub.f32 v29, v20;
	v27 =	vfloor.f32 v30;
	v20 =	vfloor.f32 v28  }
0xfc: {  	v55 =	vsub.f32 v22, v27;
	v56 =	vfloor.f32 v26  }
0xfd: {  	v15 =	vsub.f32 v15, v20;
	v18 =	vfloor.f32 v18;
	vm11 =	veq.f32 v14, $1.000000000e+00  }
0xfe: {  	v12 =	vand.u32 $0x80000000, v12;
	v9 =	vand.u32 $0x80000000, v9;
	v6 =	vmul.f32 v23, v6  }
0xff: {  	vm0 =	veq.f32 v25, $1.000000000e+00;
	v21 =	vsub.f32 v21, v56;
	v13 =	vsub.f32 v13, v18  }
0x100: {  	v14 =	vsel vm11, $0x0, v14;
	v59 =	vsel vm0, $0x0, v25;
	v6 =	vadd.f32 v6, v24  }
0x101: {  	vm5 =	veq.f32 v55, $1.000000000e+00;
	vm1 =	veq.f32 v21, $1.000000000e+00;
	v60 =	vand.u32 $0x7FFFFFFF, v59  }
0x102: {  	v21 =	vsel vm1, $0x0, v21;
	v19 =	vor.u32 v19, v60;
	v6 =	vsub.f32 v6, v10  }
0x103: {  	v10 =	vsel vm5, $0x0, v55;
	v21 =	vand.u32 $0x7FFFFFFF, v21;
	v61 =	vadd.f32 $1.000000000e+00, v19  }
0x104: {  	vm7 =	vlt.f32 v19, $0.0e+00;
	v10 =	vand.u32 $0x7FFFFFFF, v10;
	v17 =	vor.u32 v17, v21  }
0x105: {  	v10 =	vor.u32 v16, v10;
	v24 =	vadd.f32 $1.000000000e+00, v17;
	v16 =	vsel vm7, v61, v19  }
0x106: {  	vm12 =	veq.f32 v15, $1.000000000e+00;
	vm9 =	vlt.f32 v17, $0.0e+00;
	v63 =	vadd.f32 $1.000000000e+00, v10;
	[tilespmem:s18+$0xFFFFFFE0] =	vst v16  }
0x107: {  	v14 =	vand.u32 $0x7FFFFFFF, v14;
	vm8 =	vlt.f32 v10, $0.0e+00;
	v25 =	vsel vm9, v24, v17;
	v26 =	vld [tilespmem:s19+$0xFFFFFFE0]  }
0x108: {  	v15 =	vsel vm12, $0x0, v15;
	vm13 =	veq.f32 v13, $1.000000000e+00;
	v30 =	vld [tilespmem:s17+$0xFFFFFFE0];
	v10 =	vsel vm8, v63, v10;
	[tilespmem:s18+$0x0] =	vst v25  }
0x109: {  	v11 =	vor.u32 v11, v14;
	v13 =	vsel vm13, $0x0, v13;
	v57 =	vand.u32 $0x7FFFFFFF, v6;
	[tilespmem:s18+$0xFFFFFFF0] =	vst v10;
	v29 =	vld [tilespmem:s19+$0x0]  }
0x10a: {  	v33 =	vand.u32 $0x7FFFFFFF, v15;
	v13 =	vand.u32 $0x7FFFFFFF, v13;
	v58 =	vmul.f32 v57, v0;
	v28 =	vld [tilespmem:s19+$0xFFFFFFF0]  }
0x10b: {  	vm14 =	vlt.f32 v11, $0.0e+00;
	v35 =	vadd.f32 $1.000000000e+00, v11;
	v34 =	vor.u32 v9, v13;
	v32 =	vld [tilespmem:s17+$0x0]  }
0x10c: {  	v6 =	vand.u32 $0x80000000, v6;
	v42 =	vadd.f32 $1.000000000e+00, v34;
	v22 =	vfloor.f32 v58;
	v31 =	vld [tilespmem:s17+$0xFFFFFFF0]  }
0x10d: {  	v22 =	vsub.f32 v57, v22;
	v10 =	vor.u32 v12, v33;
	v4 =	vmul.f32 v26, v4  }
0x10e: {  	vm2 =	vlt.f32 v34, $0.0e+00;
	vm15 =	vlt.f32 v10, $0.0e+00;
	v3 =	vmul.f32 v29, v3  }
0x10f: {  	vm6 =	veq.f32 v22, $1.000000000e+00;
	v4 =	vadd.f32 v4, v30;
	v2 =	vmul.f32 v28, v2  }
0x110: {  	v39 =	vadd.f32 $1.000000000e+00, v10;
	v62 =	vsel vm6, $0x0, v22;
	v3 =	vadd.f32 v3, v32  }
0x111: {  	v21 =	vand.u32 $0x7FFFFFFF, v62;
	v4 =	vsub.f32 v4, v8;
	v2 =	vadd.f32 v2, v31  }
0x112: {  	v10 =	vsel vm15, v39, v10;
	v6 =	vor.u32 v6, v21;
	v3 =	vsub.f32 v3, v5  }
0x113: {  	v27 =	vadd.f32 $1.000000000e+00, v6;
	v36 =	vand.u32 $0x7FFFFFFF, v4;
	v2 =	vsub.f32 v2, v7  }
0x114: {  	vm10 =	vlt.f32 v6, $0.0e+00;
	v38 =	vmul.f32 v36, v0;
	v40 =	vand.u32 $0x7FFFFFFF, v3  }
0x115: {  	v8 =	vsel vm2, v42, v34;
	v37 =	vand.u32 $0x7FFFFFFF, v2;
	v43 =	vmul.f32 v40, v0  }
0x116: {  	v6 =	vsel vm10, v27, v6;
	v12 =	vfloor.f32 v38;
	v41 =	vmul.f32 v37, v0  }
0x117: {  	v4 =	vand.u32 $0x80000000, v4;
	v5 =	vsub.f32 v36, v12;
	v45 =	vfloor.f32 v43  }
0x118: {  	v7 =	vsel vm14, v35, v11;
	v44 =	vfloor.f32 v41;
	v46 =	vsub.f32 v40, v45  }
0x119: {  	v3 =	vand.u32 $0x80000000, v3;
	vm4 =	veq.f32 v5, $1.000000000e+00;
	v9 =	vsub.f32 v37, v44  }
0x11a: {  	v2 =	vand.u32 $0x80000000, v2;
	v5 =	vsel vm4, $0x0, v5;
	vm6 =	veq.f32 v46, $1.000000000e+00  }
0x11b: {  	v5 =	vand.u32 $0x7FFFFFFF, v5;
	vm5 =	veq.f32 v9, $1.000000000e+00;
	v11 =	vsel vm6, $0x0, v46  }
0x11c: {  	[tilespmem:s1+$0xFFFFFFF0] =	vst v10;
	v4 =	vor.u32 v4, v5;
	v9 =	vsel vm5, $0x0, v9;
	v48 =	vand.u32 $0x7FFFFFFF, v11  }
0x11d: {  	s0 =	sadd.s32 $0x40, s2;
	[tilespmem:s1+$0x0] =	vst v8;
	v5 =	vadd.f32 $1.000000000e+00, v4;
	v47 =	vand.u32 $0x7FFFFFFF, v9;
	v3 =	vor.u32 v3, v48  }
0x11e: {  	[tilespmem:s0+$0x10] =	vst v6;
	vm7 =	vlt.f32 v4, $0.0e+00;
	v2 =	vor.u32 v2, v47;
	v49 =	vadd.f32 $1.000000000e+00, v3  }
0x11f: {  	[tilespmem:s1+$0xFFFFFFE0] =	vst v7;
	v4 =	vsel vm7, v5, v4;
	vm9 =	vlt.f32 v3, $0.0e+00;
	v6 =	vadd.f32 $1.000000000e+00, v2  }
0x120: {  	vm8 =	vlt.f32 v2, $0.0e+00;
	[tilespmem:s0+$0xFFFFFFE0] =	vst v4;
	v3 =	vsel vm9, v49, v3  }
0x121: {  	v2 =	vsel vm8, v6, v2;
	[tilespmem:s0+$0x0] =	vst v3  }
0x122: {  	[tilespmem:s0+$0xFFFFFFF0] =	vst v2  }
0x123: {  	v2 =	vld [tilespmem:$0x7C0];
	_ =	sdelay $0x4  }
0x124: {  	v1 =	vsub.s32 v2, v1  }
0x125: {  	v1 =	vshll.u32 v1, $0x2  }
0x126: {  	v2 =	vor.u32 $0x3, v1;
	_ =	sdelay $0x1  }
0x127: {  	v3 =	vld [tilespmem:$0xF90]  }
0x128: {  	v51 =	vld [tilespmem:$0x2700]  }
0x129: {  	v52 =	vld [tilespmem:$0x1760]  }
0x12a: {  	v50 =	vor.u32 $0x1, v1;
	v2 =	vld.idx.msk [tilespmem:v2+s23+$0x0], $0xffff  }
0x12b: {  	v4 =	vld.idx.msk [tilespmem:v1+s23+$0x0], $0xffff;
	v1 =	vor.u32 $0x2, v1  }
0x12c: {  	v8 =	vld [tilespmem:$0x1F30]  }
0x12d: {  	v53 =	vld [tilespmem:$0x2ED0]  }
0x12e: {  	v10 =	vld [tilespmem:$0x36A0]  }
0x12f: {  	v5 =	vld.idx.msk [tilespmem:v50+s23+$0x0], $0xffff;
	v3 =	vmul.f32 v3, v2  }
0x130: {  	v1 =	vld.idx.msk [tilespmem:v1+s23+$0x0], $0xffff;
	v54 =	vmul.f32 v52, v2  }
0x131: {  	v2 =	vmul.f32 v8, v2;
	v3 =	vadd.f32 v3, v51  }
0x132: {  	v55 =	vadd.f32 v54, v53  }
0x133: {  	v2 =	vadd.f32 v2, v10;
	v3 =	vsub.f32 v3, v4  }
0x134: {  	v4 =	vsub.f32 v55, v5  }
0x135: {  	v1 =	vsub.f32 v2, v1;
	v56 =	vand.u32 $0x7FFFFFFF, v3  }
0x136: {  	v5 =	vand.u32 $0x7FFFFFFF, v4;
	v57 =	vmul.f32 v56, v0  }
0x137: {  	v59 =	vand.u32 $0x7FFFFFFF, v1;
	v58 =	vmul.f32 v5, v0  }
0x138: {  	v60 =	vmul.f32 v59, v0;
	v2 =	vfloor.f32 v57  }
0x139: {  	v6 =	vfloor.f32 v58;
	v2 =	vsub.f32 v56, v2  }
0x13a: {  	v3 =	vand.u32 $0x80000000, v3;
	v61 =	vfloor.f32 v60;
	v5 =	vsub.f32 v5, v6  }
0x13b: {  	v4 =	vand.u32 $0x80000000, v4;
	v6 =	vsub.f32 v59, v61;
	vm10 =	veq.f32 v2, $1.000000000e+00  }
0x13c: {  	v1 =	vand.u32 $0x80000000, v1;
	vm11 =	veq.f32 v5, $1.000000000e+00;
	v2 =	vsel vm10, $0x0, v2  }
0x13d: {  	vm12 =	veq.f32 v6, $1.000000000e+00;
	v5 =	vsel vm11, $0x0, v5;
	v2 =	vand.u32 $0x7FFFFFFF, v2  }
0x13e: {  	v6 =	vsel vm12, $0x0, v6;
	v5 =	vand.u32 $0x7FFFFFFF, v5;
	v2 =	vor.u32 v3, v2  }
0x13f: {  	v62 =	vand.u32 $0x7FFFFFFF, v6;
	v4 =	vor.u32 v4, v5;
	v3 =	vadd.f32 $1.000000000e+00, v2  }
0x140: {  	v1 =	vor.u32 v1, v62;
	vm13 =	vlt.f32 v2, $0.0e+00;
	v63 =	vadd.f32 $1.000000000e+00, v4  }
0x141: {  	vm14 =	vlt.f32 v4, $0.0e+00;
	v2 =	vsel vm13, v3, v2;
	v3 =	vadd.f32 $1.000000000e+00, v1  }
0x142: {  	vm15 =	vlt.f32 v1, $0.0e+00;
	[tilespmem:$0x5E70] =	vst v2;
	v2 =	vsel vm14, v63, v4  }
0x143: {  	[tilespmem:$0x6640] =	vst v2;
	v1 =	vsel vm15, v3, v1  }
0x144: {  	s21 =	sadd.s32 s11, s31;
	[tilespmem:$0x6E10] =	vst v1  }
0x145: {  	[hbm4b:s21+s3] =	stream.linear.scatter [tilespmem:s25], [sflag:$0x2], $0x7D0, $0x38;
	[tilespmem:$0x6E20] =	vst v63  }
0x146: {  	_ =	swait.ge [sflag:s22], $0x7D0  }
0x147: {  	[sflag:s22] =	ssyncset.done $0x0  }
0x148: {  	s29 =	sadd.s32 s12, s31;
	[sflag:s22] =	ssyncadd.s32 $0xFFFFF830  }
0x149: {  	[hbm4b:s29+s3] =	stream.linear.scatter [tilespmem:s26], [sflag:$0x2], $0x7D0, $0x38;
	[tilespmem:$0x6E20] =	vst v63  }
0x14a: {  	s30 =	sadd.s32 $0x1, s30;
	_ =	swait.ge [sflag:s22], $0x7D0  }
0x14b: {  	p0 =	sne.s32 s30, $0x19;
	[sflag:s22] =	ssyncset.done $0x0  }
.Ltmp1:
0x14c: {  	s31 =	sadd.s32 s13, s31;
	[sflag:s22] =	ssyncadd.s32 $0xFFFFF830;
	(pc) =	sbr.rel @p0 .LBB2_2-.Ltmp1, $4  }
0x14d: {  	[hbm4b:s31+s3] =	stream.linear.scatter [tilespmem:s28], [sflag:$0x2], $0x7D0, $0x38;
	[tilespmem:$0x6E20] =	vst v63  }
0x14e: {  	_ =	swait.ge [sflag:s22], $0x7D0  }
0x14f: {  	[sflag:s22] =	ssyncset.done $0x0  }
0x150: {  	[sflag:s22] =	ssyncadd.s32 $0xFFFFF830  }
0x151: {  	s1 =	rddreg [dreg:$0x5]  }
0x152: {  	s0 =	rddreg [dreg:$0x4];
	s1 =	sadd.s32 $0x1, s1  }
0x153: {  	p0 =	sne.s32 s1, s0  }
.Ltmp2:
0x154: {  	_ = 	snop;
	(pc) =	sbr.rel @p0 .LBB2_1-.Ltmp2, $1  }
0x155: {  	_ =	sdelay $0x3  }
0x156: {  	_ =	sfence.sel $0x180000  }
0x157: {  	[bflag:$0x0] =	sbarrier.arrive $0xFFFF  }
0x158: {  	_ =	strace $0x9000004A  }
0x159: {  	s0 =	stileid.u32;
	[bflag:$0x2] =	sbarrier.arrive $0xFFFF  }
0x15a: {  	p0 =	sne.s32 s0, $0x0;
	s0 =	rddreg [dreg:$0x3]  }
0x15b: {  	s0 =	sadd.s32 @!p0 $0x100000, s0  }
0x15c: {  	[sflag:s0] =	ssyncadd.tile.s32 @!p0 $0x1;
	_ =	shalt  }
.Lfunc_end2:
_tile_overlayer_lowered:
.L_overlay_start_2:
0x15d: {  	(tag) =	ssettag $0x2  }
0x15e: {  	s0 =	rddreg [dreg:$0x0];
	s2 =	stileid.u32  }
0x15f: {  	s1 =	rddreg [dreg:$0x1];
	p0 =	sne.s32 s2, $0x0  }
0x160: {  	s3 =	rddreg [dreg:$0x2];
	[bflag:$0x3] =	sbarrier.arrive $0xFFFF;
	s2 =	simm.s32 @!p0 $0x1C02  }
0x161: {  	[timem:s3], [sflag:s2] =	dma.local @!p0 [hbm:s0], s1  }
0x162: {  	s0 =	simm.s32 @!p0 $0x2  }
0x163: {  	_ =	swait.ge @!p0 [sflag:s0], s1  }
0x164: {  	s1 =	ssub.s32 @!p0 $0x0, s1;
	[sflag:s0] =	ssyncset.done @!p0 $0x0  }
0x165: {  	[sflag:s0] =	ssyncadd.s32 @!p0 s1  }
0x166: {  	[bflag:$0x3] =	sbarrier.arrive $0xFFFF  }
0x167: {  	_ =	shalt  }

</sc_bundles>
